<compile_context>
chip_gen: v7x
topology: tpu7x:2x2x1
jax: 0.10.2.dev20260603
libtpu: 0.0.44.dev20260713+nightly
codegen_flags: <defaults>
</compile_context>

<pallas_src>
import functools

import jax
import jax.numpy as jnp
from jax import lax
from jax.experimental import pallas as pl
from jax.experimental.pallas import tpu as pltpu
from jax.experimental.pallas import tpu_sc as plsc

N = 10000
E = 320000
D = 128
B = 4096
NC = 2
NS = 16
NW = NC * NS
EPT = E // NW
K = 80
CH = EPT // K
CH1 = (CH + 1) // 2
BPT = B // NW

_mesh = plsc.VectorSubcoreMesh(core_axis_name="c", subcore_axis_name="s")


def _per_tile_rows(s, body):
    @pl.when(s < NS - 1)
    def _():
        body(s * 624, 624)

    @pl.when(s == NS - 1)
    def _():
        body(624 * (NS - 1), 640)


_EB = 4000


def _tc_deg_body(d_ref, hist_ref):
    step = pl.program_id(0)
    d8 = d_ref[...]
    h = jnp.zeros((80, D), jnp.float32)
    for r8 in range(8):
        dr = lax.slice(d8, (r8, 0), (r8 + 1, _EB))
        u = ((dr >> 7) == lax.broadcasted_iota(jnp.int32, (80, 1), 0)
             ).astype(jnp.bfloat16)
        v = ((dr & 127) == lax.broadcasted_iota(jnp.int32, (D, 1), 0)
             ).astype(jnp.bfloat16)
        h = h + lax.dot_general(u, v, (((1,), (1,)), ((), ())),
                                preferred_element_type=jnp.float32)

    @pl.when(step == 0)
    def _():
        hist_ref[...] = h

    @pl.when(step > 0)
    def _():
        hist_ref[...] += h


_tc_deg = pl.pallas_call(
    _tc_deg_body,
    grid=(E // (8 * _EB),),
    in_specs=[pl.BlockSpec((8, _EB), lambda k: (k, 0))],
    out_specs=pl.BlockSpec((80, D), lambda k: (0, 0)),
    out_shape=jax.ShapeDtypeStruct((80, D), jnp.float32),
)


@functools.partial(
    pl.kernel,
    out_type=jax.ShapeDtypeStruct((NC, N, D), jnp.float32),
    mesh=_mesh,
    scratch_types=[
        pltpu.VMEM_SHARED((N, D), jnp.float32),
        pltpu.VMEM((2, 1, K), jnp.int32),
        pltpu.VMEM((2, 1, K), jnp.int32),
        pltpu.VMEM((2, 1, K), jnp.int32),
        pltpu.VMEM((2, 1, K), jnp.int32),
        pltpu.VMEM((K, D), jnp.float32),
        pltpu.VMEM((K, D), jnp.float32),
        pltpu.SemaphoreType.DMA,
        pltpu.SemaphoreType.DMA,
        pltpu.SemaphoreType.DMA,
        pltpu.SemaphoreType.DMA,
        pltpu.SemaphoreType.DMA,
        pltpu.SemaphoreType.DMA,
        pltpu.SemaphoreType.DMA,
        pltpu.SemaphoreType.DMA,
    ],
)
def _sc_scatter_full(src1d, dst1d, hp, z128,
                     accp_out,
                     acc_sh, ring_a, ring_b, ring_da, ring_db, rows_a, rows_b,
                     sem_a, sem_b, sem_ia, sem_ib, sem_da, sem_db,
                     sem_sa, sem_sb):
    c = lax.axis_index("c")
    s = lax.axis_index("s")
    wid = c * NS + s
    base = wid * EPT

    @pl.when(c == 0)
    def _():
        _per_tile_rows(s, lambda o, n: pltpu.sync_copy(
            hp.at[pl.ds(o, n)], acc_sh.at[pl.ds(o, n)]))

    @pl.when(c == 1)
    def _():
        _per_tile_rows(s, lambda o, n: pltpu.sync_copy(
            z128.at[pl.ds(o, n)], acc_sh.at[pl.ds(o, n)]))

    plsc.subcore_barrier()

    NP = (CH + 1) // 2
    pltpu.async_copy(src1d.at[pl.ds(base, K)], ring_a.at[0, 0], sem_ia)
    pltpu.async_copy(src1d.at[pl.ds(base + K, K)], ring_b.at[0, 0], sem_ib)
    pltpu.async_copy(dst1d.at[pl.ds(base, K)], ring_da.at[0, 0], sem_da)
    pltpu.async_copy(dst1d.at[pl.ds(base + K, K)], ring_db.at[0, 0], sem_db)
    pltpu.make_async_copy(src1d.at[pl.ds(base, K)], ring_a.at[0, 0],
                          sem_ia).wait()
    pltpu.async_copy(hp.at[ring_a.at[0, 0]], rows_a, sem_a)

    @pl.loop(0, NP)
    def _(p):
        par = p & 1
        a = 2 * p
        b = a + 1
        pltpu.make_async_copy(hp.at[ring_a.at[par, 0]], rows_a, sem_a).wait()
        pltpu.make_async_copy(dst1d.at[pl.ds(base, K)], ring_da.at[par, 0],
                              sem_da).wait()
        pltpu.async_copy(rows_a, acc_sh.at[ring_da.at[par, 0]], sem_sa,
                         add=True)

        @pl.when(a + 2 < CH)
        def _():
            pltpu.async_copy(src1d.at[pl.ds(base + (a + 2) * K, K)],
                             ring_a.at[1 - par, 0], sem_ia)
            pltpu.async_copy(dst1d.at[pl.ds(base + (a + 2) * K, K)],
                             ring_da.at[1 - par, 0], sem_da)

        @pl.when(a + 3 < CH)
        def _():
            pltpu.async_copy(src1d.at[pl.ds(base + (a + 3) * K, K)],
                             ring_b.at[1 - par, 0], sem_ib)

        @pl.when(p > 0)
        def _():
            pltpu.make_async_copy(rows_b, acc_sh.at[ring_db.at[par, 0]],
                                  sem_sb).wait()

        @pl.when(a + 3 < CH)
        def _():
            pltpu.async_copy(dst1d.at[pl.ds(base + (a + 3) * K, K)],
                             ring_db.at[1 - par, 0], sem_db)

        @pl.when(b < CH)
        def _():
            pltpu.make_async_copy(src1d.at[pl.ds(base + K, K)],
                                  ring_b.at[par, 0], sem_ib).wait()
            pltpu.async_copy(hp.at[ring_b.at[par, 0]], rows_b, sem_b)
            pltpu.make_async_copy(hp.at[ring_b.at[par, 0]], rows_b, sem_b).wait()
            pltpu.make_async_copy(dst1d.at[pl.ds(base + K, K)],
                                  ring_db.at[par, 0], sem_db).wait()
            pltpu.async_copy(rows_b, acc_sh.at[ring_db.at[par, 0]], sem_sb,
                             add=True)

        @pl.when(a + 2 < CH)
        def _():
            pltpu.make_async_copy(rows_a, acc_sh.at[ring_da.at[par, 0]],
                                  sem_sa).wait()
            pltpu.make_async_copy(src1d.at[pl.ds(base, K)], ring_a.at[par, 0],
                                  sem_ia).wait()
            pltpu.async_copy(hp.at[ring_a.at[1 - par, 0]], rows_a, sem_a)

    pltpu.make_async_copy(rows_a, acc_sh.at[ring_da.at[0, 0]], sem_sa).wait()

    plsc.subcore_barrier()
    _per_tile_rows(s, lambda o, n: pltpu.sync_copy(
        acc_sh.at[pl.ds(o, n)], accp_out.at[c, pl.ds(o, n)]))


@functools.partial(
    pl.kernel,
    out_type=(
        jax.ShapeDtypeStruct((NC, B, D), jnp.float32),
        jax.ShapeDtypeStruct((B, D), jnp.float32),
        jax.ShapeDtypeStruct((B, D), jnp.float32),
    ),
    mesh=_mesh,
    scratch_types=[
        pltpu.VMEM((BPT,), jnp.int32),
        pltpu.VMEM((BPT // 4, D), jnp.float32),
        pltpu.SemaphoreType.DMA,
    ],
)
def _sc_gather_items(a0, a1, dis, users_w, i2d, u2d,
                     g_out, disi_out, urows_out,
                     iidx_v, irow_v, sem):
    c = lax.axis_index("c")
    s = lax.axis_index("s")
    wid = c * NS + s
    hb = BPT // 4
    pltpu.sync_copy(i2d.at[wid], iidx_v)
    for h in range(4):
        idx = iidx_v.at[pl.ds(h * hb, hb)]
        o = wid * BPT + h * hb
        pltpu.async_copy(a0.at[idx], irow_v, sem).wait()
        pltpu.sync_copy(irow_v, g_out.at[0, pl.ds(o, hb)])
        pltpu.async_copy(a1.at[idx], irow_v, sem).wait()
        pltpu.sync_copy(irow_v, g_out.at[1, pl.ds(o, hb)])
        pltpu.async_copy(dis.at[idx], irow_v, sem).wait()
        pltpu.sync_copy(irow_v, disi_out.at[pl.ds(o, hb)])
    pltpu.sync_copy(u2d.at[wid], iidx_v)
    for h in range(4):
        idx = iidx_v.at[pl.ds(h * hb, hb)]
        o = wid * BPT + h * hb
        pltpu.async_copy(users_w.at[idx], irow_v, sem).wait()
        pltpu.sync_copy(irow_v, urows_out.at[pl.ds(o, hb)])


_ROWS_B = 1000


def _tc_b_body(ent, w1, d0, h1p_out, dis_out):
    x = ent[...]
    n = jnp.sqrt(jnp.sum(x * x, axis=1, keepdims=True))
    x0 = x * jnp.minimum(1.0, 1.0 / (n + 1e-7))
    deg = d0[...] + 1.0
    dis = lax.rsqrt(deg)
    h1 = jnp.dot(x0, w1[...], preferred_element_type=jnp.float32)
    h1p_out[...] = h1 * dis
    dis_out[...] = jnp.broadcast_to(dis, (_ROWS_B, D))


_tc_b = pl.pallas_call(
    _tc_b_body,
    grid=(N // _ROWS_B,),
    in_specs=[
        pl.BlockSpec((_ROWS_B, D), lambda i: (i, 0)),
        pl.BlockSpec((D, D), lambda i: (0, 0)),
        pl.BlockSpec((_ROWS_B, 1), lambda i: (i, 0)),
    ],
    out_specs=(
        pl.BlockSpec((_ROWS_B, D), lambda i: (i, 0)),
        pl.BlockSpec((_ROWS_B, D), lambda i: (i, 0)),
    ),
    out_shape=(
        jax.ShapeDtypeStruct((N, D), jnp.float32),
        jax.ShapeDtypeStruct((N, D), jnp.float32),
    ),
)


def _tc_d_body(a0, a1, dis, b1, w2, h2p_out):
    x1 = jnp.maximum(dis[...] * (a0[...] + a1[...]) + b1[...], 0.0)
    h2 = jnp.dot(x1, w2[...], preferred_element_type=jnp.float32)
    h2p_out[...] = h2 * dis[...]


_tc_d = pl.pallas_call(
    _tc_d_body,
    grid=(N // _ROWS_B,),
    in_specs=[
        pl.BlockSpec((_ROWS_B, D), lambda i: (i, 0)),
        pl.BlockSpec((_ROWS_B, D), lambda i: (i, 0)),
        pl.BlockSpec((_ROWS_B, D), lambda i: (i, 0)),
        pl.BlockSpec((1, D), lambda i: (0, 0)),
        pl.BlockSpec((D, D), lambda i: (0, 0)),
    ],
    out_specs=pl.BlockSpec((_ROWS_B, D), lambda i: (i, 0)),
    out_shape=jax.ShapeDtypeStruct((N, D), jnp.float32),
)


_ROWS_F = 512


def _tc_f_body(ur, g0, g1, disi, b2, out):
    x = ur[...]
    n = jnp.sqrt(jnp.sum(x * x, axis=1, keepdims=True))
    un = x * jnp.minimum(1.0, 1.0 / (n + 1e-7))
    items = disi[...] * (g0[...] + g1[...]) + b2[...]
    uv = jnp.sum(un * items, axis=1, keepdims=True)
    out[...] = jax.nn.sigmoid(uv)


_tc_f = pl.pallas_call(
    _tc_f_body,
    grid=(B // _ROWS_F,),
    in_specs=[
        pl.BlockSpec((_ROWS_F, D), lambda i: (i, 0)),
        pl.BlockSpec((_ROWS_F, D), lambda i: (i, 0)),
        pl.BlockSpec((_ROWS_F, D), lambda i: (i, 0)),
        pl.BlockSpec((_ROWS_F, D), lambda i: (i, 0)),
        pl.BlockSpec((1, D), lambda i: (0, 0)),
    ],
    out_specs=pl.BlockSpec((_ROWS_F, 1), lambda i: (i, 0)),
    out_shape=jax.ShapeDtypeStruct((B, 1), jnp.float32),
)


def kernel(u, i, edges, entitys_w, users_w, W1, b1, W2, b2):
    u = u.astype(jnp.int32)
    i = i.astype(jnp.int32)
    edges = edges.astype(jnp.int32)
    src1d = edges[0]
    dst1d = edges[1]
    u2d = u.reshape(NW, BPT)
    i2d = i.reshape(NW, BPT)
    z128 = jnp.zeros((N, D), jnp.float32)

    hist = _tc_deg(edges[1].reshape(E // _EB, _EB))
    deg_col = hist.reshape(80 * D)[:N].reshape(N, 1)
    h1p, dis = _tc_b(entitys_w, W1, deg_col)
    accp = _sc_scatter_full(src1d, dst1d, h1p, z128)
    h2p = _tc_d(accp[0], accp[1], dis, b1.reshape(1, D), W2)
    accp2 = _sc_scatter_full(src1d, dst1d, h2p, z128)
    g, disi, urows = _sc_gather_items(accp2[0], accp2[1], dis, users_w, i2d, u2d)
    logit = _tc_f(urows, g[0], g[1], disi, b2.reshape(1, D))
    return logit.reshape(B)

# --- scband reference (transcript-rebuilt; emitter-appended) ---
"""Pipeline reference for scband-gcn4-rec-13142599925973 (READ-ONLY COPY).

The authoritative reference and input builder live on the scoring server;
editing this copy changes nothing except your own understanding.
"""

import jax, jax.numpy as jnp
import numpy as np

N_USERS = 100000
N_ENTITYS = 10000
DIM = 128
HIDDEN = 128
N_EDGES = 320000
BATCH = 4096


def _max_norm_rows(w, max_norm=1.0, eps=1e-7):
    # emulate nn.Embedding(max_norm=1): rows are renormalized to norm <= 1
    n = jnp.linalg.norm(w, axis=1, keepdims=True)
    return w * jnp.minimum(1.0, max_norm / (n + eps))


def _gcn_conv(x, edge_index, W, b, n_nodes):
    # PyG-style GCNConv: x' = D^{-1/2} (A + I) D^{-1/2} (x W) + b
    h = x @ W
    src = edge_index[0]
    dst = edge_index[1]
    loop = jnp.arange(n_nodes, dtype=src.dtype)
    src = jnp.concatenate([src, loop])
    dst = jnp.concatenate([dst, loop])
    ones = jnp.ones(src.shape[0], dtype=h.dtype)
    deg = jax.ops.segment_sum(ones, dst, num_segments=n_nodes)
    deg_inv_sqrt = jnp.where(deg > 0, deg ** -0.5, 0.0)
    norm = deg_inv_sqrt[src] * deg_inv_sqrt[dst]
    msg = h[src] * norm[:, None]
    out = jax.ops.segment_sum(msg, dst, num_segments=n_nodes)
    return out + b


def setup_inputs(seed: int = 0) -> dict:
    key = jax.random.key(seed)
    ks = jax.random.split(key, 8)
    u = jax.random.randint(ks[0], (BATCH,), 0, N_USERS, dtype=jnp.int64 if jax.config.jax_enable_x64 else jnp.int32)
    i = jax.random.randint(ks[1], (BATCH,), 0, N_ENTITYS, dtype=u.dtype)
    edges = jax.random.randint(ks[2], (2, N_EDGES), 0, N_ENTITYS, dtype=u.dtype)
    entitys_w = jax.random.normal(ks[3], (N_ENTITYS, DIM), dtype=jnp.float32) * 0.05
    users_w = jax.random.normal(ks[4], (N_USERS, DIM), dtype=jnp.float32) * 0.05
    W1 = jax.random.normal(ks[5], (DIM, HIDDEN), dtype=jnp.float32) * (1.0 / np.sqrt(DIM))
    b1 = jnp.zeros((HIDDEN,), dtype=jnp.float32)
    W2 = jax.random.normal(ks[6], (HIDDEN, DIM), dtype=jnp.float32) * (1.0 / np.sqrt(HIDDEN))
    b2 = jnp.zeros((DIM,), dtype=jnp.float32)
    return {"u": u, "i": i, "edges": edges, "entitys_w": entitys_w, "users_w": users_w,
            "W1": W1, "b1": b1, "W2": W2, "b2": b2}


def reference(u, i, edges, entitys_w, users_w, W1, b1, W2, b2):
    # gnnForward: embed all entities, two GCN layers, gather item rows
    x = _max_norm_rows(entitys_w)
    x = _gcn_conv(x, edges, W1, b1, N_ENTITYS)
    x = jax.nn.relu(x)
    # F.dropout omitted for determinism (identity at eval)
    x = _gcn_conv(x, edges, W2, b2, N_ENTITYS)
    items = x[i]
    users = _max_norm_rows(users_w)[u]
    uv = jnp.sum(users * items, axis=1)
    logit = jax.nn.sigmoid(uv)
    return logit

if __name__ == "__main__":
    import jax
    _d = setup_inputs()
    print(jax.jit(kernel)(*tuple(_d.values())))

</pallas_src>

<mosaic_0001>
#map = affine_map<(d0, d1) -> (0, 0)>
#map1 = affine_map<(d0, d1) -> (0, 0, 0)>
module attributes {stable_mosaic.version = 14 : i64} {
  func.func @_sc_gather_items(%arg0: i32, %arg1: i32, %arg2: memref<10000x128xf32, #tpu.memory_space<hbm>>, %arg3: memref<10000x128xf32, #tpu.memory_space<hbm>>, %arg4: memref<10000x128xf32, #tpu.memory_space<hbm>>, %arg5: memref<100000x128xf32, #tpu.memory_space<hbm>>, %arg6: memref<32x128xi32, #tpu.memory_space<hbm>>, %arg7: memref<32x128xi32, #tpu.memory_space<hbm>>, %arg8: memref<2x4096x128xf32, #tpu.memory_space<hbm>>, %arg9: memref<4096x128xf32, #tpu.memory_space<hbm>>, %arg10: memref<4096x128xf32, #tpu.memory_space<hbm>>, %arg11: memref<128xi32, #tpu.memory_space<vmem>>, %arg12: memref<32x128xf32, #tpu.memory_space<vmem>>, %arg13: memref<!tpu.dma_semaphore, #tpu.memory_space<semaphore_mem>>) attributes {dimension_semantics = [#tpu.dimension_semantics<core_parallel>, #tpu.dimension_semantics<subcore_parallel>], iteration_bounds = array<i64: 2, 16>, scalar_prefetch = 0 : i64, scratch_operands = 3 : i64, tpu.core_type = #tpu.core_type<sc_vector_subcore>, window_params = [{transform_indices = #map}, {transform_indices = #map}, {transform_indices = #map}, {transform_indices = #map}, {transform_indices = #map}, {transform_indices = #map}, {transform_indices = #map1}, {transform_indices = #map}, {transform_indices = #map}]} {
    %mul3A = arith.constant 16 : i32
    %mul3A_0 = arith.muli %arg0, %mul3A : i32
    %add3A = arith.addi %mul3A_0, %arg1 : i32
    "tpu.region"() ({
      %run_scoped3A_198 = tpu.sem_alloc : memref<!tpu.dma_semaphore, #tpu.memory_space<semaphore_mem>>
      %dma_start3A_199 = arith.constant 0 : i32
      %dma_start3A_200 = tpu.memref_slice %arg6[%add3A, %dma_start3A_199] : memref<32x128xi32, #tpu.memory_space<hbm>> -> memref<1x128xi32, #tpu.memory_space<hbm>>
      %dma_start3A_201 = tpu.memref_squeeze %dma_start3A_200 : memref<1x128xi32, #tpu.memory_space<hbm>> -> memref<128xi32, #tpu.memory_space<hbm>>
      %dma_start3A_202 = arith.constant 0 : i32
      %dma_start3A_203 = tpu.memref_slice %arg6[%add3A, %dma_start3A_202] : memref<32x128xi32, #tpu.memory_space<hbm>> -> memref<1x128xi32, #tpu.memory_space<hbm>>
      %dma_start3A_204 = tpu.memref_squeeze %dma_start3A_203 : memref<1x128xi32, #tpu.memory_space<hbm>> -> memref<128xi32, #tpu.memory_space<hbm>>
      tpu.enqueue_dma source(%dma_start3A_204 : memref<128xi32, #tpu.memory_space<hbm>>) target(%arg11 : memref<128xi32, #tpu.memory_space<vmem>>) target_semaphore(%run_scoped3A_198 : memref<!tpu.dma_semaphore, #tpu.memory_space<semaphore_mem>>)
      %dma_wait3A_205 = arith.constant 0 : i32
      %dma_wait3A_206 = tpu.memref_slice %arg6[%add3A, %dma_wait3A_205] : memref<32x128xi32, #tpu.memory_space<hbm>> -> memref<1x128xi32, #tpu.memory_space<hbm>>
      %dma_wait3A_207 = tpu.memref_squeeze %dma_wait3A_206 : memref<1x128xi32, #tpu.memory_space<hbm>> -> memref<128xi32, #tpu.memory_space<hbm>>
      %dma_wait3A_208 = arith.constant 0 : i32
      %dma_wait3A_209 = tpu.memref_slice %arg6[%add3A, %dma_wait3A_208] : memref<32x128xi32, #tpu.memory_space<hbm>> -> memref<1x128xi32, #tpu.memory_space<hbm>>
      %dma_wait3A_210 = tpu.memref_squeeze %dma_wait3A_209 : memref<1x128xi32, #tpu.memory_space<hbm>> -> memref<128xi32, #tpu.memory_space<hbm>>
      tpu.wait_dma2 semaphore(%run_scoped3A_198 : memref<!tpu.dma_semaphore, #tpu.memory_space<semaphore_mem>>) src(%dma_wait3A_210 : memref<128xi32, #tpu.memory_space<hbm>>) dst(%arg11 : memref<128xi32, #tpu.memory_space<vmem>>)
      tpu.yield
    }) : () -> ()
    %mul3A_1 = arith.constant 128 : i32
    %mul3A_2 = arith.muli %add3A, %mul3A_1 : i32
    %add3A_3 = arith.constant 0 : i32
    %add3A_4 = arith.addi %mul3A_2, %add3A_3 : i32
    %dma_start3A = arith.constant 0 : i32
    %dma_start3A_5 = tpu.memref_slice %arg11[%dma_start3A] : memref<128xi32, #tpu.memory_space<vmem>> -> memref<32xi32, #tpu.memory_space<vmem>>
    %dma_start3A_6 = arith.constant 0 : i32
    %dma_start3A_7 = arith.constant 0 : i32
    %dma_start3A_8 = tpu.memref_slice %arg2[%dma_start3A_6, %dma_start3A_7] : memref<10000x128xf32, #tpu.memory_space<hbm>> -> memref<10000x128xf32, #tpu.memory_space<hbm>>
    tpu.enqueue_indirect_dma source(%dma_start3A_8 : memref<10000x128xf32, #tpu.memory_space<hbm>>) target(%arg12 : memref<32x128xf32, #tpu.memory_space<vmem>>) offsets(%dma_start3A_5 : memref<32xi32, #tpu.memory_space<vmem>>) semaphore(%arg13 : memref<!tpu.dma_semaphore, #tpu.memory_space<semaphore_mem>>)
    %dma_wait3A = arith.constant 0 : i32
    %dma_wait3A_9 = tpu.memref_slice %arg11[%dma_wait3A] : memref<128xi32, #tpu.memory_space<vmem>> -> memref<32xi32, #tpu.memory_space<vmem>>
    %dma_wait3A_10 = arith.constant 0 : i32
    %dma_wait3A_11 = arith.constant 0 : i32
    %dma_wait3A_12 = tpu.memref_slice %arg2[%dma_wait3A_10, %dma_wait3A_11] : memref<10000x128xf32, #tpu.memory_space<hbm>> -> memref<10000x128xf32, #tpu.memory_space<hbm>>
    tpu.wait_indirect_dma semaphore(%arg13 : memref<!tpu.dma_semaphore, #tpu.memory_space<semaphore_mem>>) src(%dma_wait3A_12 : memref<10000x128xf32, #tpu.memory_space<hbm>>) dst(%arg12 : memref<32x128xf32, #tpu.memory_space<vmem>>)
    %run_scoped3A = arith.constant 0 : i32
    "tpu.region"() ({
      %run_scoped3A_198 = tpu.sem_alloc : memref<!tpu.dma_semaphore, #tpu.memory_space<semaphore_mem>>
      %dma_start3A_199 = arith.constant 0 : i32
      %dma_start3A_200 = tpu.memref_slice %arg8[%run_scoped3A, %add3A_4, %dma_start3A_199] : memref<2x4096x128xf32, #tpu.memory_space<hbm>> -> memref<1x32x128xf32, #tpu.memory_space<hbm>>
      %dma_start3A_201 = tpu.memref_squeeze %dma_start3A_200 : memref<1x32x128xf32, #tpu.memory_space<hbm>> -> memref<32x128xf32, #tpu.memory_space<hbm>>
      %dma_start3A_202 = arith.constant 0 : i32
      %dma_start3A_203 = tpu.memref_slice %arg8[%run_scoped3A, %add3A_4, %dma_start3A_202] : memref<2x4096x128xf32, #tpu.memory_space<hbm>> -> memref<1x32x128xf32, #tpu.memory_space<hbm>>
      %dma_start3A_204 = tpu.memref_squeeze %dma_start3A_203 : memref<1x32x128xf32, #tpu.memory_space<hbm>> -> memref<32x128xf32, #tpu.memory_space<hbm>>
      tpu.enqueue_dma source(%arg12 : memref<32x128xf32, #tpu.memory_space<vmem>>) target(%dma_start3A_204 : memref<32x128xf32, #tpu.memory_space<hbm>>) target_semaphore(%run_scoped3A_198 : memref<!tpu.dma_semaphore, #tpu.memory_space<semaphore_mem>>)
      %dma_wait3A_205 = arith.constant 0 : i32
      %dma_wait3A_206 = tpu.memref_slice %arg8[%run_scoped3A, %add3A_4, %dma_wait3A_205] : memref<2x4096x128xf32, #tpu.memory_space<hbm>> -> memref<1x32x128xf32, #tpu.memory_space<hbm>>
      %dma_wait3A_207 = tpu.memref_squeeze %dma_wait3A_206 : memref<1x32x128xf32, #tpu.memory_space<hbm>> -> memref<32x128xf32, #tpu.memory_space<hbm>>
      %dma_wait3A_208 = arith.constant 0 : i32
      %dma_wait3A_209 = tpu.memref_slice %arg8[%run_scoped3A, %add3A_4, %dma_wait3A_208] : memref<2x4096x128xf32, #tpu.memory_space<hbm>> -> memref<1x32x128xf32, #tpu.memory_space<hbm>>
      %dma_wait3A_210 = tpu.memref_squeeze %dma_wait3A_209 : memref<1x32x128xf32, #tpu.memory_space<hbm>> -> memref<32x128xf32, #tpu.memory_space<hbm>>
      tpu.wait_dma2 semaphore(%run_scoped3A_198 : memref<!tpu.dma_semaphore, #tpu.memory_space<semaphore_mem>>) src(%arg12 : memref<32x128xf32, #tpu.memory_space<vmem>>) dst(%dma_wait3A_210 : memref<32x128xf32, #tpu.memory_space<hbm>>)
      tpu.yield
    }) : () -> ()
    %dma_start3A_13 = arith.constant 0 : i32
    %dma_start3A_14 = tpu.memref_slice %arg11[%dma_start3A_13] : memref<128xi32, #tpu.memory_space<vmem>> -> memref<32xi32, #tpu.memory_space<vmem>>
    %dma_start3A_15 = arith.constant 0 : i32
    %dma_start3A_16 = arith.constant 0 : i32
    %dma_start3A_17 = tpu.memref_slice %arg3[%dma_start3A_15, %dma_start3A_16] : memref<10000x128xf32, #tpu.memory_space<hbm>> -> memref<10000x128xf32, #tpu.memory_space<hbm>>
    tpu.enqueue_indirect_dma source(%dma_start3A_17 : memref<10000x128xf32, #tpu.memory_space<hbm>>) target(%arg12 : memref<32x128xf32, #tpu.memory_space<vmem>>) offsets(%dma_start3A_14 : memref<32xi32, #tpu.memory_space<vmem>>) semaphore(%arg13 : memref<!tpu.dma_semaphore, #tpu.memory_space<semaphore_mem>>)
    %dma_wait3A_18 = arith.constant 0 : i32
    %dma_wait3A_19 = tpu.memref_slice %arg11[%dma_wait3A_18] : memref<128xi32, #tpu.memory_space<vmem>> -> memref<32xi32, #tpu.memory_space<vmem>>
    %dma_wait3A_20 = arith.constant 0 : i32
    %dma_wait3A_21 = arith.constant 0 : i32
    %dma_wait3A_22 = tpu.memref_slice %arg3[%dma_wait3A_20, %dma_wait3A_21] : memref<10000x128xf32, #tpu.memory_space<hbm>> -> memref<10000x128xf32, #tpu.memory_space<hbm>>
    tpu.wait_indirect_dma semaphore(%arg13 : memref<!tpu.dma_semaphore, #tpu.memory_space<semaphore_mem>>) src(%dma_wait3A_22 : memref<10000x128xf32, #tpu.memory_space<hbm>>) dst(%arg12 : memref<32x128xf32, #tpu.memory_space<vmem>>)
    %run_scoped3A_23 = arith.constant 1 : i32
    "tpu.region"() ({
      %run_scoped3A_198 = tpu.sem_alloc : memref<!tpu.dma_semaphore, #tpu.memory_space<semaphore_mem>>
      %dma_start3A_199 = arith.constant 0 : i32
      %dma_start3A_200 = tpu.memref_slice %arg8[%run_scoped3A_23, %add3A_4, %dma_start3A_199] : memref<2x4096x128xf32, #tpu.memory_space<hbm>> -> memref<1x32x128xf32, #tpu.memory_space<hbm>>
      %dma_start3A_201 = tpu.memref_squeeze %dma_start3A_200 : memref<1x32x128xf32, #tpu.memory_space<hbm>> -> memref<32x128xf32, #tpu.memory_space<hbm>>
      %dma_start3A_202 = arith.constant 0 : i32
      %dma_start3A_203 = tpu.memref_slice %arg8[%run_scoped3A_23, %add3A_4, %dma_start3A_202] : memref<2x4096x128xf32, #tpu.memory_space<hbm>> -> memref<1x32x128xf32, #tpu.memory_space<hbm>>
      %dma_start3A_204 = tpu.memref_squeeze %dma_start3A_203 : memref<1x32x128xf32, #tpu.memory_space<hbm>> -> memref<32x128xf32, #tpu.memory_space<hbm>>
      tpu.enqueue_dma source(%arg12 : memref<32x128xf32, #tpu.memory_space<vmem>>) target(%dma_start3A_204 : memref<32x128xf32, #tpu.memory_space<hbm>>) target_semaphore(%run_scoped3A_198 : memref<!tpu.dma_semaphore, #tpu.memory_space<semaphore_mem>>)
      %dma_wait3A_205 = arith.constant 0 : i32
      %dma_wait3A_206 = tpu.memref_slice %arg8[%run_scoped3A_23, %add3A_4, %dma_wait3A_205] : memref<2x4096x128xf32, #tpu.memory_space<hbm>> -> memref<1x32x128xf32, #tpu.memory_space<hbm>>
      %dma_wait3A_207 = tpu.memref_squeeze %dma_wait3A_206 : memref<1x32x128xf32, #tpu.memory_space<hbm>> -> memref<32x128xf32, #tpu.memory_space<hbm>>
      %dma_wait3A_208 = arith.constant 0 : i32
      %dma_wait3A_209 = tpu.memref_slice %arg8[%run_scoped3A_23, %add3A_4, %dma_wait3A_208] : memref<2x4096x128xf32, #tpu.memory_space<hbm>> -> memref<1x32x128xf32, #tpu.memory_space<hbm>>
      %dma_wait3A_210 = tpu.memref_squeeze %dma_wait3A_209 : memref<1x32x128xf32, #tpu.memory_space<hbm>> -> memref<32x128xf32, #tpu.memory_space<hbm>>
      tpu.wait_dma2 semaphore(%run_scoped3A_198 : memref<!tpu.dma_semaphore, #tpu.memory_space<semaphore_mem>>) src(%arg12 : memref<32x128xf32, #tpu.memory_space<vmem>>) dst(%dma_wait3A_210 : memref<32x128xf32, #tpu.memory_space<hbm>>)
      tpu.yield
    }) : () -> ()
    %dma_start3A_24 = arith.constant 0 : i32
    %dma_start3A_25 = tpu.memref_slice %arg11[%dma_start3A_24] : memref<128xi32, #tpu.memory_space<vmem>> -> memref<32xi32, #tpu.memory_space<vmem>>
    %dma_start3A_26 = arith.constant 0 : i32
    %dma_start3A_27 = arith.constant 0 : i32
    %dma_start3A_28 = tpu.memref_slice %arg4[%dma_start3A_26, %dma_start3A_27] : memref<10000x128xf32, #tpu.memory_space<hbm>> -> memref<10000x128xf32, #tpu.memory_space<hbm>>
    tpu.enqueue_indirect_dma source(%dma_start3A_28 : memref<10000x128xf32, #tpu.memory_space<hbm>>) target(%arg12 : memref<32x128xf32, #tpu.memory_space<vmem>>) offsets(%dma_start3A_25 : memref<32xi32, #tpu.memory_space<vmem>>) semaphore(%arg13 : memref<!tpu.dma_semaphore, #tpu.memory_space<semaphore_mem>>)
    %dma_wait3A_29 = arith.constant 0 : i32
    %dma_wait3A_30 = tpu.memref_slice %arg11[%dma_wait3A_29] : memref<128xi32, #tpu.memory_space<vmem>> -> memref<32xi32, #tpu.memory_space<vmem>>
    %dma_wait3A_31 = arith.constant 0 : i32
    %dma_wait3A_32 = arith.constant 0 : i32
    %dma_wait3A_33 = tpu.memref_slice %arg4[%dma_wait3A_31, %dma_wait3A_32] : memref<10000x128xf32, #tpu.memory_space<hbm>> -> memref<10000x128xf32, #tpu.memory_space<hbm>>
    tpu.wait_indirect_dma semaphore(%arg13 : memref<!tpu.dma_semaphore, #tpu.memory_space<semaphore_mem>>) src(%dma_wait3A_33 : memref<10000x128xf32, #tpu.memory_space<hbm>>) dst(%arg12 : memref<32x128xf32, #tpu.memory_space<vmem>>)
    "tpu.region"() ({
      %run_scoped3A_198 = tpu.sem_alloc : memref<!tpu.dma_semaphore, #tpu.memory_space<semaphore_mem>>
      %dma_start3A_199 = arith.constant 0 : i32
      %dma_start3A_200 = tpu.memref_slice %arg9[%add3A_4, %dma_start3A_199] : memref<4096x128xf32, #tpu.memory_space<hbm>> -> memref<32x128xf32, #tpu.memory_space<hbm>>
      %dma_start3A_201 = arith.constant 0 : i32
      %dma_start3A_202 = tpu.memref_slice %arg9[%add3A_4, %dma_start3A_201] : memref<4096x128xf32, #tpu.memory_space<hbm>> -> memref<32x128xf32, #tpu.memory_space<hbm>>
      tpu.enqueue_dma source(%arg12 : memref<32x128xf32, #tpu.memory_space<vmem>>) target(%dma_start3A_202 : memref<32x128xf32, #tpu.memory_space<hbm>>) target_semaphore(%run_scoped3A_198 : memref<!tpu.dma_semaphore, #tpu.memory_space<semaphore_mem>>)
      %dma_wait3A_203 = arith.constant 0 : i32
      %dma_wait3A_204 = tpu.memref_slice %arg9[%add3A_4, %dma_wait3A_203] : memref<4096x128xf32, #tpu.memory_space<hbm>> -> memref<32x128xf32, #tpu.memory_space<hbm>>
      %dma_wait3A_205 = arith.constant 0 : i32
      %dma_wait3A_206 = tpu.memref_slice %arg9[%add3A_4, %dma_wait3A_205] : memref<4096x128xf32, #tpu.memory_space<hbm>> -> memref<32x128xf32, #tpu.memory_space<hbm>>
      tpu.wait_dma2 semaphore(%run_scoped3A_198 : memref<!tpu.dma_semaphore, #tpu.memory_space<semaphore_mem>>) src(%arg12 : memref<32x128xf32, #tpu.memory_space<vmem>>) dst(%dma_wait3A_206 : memref<32x128xf32, #tpu.memory_space<hbm>>)
      tpu.yield
    }) : () -> ()
    %mul3A_34 = arith.constant 128 : i32
    %mul3A_35 = arith.muli %add3A, %mul3A_34 : i32
    %add3A_36 = arith.constant 32 : i32
    %add3A_37 = arith.addi %mul3A_35, %add3A_36 : i32
    %dma_start3A_38 = arith.constant 32 : i32
    %dma_start3A_39 = tpu.memref_slice %arg11[%dma_start3A_38] : memref<128xi32, #tpu.memory_space<vmem>> -> memref<32xi32, #tpu.memory_space<vmem>>
    %dma_start3A_40 = arith.constant 0 : i32
    %dma_start3A_41 = arith.constant 0 : i32
    %dma_start3A_42 = tpu.memref_slice %arg2[%dma_start3A_40, %dma_start3A_41] : memref<10000x128xf32, #tpu.memory_space<hbm>> -> memref<10000x128xf32, #tpu.memory_space<hbm>>
    tpu.enqueue_indirect_dma source(%dma_start3A_42 : memref<10000x128xf32, #tpu.memory_space<hbm>>) target(%arg12 : memref<32x128xf32, #tpu.memory_space<vmem>>) offsets(%dma_start3A_39 : memref<32xi32, #tpu.memory_space<vmem>>) semaphore(%arg13 : memref<!tpu.dma_semaphore, #tpu.memory_space<semaphore_mem>>)
    %dma_wait3A_43 = arith.constant 32 : i32
    %dma_wait3A_44 = tpu.memref_slice %arg11[%dma_wait3A_43] : memref<128xi32, #tpu.memory_space<vmem>> -> memref<32xi32, #tpu.memory_space<vmem>>
    %dma_wait3A_45 = arith.constant 0 : i32
    %dma_wait3A_46 = arith.constant 0 : i32
    %dma_wait3A_47 = tpu.memref_slice %arg2[%dma_wait3A_45, %dma_wait3A_46] : memref<10000x128xf32, #tpu.memory_space<hbm>> -> memref<10000x128xf32, #tpu.memory_space<hbm>>
    tpu.wait_indirect_dma semaphore(%arg13 : memref<!tpu.dma_semaphore, #tpu.memory_space<semaphore_mem>>) src(%dma_wait3A_47 : memref<10000x128xf32, #tpu.memory_space<hbm>>) dst(%arg12 : memref<32x128xf32, #tpu.memory_space<vmem>>)
    %run_scoped3A_48 = arith.constant 0 : i32
    "tpu.region"() ({
      %run_scoped3A_198 = tpu.sem_alloc : memref<!tpu.dma_semaphore, #tpu.memory_space<semaphore_mem>>
      %dma_start3A_199 = arith.constant 0 : i32
      %dma_start3A_200 = tpu.memref_slice %arg8[%run_scoped3A_48, %add3A_37, %dma_start3A_199] : memref<2x4096x128xf32, #tpu.memory_space<hbm>> -> memref<1x32x128xf32, #tpu.memory_space<hbm>>
      %dma_start3A_201 = tpu.memref_squeeze %dma_start3A_200 : memref<1x32x128xf32, #tpu.memory_space<hbm>> -> memref<32x128xf32, #tpu.memory_space<hbm>>
      %dma_start3A_202 = arith.constant 0 : i32
      %dma_start3A_203 = tpu.memref_slice %arg8[%run_scoped3A_48, %add3A_37, %dma_start3A_202] : memref<2x4096x128xf32, #tpu.memory_space<hbm>> -> memref<1x32x128xf32, #tpu.memory_space<hbm>>
      %dma_start3A_204 = tpu.memref_squeeze %dma_start3A_203 : memref<1x32x128xf32, #tpu.memory_space<hbm>> -> memref<32x128xf32, #tpu.memory_space<hbm>>
      tpu.enqueue_dma source(%arg12 : memref<32x128xf32, #tpu.memory_space<vmem>>) target(%dma_start3A_204 : memref<32x128xf32, #tpu.memory_space<hbm>>) target_semaphore(%run_scoped3A_198 : memref<!tpu.dma_semaphore, #tpu.memory_space<semaphore_mem>>)
      %dma_wait3A_205 = arith.constant 0 : i32
      %dma_wait3A_206 = tpu.memref_slice %arg8[%run_scoped3A_48, %add3A_37, %dma_wait3A_205] : memref<2x4096x128xf32, #tpu.memory_space<hbm>> -> memref<1x32x128xf32, #tpu.memory_space<hbm>>
      %dma_wait3A_207 = tpu.memref_squeeze %dma_wait3A_206 : memref<1x32x128xf32, #tpu.memory_space<hbm>> -> memref<32x128xf32, #tpu.memory_space<hbm>>
      %dma_wait3A_208 = arith.constant 0 : i32
      %dma_wait3A_209 = tpu.memref_slice %arg8[%run_scoped3A_48, %add3A_37, %dma_wait3A_208] : memref<2x4096x128xf32, #tpu.memory_space<hbm>> -> memref<1x32x128xf32, #tpu.memory_space<hbm>>
      %dma_wait3A_210 = tpu.memref_squeeze %dma_wait3A_209 : memref<1x32x128xf32, #tpu.memory_space<hbm>> -> memref<32x128xf32, #tpu.memory_space<hbm>>
      tpu.wait_dma2 semaphore(%run_scoped3A_198 : memref<!tpu.dma_semaphore, #tpu.memory_space<semaphore_mem>>) src(%arg12 : memref<32x128xf32, #tpu.memory_space<vmem>>) dst(%dma_wait3A_210 : memref<32x128xf32, #tpu.memory_space<hbm>>)
      tpu.yield
    }) : () -> ()
    %dma_start3A_49 = arith.constant 32 : i32
    %dma_start3A_50 = tpu.memref_slice %arg11[%dma_start3A_49] : memref<128xi32, #tpu.memory_space<vmem>> -> memref<32xi32, #tpu.memory_space<vmem>>
    %dma_start3A_51 = arith.constant 0 : i32
    %dma_start3A_52 = arith.constant 0 : i32
    %dma_start3A_53 = tpu.memref_slice %arg3[%dma_start3A_51, %dma_start3A_52] : memref<10000x128xf32, #tpu.memory_space<hbm>> -> memref<10000x128xf32, #tpu.memory_space<hbm>>
    tpu.enqueue_indirect_dma source(%dma_start3A_53 : memref<10000x128xf32, #tpu.memory_space<hbm>>) target(%arg12 : memref<32x128xf32, #tpu.memory_space<vmem>>) offsets(%dma_start3A_50 : memref<32xi32, #tpu.memory_space<vmem>>) semaphore(%arg13 : memref<!tpu.dma_semaphore, #tpu.memory_space<semaphore_mem>>)
    %dma_wait3A_54 = arith.constant 32 : i32
    %dma_wait3A_55 = tpu.memref_slice %arg11[%dma_wait3A_54] : memref<128xi32, #tpu.memory_space<vmem>> -> memref<32xi32, #tpu.memory_space<vmem>>
    %dma_wait3A_56 = arith.constant 0 : i32
    %dma_wait3A_57 = arith.constant 0 : i32
    %dma_wait3A_58 = tpu.memref_slice %arg3[%dma_wait3A_56, %dma_wait3A_57] : memref<10000x128xf32, #tpu.memory_space<hbm>> -> memref<10000x128xf32, #tpu.memory_space<hbm>>
    tpu.wait_indirect_dma semaphore(%arg13 : memref<!tpu.dma_semaphore, #tpu.memory_space<semaphore_mem>>) src(%dma_wait3A_58 : memref<10000x128xf32, #tpu.memory_space<hbm>>) dst(%arg12 : memref<32x128xf32, #tpu.memory_space<vmem>>)
    %run_scoped3A_59 = arith.constant 1 : i32
    "tpu.region"() ({
      %run_scoped3A_198 = tpu.sem_alloc : memref<!tpu.dma_semaphore, #tpu.memory_space<semaphore_mem>>
      %dma_start3A_199 = arith.constant 0 : i32
      %dma_start3A_200 = tpu.memref_slice %arg8[%run_scoped3A_59, %add3A_37, %dma_start3A_199] : memref<2x4096x128xf32, #tpu.memory_space<hbm>> -> memref<1x32x128xf32, #tpu.memory_space<hbm>>
      %dma_start3A_201 = tpu.memref_squeeze %dma_start3A_200 : memref<1x32x128xf32, #tpu.memory_space<hbm>> -> memref<32x128xf32, #tpu.memory_space<hbm>>
      %dma_start3A_202 = arith.constant 0 : i32
      %dma_start3A_203 = tpu.memref_slice %arg8[%run_scoped3A_59, %add3A_37, %dma_start3A_202] : memref<2x4096x128xf32, #tpu.memory_space<hbm>> -> memref<1x32x128xf32, #tpu.memory_space<hbm>>
      %dma_start3A_204 = tpu.memref_squeeze %dma_start3A_203 : memref<1x32x128xf32, #tpu.memory_space<hbm>> -> memref<32x128xf32, #tpu.memory_space<hbm>>
      tpu.enqueue_dma source(%arg12 : memref<32x128xf32, #tpu.memory_space<vmem>>) target(%dma_start3A_204 : memref<32x128xf32, #tpu.memory_space<hbm>>) target_semaphore(%run_scoped3A_198 : memref<!tpu.dma_semaphore, #tpu.memory_space<semaphore_mem>>)
      %dma_wait3A_205 = arith.constant 0 : i32
      %dma_wait3A_206 = tpu.memref_slice %arg8[%run_scoped3A_59, %add3A_37, %dma_wait3A_205] : memref<2x4096x128xf32, #tpu.memory_space<hbm>> -> memref<1x32x128xf32, #tpu.memory_space<hbm>>
      %dma_wait3A_207 = tpu.memref_squeeze %dma_wait3A_206 : memref<1x32x128xf32, #tpu.memory_space<hbm>> -> memref<32x128xf32, #tpu.memory_space<hbm>>
      %dma_wait3A_208 = arith.constant 0 : i32
      %dma_wait3A_209 = tpu.memref_slice %arg8[%run_scoped3A_59, %add3A_37, %dma_wait3A_208] : memref<2x4096x128xf32, #tpu.memory_space<hbm>> -> memref<1x32x128xf32, #tpu.memory_space<hbm>>
      %dma_wait3A_210 = tpu.memref_squeeze %dma_wait3A_209 : memref<1x32x128xf32, #tpu.memory_space<hbm>> -> memref<32x128xf32, #tpu.memory_space<hbm>>
      tpu.wait_dma2 semaphore(%run_scoped3A_198 : memref<!tpu.dma_semaphore, #tpu.memory_space<semaphore_mem>>) src(%arg12 : memref<32x128xf32, #tpu.memory_space<vmem>>) dst(%dma_wait3A_210 : memref<32x128xf32, #tpu.memory_space<hbm>>)
      tpu.yield
    }) : () -> ()
    %dma_start3A_60 = arith.constant 32 : i32
    %dma_start3A_61 = tpu.memref_slice %arg11[%dma_start3A_60] : memref<128xi32, #tpu.memory_space<vmem>> -> memref<32xi32, #tpu.memory_space<vmem>>
    %dma_start3A_62 = arith.constant 0 : i32
    %dma_start3A_63 = arith.constant 0 : i32
    %dma_start3A_64 = tpu.memref_slice %arg4[%dma_start3A_62, %dma_start3A_63] : memref<10000x128xf32, #tpu.memory_space<hbm>> -> memref<10000x128xf32, #tpu.memory_space<hbm>>
    tpu.enqueue_indirect_dma source(%dma_start3A_64 : memref<10000x128xf32, #tpu.memory_space<hbm>>) target(%arg12 : memref<32x128xf32, #tpu.memory_space<vmem>>) offsets(%dma_start3A_61 : memref<32xi32, #tpu.memory_space<vmem>>) semaphore(%arg13 : memref<!tpu.dma_semaphore, #tpu.memory_space<semaphore_mem>>)
    %dma_wait3A_65 = arith.constant 32 : i32
    %dma_wait3A_66 = tpu.memref_slice %arg11[%dma_wait3A_65] : memref<128xi32, #tpu.memory_space<vmem>> -> memref<32xi32, #tpu.memory_space<vmem>>
    %dma_wait3A_67 = arith.constant 0 : i32
    %dma_wait3A_68 = arith.constant 0 : i32
    %dma_wait3A_69 = tpu.memref_slice %arg4[%dma_wait3A_67, %dma_wait3A_68] : memref<10000x128xf32, #tpu.memory_space<hbm>> -> memref<10000x128xf32, #tpu.memory_space<hbm>>
    tpu.wait_indirect_dma semaphore(%arg13 : memref<!tpu.dma_semaphore, #tpu.memory_space<semaphore_mem>>) src(%dma_wait3A_69 : memref<10000x128xf32, #tpu.memory_space<hbm>>) dst(%arg12 : memref<32x128xf32, #tpu.memory_space<vmem>>)
    "tpu.region"() ({
      %run_scoped3A_198 = tpu.sem_alloc : memref<!tpu.dma_semaphore, #tpu.memory_space<semaphore_mem>>
      %dma_start3A_199 = arith.constant 0 : i32
      %dma_start3A_200 = tpu.memref_slice %arg9[%add3A_37, %dma_start3A_199] : memref<4096x128xf32, #tpu.memory_space<hbm>> -> memref<32x128xf32, #tpu.memory_space<hbm>>
      %dma_start3A_201 = arith.constant 0 : i32
      %dma_start3A_202 = tpu.memref_slice %arg9[%add3A_37, %dma_start3A_201] : memref<4096x128xf32, #tpu.memory_space<hbm>> -> memref<32x128xf32, #tpu.memory_space<hbm>>
      tpu.enqueue_dma source(%arg12 : memref<32x128xf32, #tpu.memory_space<vmem>>) target(%dma_start3A_202 : memref<32x128xf32, #tpu.memory_space<hbm>>) target_semaphore(%run_scoped3A_198 : memref<!tpu.dma_semaphore, #tpu.memory_space<semaphore_mem>>)
      %dma_wait3A_203 = arith.constant 0 : i32
      %dma_wait3A_204 = tpu.memref_slice %arg9[%add3A_37, %dma_wait3A_203] : memref<4096x128xf32, #tpu.memory_space<hbm>> -> memref<32x128xf32, #tpu.memory_space<hbm>>
      %dma_wait3A_205 = arith.constant 0 : i32
      %dma_wait3A_206 = tpu.memref_slice %arg9[%add3A_37, %dma_wait3A_205] : memref<4096x128xf32, #tpu.memory_space<hbm>> -> memref<32x128xf32, #tpu.memory_space<hbm>>
      tpu.wait_dma2 semaphore(%run_scoped3A_198 : memref<!tpu.dma_semaphore, #tpu.memory_space<semaphore_mem>>) src(%arg12 : memref<32x128xf32, #tpu.memory_space<vmem>>) dst(%dma_wait3A_206 : memref<32x128xf32, #tpu.memory_space<hbm>>)
      tpu.yield
    }) : () -> ()
    %mul3A_70 = arith.constant 128 : i32
    %mul3A_71 = arith.muli %add3A, %mul3A_70 : i32
    %add3A_72 = arith.constant 64 : i32
    %add3A_73 = arith.addi %mul3A_71, %add3A_72 : i32
    %dma_start3A_74 = arith.constant 64 : i32
    %dma_start3A_75 = tpu.memref_slice %arg11[%dma_start3A_74] : memref<128xi32, #tpu.memory_space<vmem>> -> memref<32xi32, #tpu.memory_space<vmem>>
    %dma_start3A_76 = arith.constant 0 : i32
    %dma_start3A_77 = arith.constant 0 : i32
    %dma_start3A_78 = tpu.memref_slice %arg2[%dma_start3A_76, %dma_start3A_77] : memref<10000x128xf32, #tpu.memory_space<hbm>> -> memref<10000x128xf32, #tpu.memory_space<hbm>>
    tpu.enqueue_indirect_dma source(%dma_start3A_78 : memref<10000x128xf32, #tpu.memory_space<hbm>>) target(%arg12 : memref<32x128xf32, #tpu.memory_space<vmem>>) offsets(%dma_start3A_75 : memref<32xi32, #tpu.memory_space<vmem>>) semaphore(%arg13 : memref<!tpu.dma_semaphore, #tpu.memory_space<semaphore_mem>>)
    %dma_wait3A_79 = arith.constant 64 : i32
    %dma_wait3A_80 = tpu.memref_slice %arg11[%dma_wait3A_79] : memref<128xi32, #tpu.memory_space<vmem>> -> memref<32xi32, #tpu.memory_space<vmem>>
    %dma_wait3A_81 = arith.constant 0 : i32
    %dma_wait3A_82 = arith.constant 0 : i32
    %dma_wait3A_83 = tpu.memref_slice %arg2[%dma_wait3A_81, %dma_wait3A_82] : memref<10000x128xf32, #tpu.memory_space<hbm>> -> memref<10000x128xf32, #tpu.memory_space<hbm>>
    tpu.wait_indirect_dma semaphore(%arg13 : memref<!tpu.dma_semaphore, #tpu.memory_space<semaphore_mem>>) src(%dma_wait3A_83 : memref<10000x128xf32, #tpu.memory_space<hbm>>) dst(%arg12 : memref<32x128xf32, #tpu.memory_space<vmem>>)
    %run_scoped3A_84 = arith.constant 0 : i32
    "tpu.region"() ({
      %run_scoped3A_198 = tpu.sem_alloc : memref<!tpu.dma_semaphore, #tpu.memory_space<semaphore_mem>>
      %dma_start3A_199 = arith.constant 0 : i32
      %dma_start3A_200 = tpu.memref_slice %arg8[%run_scoped3A_84, %add3A_73, %dma_start3A_199] : memref<2x4096x128xf32, #tpu.memory_space<hbm>> -> memref<1x32x128xf32, #tpu.memory_space<hbm>>
      %dma_start3A_201 = tpu.memref_squeeze %dma_start3A_200 : memref<1x32x128xf32, #tpu.memory_space<hbm>> -> memref<32x128xf32, #tpu.memory_space<hbm>>
      %dma_start3A_202 = arith.constant 0 : i32
      %dma_start3A_203 = tpu.memref_slice %arg8[%run_scoped3A_84, %add3A_73, %dma_start3A_202] : memref<2x4096x128xf32, #tpu.memory_space<hbm>> -> memref<1x32x128xf32, #tpu.memory_space<hbm>>
      %dma_start3A_204 = tpu.memref_squeeze %dma_start3A_203 : memref<1x32x128xf32, #tpu.memory_space<hbm>> -> memref<32x128xf32, #tpu.memory_space<hbm>>
      tpu.enqueue_dma source(%arg12 : memref<32x128xf32, #tpu.memory_space<vmem>>) target(%dma_start3A_204 : memref<32x128xf32, #tpu.memory_space<hbm>>) target_semaphore(%run_scoped3A_198 : memref<!tpu.dma_semaphore, #tpu.memory_space<semaphore_mem>>)
      %dma_wait3A_205 = arith.constant 0 : i32
      %dma_wait3A_206 = tpu.memref_slice %arg8[%run_scoped3A_84, %add3A_73, %dma_wait3A_205] : memref<2x4096x128xf32, #tpu.memory_space<hbm>> -> memref<1x32x128xf32, #tpu.memory_space<hbm>>
      %dma_wait3A_207 = tpu.memref_squeeze %dma_wait3A_206 : memref<1x32x128xf32, #tpu.memory_space<hbm>> -> memref<32x128xf32, #tpu.memory_space<hbm>>
      %dma_wait3A_208 = arith.constant 0 : i32
      %dma_wait3A_209 = tpu.memref_slice %arg8[%run_scoped3A_84, %add3A_73, %dma_wait3A_208] : memref<2x4096x128xf32, #tpu.memory_space<hbm>> -> memref<1x32x128xf32, #tpu.memory_space<hbm>>
      %dma_wait3A_210 = tpu.memref_squeeze %dma_wait3A_209 : memref<1x32x128xf32, #tpu.memory_space<hbm>> -> memref<32x128xf32, #tpu.memory_space<hbm>>
      tpu.wait_dma2 semaphore(%run_scoped3A_198 : memref<!tpu.dma_semaphore, #tpu.memory_space<semaphore_mem>>) src(%arg12 : memref<32x128xf32, #tpu.memory_space<vmem>>) dst(%dma_wait3A_210 : memref<32x128xf32, #tpu.memory_space<hbm>>)
      tpu.yield
    }) : () -> ()
    %dma_start3A_85 = arith.constant 64 : i32
    %dma_start3A_86 = tpu.memref_slice %arg11[%dma_start3A_85] : memref<128xi32, #tpu.memory_space<vmem>> -> memref<32xi32, #tpu.memory_space<vmem>>
    %dma_start3A_87 = arith.constant 0 : i32
    %dma_start3A_88 = arith.constant 0 : i32
    %dma_start3A_89 = tpu.memref_slice %arg3[%dma_start3A_87, %dma_start3A_88] : memref<10000x128xf32, #tpu.memory_space<hbm>> -> memref<10000x128xf32, #tpu.memory_space<hbm>>
    tpu.enqueue_indirect_dma source(%dma_start3A_89 : memref<10000x128xf32, #tpu.memory_space<hbm>>) target(%arg12 : memref<32x128xf32, #tpu.memory_space<vmem>>) offsets(%dma_start3A_86 : memref<32xi32, #tpu.memory_space<vmem>>) semaphore(%arg13 : memref<!tpu.dma_semaphore, #tpu.memory_space<semaphore_mem>>)
    %dma_wait3A_90 = arith.constant 64 : i32
    %dma_wait3A_91 = tpu.memref_slice %arg11[%dma_wait3A_90] : memref<128xi32, #tpu.memory_space<vmem>> -> memref<32xi32, #tpu.memory_space<vmem>>
    %dma_wait3A_92 = arith.constant 0 : i32
    %dma_wait3A_93 = arith.constant 0 : i32
    %dma_wait3A_94 = tpu.memref_slice %arg3[%dma_wait3A_92, %dma_wait3A_93] : memref<10000x128xf32, #tpu.memory_space<hbm>> -> memref<10000x128xf32, #tpu.memory_space<hbm>>
    tpu.wait_indirect_dma semaphore(%arg13 : memref<!tpu.dma_semaphore, #tpu.memory_space<semaphore_mem>>) src(%dma_wait3A_94 : memref<10000x128xf32, #tpu.memory_space<hbm>>) dst(%arg12 : memref<32x128xf32, #tpu.memory_space<vmem>>)
    %run_scoped3A_95 = arith.constant 1 : i32
    "tpu.region"() ({
      %run_scoped3A_198 = tpu.sem_alloc : memref<!tpu.dma_semaphore, #tpu.memory_space<semaphore_mem>>
      %dma_start3A_199 = arith.constant 0 : i32
      %dma_start3A_200 = tpu.memref_slice %arg8[%run_scoped3A_95, %add3A_73, %dma_start3A_199] : memref<2x4096x128xf32, #tpu.memory_space<hbm>> -> memref<1x32x128xf32, #tpu.memory_space<hbm>>
      %dma_start3A_201 = tpu.memref_squeeze %dma_start3A_200 : memref<1x32x128xf32, #tpu.memory_space<hbm>> -> memref<32x128xf32, #tpu.memory_space<hbm>>
      %dma_start3A_202 = arith.constant 0 : i32
      %dma_start3A_203 = tpu.memref_slice %arg8[%run_scoped3A_95, %add3A_73, %dma_start3A_202] : memref<2x4096x128xf32, #tpu.memory_space<hbm>> -> memref<1x32x128xf32, #tpu.memory_space<hbm>>
      %dma_start3A_204 = tpu.memref_squeeze %dma_start3A_203 : memref<1x32x128xf32, #tpu.memory_space<hbm>> -> memref<32x128xf32, #tpu.memory_space<hbm>>
      tpu.enqueue_dma source(%arg12 : memref<32x128xf32, #tpu.memory_space<vmem>>) target(%dma_start3A_204 : memref<32x128xf32, #tpu.memory_space<hbm>>) target_semaphore(%run_scoped3A_198 : memref<!tpu.dma_semaphore, #tpu.memory_space<semaphore_mem>>)
      %dma_wait3A_205 = arith.constant 0 : i32
      %dma_wait3A_206 = tpu.memref_slice %arg8[%run_scoped3A_95, %add3A_73, %dma_wait3A_205] : memref<2x4096x128xf32, #tpu.memory_space<hbm>> -> memref<1x32x128xf32, #tpu.memory_space<hbm>>
      %dma_wait3A_207 = tpu.memref_squeeze %dma_wait3A_206 : memref<1x32x128xf32, #tpu.memory_space<hbm>> -> memref<32x128xf32, #tpu.memory_space<hbm>>
      %dma_wait3A_208 = arith.constant 0 : i32
      %dma_wait3A_209 = tpu.memref_slice %arg8[%run_scoped3A_95, %add3A_73, %dma_wait3A_208] : memref<2x4096x128xf32, #tpu.memory_space<hbm>> -> memref<1x32x128xf32, #tpu.memory_space<hbm>>
      %dma_wait3A_210 = tpu.memref_squeeze %dma_wait3A_209 : memref<1x32x128xf32, #tpu.memory_space<hbm>> -> memref<32x128xf32, #tpu.memory_space<hbm>>
      tpu.wait_dma2 semaphore(%run_scoped3A_198 : memref<!tpu.dma_semaphore, #tpu.memory_space<semaphore_mem>>) src(%arg12 : memref<32x128xf32, #tpu.memory_space<vmem>>) dst(%dma_wait3A_210 : memref<32x128xf32, #tpu.memory_space<hbm>>)
      tpu.yield
    }) : () -> ()
    %dma_start3A_96 = arith.constant 64 : i32
    %dma_start3A_97 = tpu.memref_slice %arg11[%dma_start3A_96] : memref<128xi32, #tpu.memory_space<vmem>> -> memref<32xi32, #tpu.memory_space<vmem>>
    %dma_start3A_98 = arith.constant 0 : i32
    %dma_start3A_99 = arith.constant 0 : i32
    %dma_start3A_100 = tpu.memref_slice %arg4[%dma_start3A_98, %dma_start3A_99] : memref<10000x128xf32, #tpu.memory_space<hbm>> -> memref<10000x128xf32, #tpu.memory_space<hbm>>
    tpu.enqueue_indirect_dma source(%dma_start3A_100 : memref<10000x128xf32, #tpu.memory_space<hbm>>) target(%arg12 : memref<32x128xf32, #tpu.memory_space<vmem>>) offsets(%dma_start3A_97 : memref<32xi32, #tpu.memory_space<vmem>>) semaphore(%arg13 : memref<!tpu.dma_semaphore, #tpu.memory_space<semaphore_mem>>)
    %dma_wait3A_101 = arith.constant 64 : i32
    %dma_wait3A_102 = tpu.memref_slice %arg11[%dma_wait3A_101] : memref<128xi32, #tpu.memory_space<vmem>> -> memref<32xi32, #tpu.memory_space<vmem>>
    %dma_wait3A_103 = arith.constant 0 : i32
    %dma_wait3A_104 = arith.constant 0 : i32
    %dma_wait3A_105 = tpu.memref_slice %arg4[%dma_wait3A_103, %dma_wait3A_104] : memref<10000x128xf32, #tpu.memory_space<hbm>> -> memref<10000x128xf32, #tpu.memory_space<hbm>>
    tpu.wait_indirect_dma semaphore(%arg13 : memref<!tpu.dma_semaphore, #tpu.memory_space<semaphore_mem>>) src(%dma_wait3A_105 : memref<10000x128xf32, #tpu.memory_space<hbm>>) dst(%arg12 : memref<32x128xf32, #tpu.memory_space<vmem>>)
    "tpu.region"() ({
      %run_scoped3A_198 = tpu.sem_alloc : memref<!tpu.dma_semaphore, #tpu.memory_space<semaphore_mem>>
      %dma_start3A_199 = arith.constant 0 : i32
      %dma_start3A_200 = tpu.memref_slice %arg9[%add3A_73, %dma_start3A_199] : memref<4096x128xf32, #tpu.memory_space<hbm>> -> memref<32x128xf32, #tpu.memory_space<hbm>>
      %dma_start3A_201 = arith.constant 0 : i32
      %dma_start3A_202 = tpu.memref_slice %arg9[%add3A_73, %dma_start3A_201] : memref<4096x128xf32, #tpu.memory_space<hbm>> -> memref<32x128xf32, #tpu.memory_space<hbm>>
      tpu.enqueue_dma source(%arg12 : memref<32x128xf32, #tpu.memory_space<vmem>>) target(%dma_start3A_202 : memref<32x128xf32, #tpu.memory_space<hbm>>) target_semaphore(%run_scoped3A_198 : memref<!tpu.dma_semaphore, #tpu.memory_space<semaphore_mem>>)
      %dma_wait3A_203 = arith.constant 0 : i32
      %dma_wait3A_204 = tpu.memref_slice %arg9[%add3A_73, %dma_wait3A_203] : memref<4096x128xf32, #tpu.memory_space<hbm>> -> memref<32x128xf32, #tpu.memory_space<hbm>>
      %dma_wait3A_205 = arith.constant 0 : i32
      %dma_wait3A_206 = tpu.memref_slice %arg9[%add3A_73, %dma_wait3A_205] : memref<4096x128xf32, #tpu.memory_space<hbm>> -> memref<32x128xf32, #tpu.memory_space<hbm>>
      tpu.wait_dma2 semaphore(%run_scoped3A_198 : memref<!tpu.dma_semaphore, #tpu.memory_space<semaphore_mem>>) src(%arg12 : memref<32x128xf32, #tpu.memory_space<vmem>>) dst(%dma_wait3A_206 : memref<32x128xf32, #tpu.memory_space<hbm>>)
      tpu.yield
    }) : () -> ()
    %mul3A_106 = arith.constant 128 : i32
    %mul3A_107 = arith.muli %add3A, %mul3A_106 : i32
    %add3A_108 = arith.constant 96 : i32
    %add3A_109 = arith.addi %mul3A_107, %add3A_108 : i32
    %dma_start3A_110 = arith.constant 96 : i32
    %dma_start3A_111 = tpu.memref_slice %arg11[%dma_start3A_110] : memref<128xi32, #tpu.memory_space<vmem>> -> memref<32xi32, #tpu.memory_space<vmem>>
    %dma_start3A_112 = arith.constant 0 : i32
    %dma_start3A_113 = arith.constant 0 : i32
    %dma_start3A_114 = tpu.memref_slice %arg2[%dma_start3A_112, %dma_start3A_113] : memref<10000x128xf32, #tpu.memory_space<hbm>> -> memref<10000x128xf32, #tpu.memory_space<hbm>>
    tpu.enqueue_indirect_dma source(%dma_start3A_114 : memref<10000x128xf32, #tpu.memory_space<hbm>>) target(%arg12 : memref<32x128xf32, #tpu.memory_space<vmem>>) offsets(%dma_start3A_111 : memref<32xi32, #tpu.memory_space<vmem>>) semaphore(%arg13 : memref<!tpu.dma_semaphore, #tpu.memory_space<semaphore_mem>>)
    %dma_wait3A_115 = arith.constant 96 : i32
    %dma_wait3A_116 = tpu.memref_slice %arg11[%dma_wait3A_115] : memref<128xi32, #tpu.memory_space<vmem>> -> memref<32xi32, #tpu.memory_space<vmem>>
    %dma_wait3A_117 = arith.constant 0 : i32
    %dma_wait3A_118 = arith.constant 0 : i32
    %dma_wait3A_119 = tpu.memref_slice %arg2[%dma_wait3A_117, %dma_wait3A_118] : memref<10000x128xf32, #tpu.memory_space<hbm>> -> memref<10000x128xf32, #tpu.memory_space<hbm>>
    tpu.wait_indirect_dma semaphore(%arg13 : memref<!tpu.dma_semaphore, #tpu.memory_space<semaphore_mem>>) src(%dma_wait3A_119 : memref<10000x128xf32, #tpu.memory_space<hbm>>) dst(%arg12 : memref<32x128xf32, #tpu.memory_space<vmem>>)
    %run_scoped3A_120 = arith.constant 0 : i32
    "tpu.region"() ({
      %run_scoped3A_198 = tpu.sem_alloc : memref<!tpu.dma_semaphore, #tpu.memory_space<semaphore_mem>>
      %dma_start3A_199 = arith.constant 0 : i32
      %dma_start3A_200 = tpu.memref_slice %arg8[%run_scoped3A_120, %add3A_109, %dma_start3A_199] : memref<2x4096x128xf32, #tpu.memory_space<hbm>> -> memref<1x32x128xf32, #tpu.memory_space<hbm>>
      %dma_start3A_201 = tpu.memref_squeeze %dma_start3A_200 : memref<1x32x128xf32, #tpu.memory_space<hbm>> -> memref<32x128xf32, #tpu.memory_space<hbm>>
      %dma_start3A_202 = arith.constant 0 : i32
      %dma_start3A_203 = tpu.memref_slice %arg8[%run_scoped3A_120, %add3A_109, %dma_start3A_202] : memref<2x4096x128xf32, #tpu.memory_space<hbm>> -> memref<1x32x128xf32, #tpu.memory_space<hbm>>
      %dma_start3A_204 = tpu.memref_squeeze %dma_start3A_203 : memref<1x32x128xf32, #tpu.memory_space<hbm>> -> memref<32x128xf32, #tpu.memory_space<hbm>>
      tpu.enqueue_dma source(%arg12 : memref<32x128xf32, #tpu.memory_space<vmem>>) target(%dma_start3A_204 : memref<32x128xf32, #tpu.memory_space<hbm>>) target_semaphore(%run_scoped3A_198 : memref<!tpu.dma_semaphore, #tpu.memory_space<semaphore_mem>>)
      %dma_wait3A_205 = arith.constant 0 : i32
      %dma_wait3A_206 = tpu.memref_slice %arg8[%run_scoped3A_120, %add3A_109, %dma_wait3A_205] : memref<2x4096x128xf32, #tpu.memory_space<hbm>> -> memref<1x32x128xf32, #tpu.memory_space<hbm>>
      %dma_wait3A_207 = tpu.memref_squeeze %dma_wait3A_206 : memref<1x32x128xf32, #tpu.memory_space<hbm>> -> memref<32x128xf32, #tpu.memory_space<hbm>>
      %dma_wait3A_208 = arith.constant 0 : i32
      %dma_wait3A_209 = tpu.memref_slice %arg8[%run_scoped3A_120, %add3A_109, %dma_wait3A_208] : memref<2x4096x128xf32, #tpu.memory_space<hbm>> -> memref<1x32x128xf32, #tpu.memory_space<hbm>>
      %dma_wait3A_210 = tpu.memref_squeeze %dma_wait3A_209 : memref<1x32x128xf32, #tpu.memory_space<hbm>> -> memref<32x128xf32, #tpu.memory_space<hbm>>
      tpu.wait_dma2 semaphore(%run_scoped3A_198 : memref<!tpu.dma_semaphore, #tpu.memory_space<semaphore_mem>>) src(%arg12 : memref<32x128xf32, #tpu.memory_space<vmem>>) dst(%dma_wait3A_210 : memref<32x128xf32, #tpu.memory_space<hbm>>)
      tpu.yield
    }) : () -> ()
    %dma_start3A_121 = arith.constant 96 : i32
    %dma_start3A_122 = tpu.memref_slice %arg11[%dma_start3A_121] : memref<128xi32, #tpu.memory_space<vmem>> -> memref<32xi32, #tpu.memory_space<vmem>>
    %dma_start3A_123 = arith.constant 0 : i32
    %dma_start3A_124 = arith.constant 0 : i32
    %dma_start3A_125 = tpu.memref_slice %arg3[%dma_start3A_123, %dma_start3A_124] : memref<10000x128xf32, #tpu.memory_space<hbm>> -> memref<10000x128xf32, #tpu.memory_space<hbm>>
    tpu.enqueue_indirect_dma source(%dma_start3A_125 : memref<10000x128xf32, #tpu.memory_space<hbm>>) target(%arg12 : memref<32x128xf32, #tpu.memory_space<vmem>>) offsets(%dma_start3A_122 : memref<32xi32, #tpu.memory_space<vmem>>) semaphore(%arg13 : memref<!tpu.dma_semaphore, #tpu.memory_space<semaphore_mem>>)
    %dma_wait3A_126 = arith.constant 96 : i32
    %dma_wait3A_127 = tpu.memref_slice %arg11[%dma_wait3A_126] : memref<128xi32, #tpu.memory_space<vmem>> -> memref<32xi32, #tpu.memory_space<vmem>>
    %dma_wait3A_128 = arith.constant 0 : i32
    %dma_wait3A_129 = arith.constant 0 : i32
    %dma_wait3A_130 = tpu.memref_slice %arg3[%dma_wait3A_128, %dma_wait3A_129] : memref<10000x128xf32, #tpu.memory_space<hbm>> -> memref<10000x128xf32, #tpu.memory_space<hbm>>
    tpu.wait_indirect_dma semaphore(%arg13 : memref<!tpu.dma_semaphore, #tpu.memory_space<semaphore_mem>>) src(%dma_wait3A_130 : memref<10000x128xf32, #tpu.memory_space<hbm>>) dst(%arg12 : memref<32x128xf32, #tpu.memory_space<vmem>>)
    %run_scoped3A_131 = arith.constant 1 : i32
    "tpu.region"() ({
      %run_scoped3A_198 = tpu.sem_alloc : memref<!tpu.dma_semaphore, #tpu.memory_space<semaphore_mem>>
      %dma_start3A_199 = arith.constant 0 : i32
      %dma_start3A_200 = tpu.memref_slice %arg8[%run_scoped3A_131, %add3A_109, %dma_start3A_199] : memref<2x4096x128xf32, #tpu.memory_space<hbm>> -> memref<1x32x128xf32, #tpu.memory_space<hbm>>
      %dma_start3A_201 = tpu.memref_squeeze %dma_start3A_200 : memref<1x32x128xf32, #tpu.memory_space<hbm>> -> memref<32x128xf32, #tpu.memory_space<hbm>>
      %dma_start3A_202 = arith.constant 0 : i32
      %dma_start3A_203 = tpu.memref_slice %arg8[%run_scoped3A_131, %add3A_109, %dma_start3A_202] : memref<2x4096x128xf32, #tpu.memory_space<hbm>> -> memref<1x32x128xf32, #tpu.memory_space<hbm>>
      %dma_start3A_204 = tpu.memref_squeeze %dma_start3A_203 : memref<1x32x128xf32, #tpu.memory_space<hbm>> -> memref<32x128xf32, #tpu.memory_space<hbm>>
      tpu.enqueue_dma source(%arg12 : memref<32x128xf32, #tpu.memory_space<vmem>>) target(%dma_start3A_204 : memref<32x128xf32, #tpu.memory_space<hbm>>) target_semaphore(%run_scoped3A_198 : memref<!tpu.dma_semaphore, #tpu.memory_space<semaphore_mem>>)
      %dma_wait3A_205 = arith.constant 0 : i32
      %dma_wait3A_206 = tpu.memref_slice %arg8[%run_scoped3A_131, %add3A_109, %dma_wait3A_205] : memref<2x4096x128xf32, #tpu.memory_space<hbm>> -> memref<1x32x128xf32, #tpu.memory_space<hbm>>
      %dma_wait3A_207 = tpu.memref_squeeze %dma_wait3A_206 : memref<1x32x128xf32, #tpu.memory_space<hbm>> -> memref<32x128xf32, #tpu.memory_space<hbm>>
      %dma_wait3A_208 = arith.constant 0 : i32
      %dma_wait3A_209 = tpu.memref_slice %arg8[%run_scoped3A_131, %add3A_109, %dma_wait3A_208] : memref<2x4096x128xf32, #tpu.memory_space<hbm>> -> memref<1x32x128xf32, #tpu.memory_space<hbm>>
      %dma_wait3A_210 = tpu.memref_squeeze %dma_wait3A_209 : memref<1x32x128xf32, #tpu.memory_space<hbm>> -> memref<32x128xf32, #tpu.memory_space<hbm>>
      tpu.wait_dma2 semaphore(%run_scoped3A_198 : memref<!tpu.dma_semaphore, #tpu.memory_space<semaphore_mem>>) src(%arg12 : memref<32x128xf32, #tpu.memory_space<vmem>>) dst(%dma_wait3A_210 : memref<32x128xf32, #tpu.memory_space<hbm>>)
      tpu.yield
    }) : () -> ()
    %dma_start3A_132 = arith.constant 96 : i32
    %dma_start3A_133 = tpu.memref_slice %arg11[%dma_start3A_132] : memref<128xi32, #tpu.memory_space<vmem>> -> memref<32xi32, #tpu.memory_space<vmem>>
    %dma_start3A_134 = arith.constant 0 : i32
    %dma_start3A_135 = arith.constant 0 : i32
    %dma_start3A_136 = tpu.memref_slice %arg4[%dma_start3A_134, %dma_start3A_135] : memref<10000x128xf32, #tpu.memory_space<hbm>> -> memref<10000x128xf32, #tpu.memory_space<hbm>>
    tpu.enqueue_indirect_dma source(%dma_start3A_136 : memref<10000x128xf32, #tpu.memory_space<hbm>>) target(%arg12 : memref<32x128xf32, #tpu.memory_space<vmem>>) offsets(%dma_start3A_133 : memref<32xi32, #tpu.memory_space<vmem>>) semaphore(%arg13 : memref<!tpu.dma_semaphore, #tpu.memory_space<semaphore_mem>>)
    %dma_wait3A_137 = arith.constant 96 : i32
    %dma_wait3A_138 = tpu.memref_slice %arg11[%dma_wait3A_137] : memref<128xi32, #tpu.memory_space<vmem>> -> memref<32xi32, #tpu.memory_space<vmem>>
    %dma_wait3A_139 = arith.constant 0 : i32
    %dma_wait3A_140 = arith.constant 0 : i32
    %dma_wait3A_141 = tpu.memref_slice %arg4[%dma_wait3A_139, %dma_wait3A_140] : memref<10000x128xf32, #tpu.memory_space<hbm>> -> memref<10000x128xf32, #tpu.memory_space<hbm>>
    tpu.wait_indirect_dma semaphore(%arg13 : memref<!tpu.dma_semaphore, #tpu.memory_space<semaphore_mem>>) src(%dma_wait3A_141 : memref<10000x128xf32, #tpu.memory_space<hbm>>) dst(%arg12 : memref<32x128xf32, #tpu.memory_space<vmem>>)
    "tpu.region"() ({
      %run_scoped3A_198 = tpu.sem_alloc : memref<!tpu.dma_semaphore, #tpu.memory_space<semaphore_mem>>
      %dma_start3A_199 = arith.constant 0 : i32
      %dma_start3A_200 = tpu.memref_slice %arg9[%add3A_109, %dma_start3A_199] : memref<4096x128xf32, #tpu.memory_space<hbm>> -> memref<32x128xf32, #tpu.memory_space<hbm>>
      %dma_start3A_201 = arith.constant 0 : i32
      %dma_start3A_202 = tpu.memref_slice %arg9[%add3A_109, %dma_start3A_201] : memref<4096x128xf32, #tpu.memory_space<hbm>> -> memref<32x128xf32, #tpu.memory_space<hbm>>
      tpu.enqueue_dma source(%arg12 : memref<32x128xf32, #tpu.memory_space<vmem>>) target(%dma_start3A_202 : memref<32x128xf32, #tpu.memory_space<hbm>>) target_semaphore(%run_scoped3A_198 : memref<!tpu.dma_semaphore, #tpu.memory_space<semaphore_mem>>)
      %dma_wait3A_203 = arith.constant 0 : i32
      %dma_wait3A_204 = tpu.memref_slice %arg9[%add3A_109, %dma_wait3A_203] : memref<4096x128xf32, #tpu.memory_space<hbm>> -> memref<32x128xf32, #tpu.memory_space<hbm>>
      %dma_wait3A_205 = arith.constant 0 : i32
      %dma_wait3A_206 = tpu.memref_slice %arg9[%add3A_109, %dma_wait3A_205] : memref<4096x128xf32, #tpu.memory_space<hbm>> -> memref<32x128xf32, #tpu.memory_space<hbm>>
      tpu.wait_dma2 semaphore(%run_scoped3A_198 : memref<!tpu.dma_semaphore, #tpu.memory_space<semaphore_mem>>) src(%arg12 : memref<32x128xf32, #tpu.memory_space<vmem>>) dst(%dma_wait3A_206 : memref<32x128xf32, #tpu.memory_space<hbm>>)
      tpu.yield
    }) : () -> ()
    "tpu.region"() ({
      %run_scoped3A_198 = tpu.sem_alloc : memref<!tpu.dma_semaphore, #tpu.memory_space<semaphore_mem>>
      %dma_start3A_199 = arith.constant 0 : i32
      %dma_start3A_200 = tpu.memref_slice %arg7[%add3A, %dma_start3A_199] : memref<32x128xi32, #tpu.memory_space<hbm>> -> memref<1x128xi32, #tpu.memory_space<hbm>>
      %dma_start3A_201 = tpu.memref_squeeze %dma_start3A_200 : memref<1x128xi32, #tpu.memory_space<hbm>> -> memref<128xi32, #tpu.memory_space<hbm>>
      %dma_start3A_202 = arith.constant 0 : i32
      %dma_start3A_203 = tpu.memref_slice %arg7[%add3A, %dma_start3A_202] : memref<32x128xi32, #tpu.memory_space<hbm>> -> memref<1x128xi32, #tpu.memory_space<hbm>>
      %dma_start3A_204 = tpu.memref_squeeze %dma_start3A_203 : memref<1x128xi32, #tpu.memory_space<hbm>> -> memref<128xi32, #tpu.memory_space<hbm>>
      tpu.enqueue_dma source(%dma_start3A_204 : memref<128xi32, #tpu.memory_space<hbm>>) target(%arg11 : memref<128xi32, #tpu.memory_space<vmem>>) target_semaphore(%run_scoped3A_198 : memref<!tpu.dma_semaphore, #tpu.memory_space<semaphore_mem>>)
      %dma_wait3A_205 = arith.constant 0 : i32
      %dma_wait3A_206 = tpu.memref_slice %arg7[%add3A, %dma_wait3A_205] : memref<32x128xi32, #tpu.memory_space<hbm>> -> memref<1x128xi32, #tpu.memory_space<hbm>>
      %dma_wait3A_207 = tpu.memref_squeeze %dma_wait3A_206 : memref<1x128xi32, #tpu.memory_space<hbm>> -> memref<128xi32, #tpu.memory_space<hbm>>
      %dma_wait3A_208 = arith.constant 0 : i32
      %dma_wait3A_209 = tpu.memref_slice %arg7[%add3A, %dma_wait3A_208] : memref<32x128xi32, #tpu.memory_space<hbm>> -> memref<1x128xi32, #tpu.memory_space<hbm>>
      %dma_wait3A_210 = tpu.memref_squeeze %dma_wait3A_209 : memref<1x128xi32, #tpu.memory_space<hbm>> -> memref<128xi32, #tpu.memory_space<hbm>>
      tpu.wait_dma2 semaphore(%run_scoped3A_198 : memref<!tpu.dma_semaphore, #tpu.memory_space<semaphore_mem>>) src(%dma_wait3A_210 : memref<128xi32, #tpu.memory_space<hbm>>) dst(%arg11 : memref<128xi32, #tpu.memory_space<vmem>>)
      tpu.yield
    }) : () -> ()
    %mul3A_142 = arith.constant 128 : i32
    %mul3A_143 = arith.muli %add3A, %mul3A_142 : i32
    %add3A_144 = arith.constant 0 : i32
    %add3A_145 = arith.addi %mul3A_143, %add3A_144 : i32
    %dma_start3A_146 = arith.constant 0 : i32
    %dma_start3A_147 = tpu.memref_slice %arg11[%dma_start3A_146] : memref<128xi32, #tpu.memory_space<vmem>> -> memref<32xi32, #tpu.memory_space<vmem>>
    %dma_start3A_148 = arith.constant 0 : i32
    %dma_start3A_149 = arith.constant 0 : i32
    %dma_start3A_150 = tpu.memref_slice %arg5[%dma_start3A_148, %dma_start3A_149] : memref<100000x128xf32, #tpu.memory_space<hbm>> -> memref<100000x128xf32, #tpu.memory_space<hbm>>
    tpu.enqueue_indirect_dma source(%dma_start3A_150 : memref<100000x128xf32, #tpu.memory_space<hbm>>) target(%arg12 : memref<32x128xf32, #tpu.memory_space<vmem>>) offsets(%dma_start3A_147 : memref<32xi32, #tpu.memory_space<vmem>>) semaphore(%arg13 : memref<!tpu.dma_semaphore, #tpu.memory_space<semaphore_mem>>)
    %dma_wait3A_151 = arith.constant 0 : i32
    %dma_wait3A_152 = tpu.memref_slice %arg11[%dma_wait3A_151] : memref<128xi32, #tpu.memory_space<vmem>> -> memref<32xi32, #tpu.memory_space<vmem>>
    %dma_wait3A_153 = arith.constant 0 : i32
    %dma_wait3A_154 = arith.constant 0 : i32
    %dma_wait3A_155 = tpu.memref_slice %arg5[%dma_wait3A_153, %dma_wait3A_154] : memref<100000x128xf32, #tpu.memory_space<hbm>> -> memref<100000x128xf32, #tpu.memory_space<hbm>>
    tpu.wait_indirect_dma semaphore(%arg13 : memref<!tpu.dma_semaphore, #tpu.memory_space<semaphore_mem>>) src(%dma_wait3A_155 : memref<100000x128xf32, #tpu.memory_space<hbm>>) dst(%arg12 : memref<32x128xf32, #tpu.memory_space<vmem>>)
    "tpu.region"() ({
      %run_scoped3A_198 = tpu.sem_alloc : memref<!tpu.dma_semaphore, #tpu.memory_space<semaphore_mem>>
      %dma_start3A_199 = arith.constant 0 : i32
      %dma_start3A_200 = tpu.memref_slice %arg10[%add3A_145, %dma_start3A_199] : memref<4096x128xf32, #tpu.memory_space<hbm>> -> memref<32x128xf32, #tpu.memory_space<hbm>>
      %dma_start3A_201 = arith.constant 0 : i32
      %dma_start3A_202 = tpu.memref_slice %arg10[%add3A_145, %dma_start3A_201] : memref<4096x128xf32, #tpu.memory_space<hbm>> -> memref<32x128xf32, #tpu.memory_space<hbm>>
      tpu.enqueue_dma source(%arg12 : memref<32x128xf32, #tpu.memory_space<vmem>>) target(%dma_start3A_202 : memref<32x128xf32, #tpu.memory_space<hbm>>) target_semaphore(%run_scoped3A_198 : memref<!tpu.dma_semaphore, #tpu.memory_space<semaphore_mem>>)
      %dma_wait3A_203 = arith.constant 0 : i32
      %dma_wait3A_204 = tpu.memref_slice %arg10[%add3A_145, %dma_wait3A_203] : memref<4096x128xf32, #tpu.memory_space<hbm>> -> memref<32x128xf32, #tpu.memory_space<hbm>>
      %dma_wait3A_205 = arith.constant 0 : i32
      %dma_wait3A_206 = tpu.memref_slice %arg10[%add3A_145, %dma_wait3A_205] : memref<4096x128xf32, #tpu.memory_space<hbm>> -> memref<32x128xf32, #tpu.memory_space<hbm>>
      tpu.wait_dma2 semaphore(%run_scoped3A_198 : memref<!tpu.dma_semaphore, #tpu.memory_space<semaphore_mem>>) src(%arg12 : memref<32x128xf32, #tpu.memory_space<vmem>>) dst(%dma_wait3A_206 : memref<32x128xf32, #tpu.memory_space<hbm>>)
      tpu.yield
    }) : () -> ()
    %mul3A_156 = arith.constant 128 : i32
    %mul3A_157 = arith.muli %add3A, %mul3A_156 : i32
    %add3A_158 = arith.constant 32 : i32
    %add3A_159 = arith.addi %mul3A_157, %add3A_158 : i32
    %dma_start3A_160 = arith.constant 32 : i32
    %dma_start3A_161 = tpu.memref_slice %arg11[%dma_start3A_160] : memref<128xi32, #tpu.memory_space<vmem>> -> memref<32xi32, #tpu.memory_space<vmem>>
    %dma_start3A_162 = arith.constant 0 : i32
    %dma_start3A_163 = arith.constant 0 : i32
    %dma_start3A_164 = tpu.memref_slice %arg5[%dma_start3A_162, %dma_start3A_163] : memref<100000x128xf32, #tpu.memory_space<hbm>> -> memref<100000x128xf32, #tpu.memory_space<hbm>>
    tpu.enqueue_indirect_dma source(%dma_start3A_164 : memref<100000x128xf32, #tpu.memory_space<hbm>>) target(%arg12 : memref<32x128xf32, #tpu.memory_space<vmem>>) offsets(%dma_start3A_161 : memref<32xi32, #tpu.memory_space<vmem>>) semaphore(%arg13 : memref<!tpu.dma_semaphore, #tpu.memory_space<semaphore_mem>>)
    %dma_wait3A_165 = arith.constant 32 : i32
    %dma_wait3A_166 = tpu.memref_slice %arg11[%dma_wait3A_165] : memref<128xi32, #tpu.memory_space<vmem>> -> memref<32xi32, #tpu.memory_space<vmem>>
    %dma_wait3A_167 = arith.constant 0 : i32
    %dma_wait3A_168 = arith.constant 0 : i32
    %dma_wait3A_169 = tpu.memref_slice %arg5[%dma_wait3A_167, %dma_wait3A_168] : memref<100000x128xf32, #tpu.memory_space<hbm>> -> memref<100000x128xf32, #tpu.memory_space<hbm>>
    tpu.wait_indirect_dma semaphore(%arg13 : memref<!tpu.dma_semaphore, #tpu.memory_space<semaphore_mem>>) src(%dma_wait3A_169 : memref<100000x128xf32, #tpu.memory_space<hbm>>) dst(%arg12 : memref<32x128xf32, #tpu.memory_space<vmem>>)
    "tpu.region"() ({
      %run_scoped3A_198 = tpu.sem_alloc : memref<!tpu.dma_semaphore, #tpu.memory_space<semaphore_mem>>
      %dma_start3A_199 = arith.constant 0 : i32
      %dma_start3A_200 = tpu.memref_slice %arg10[%add3A_159, %dma_start3A_199] : memref<4096x128xf32, #tpu.memory_space<hbm>> -> memref<32x128xf32, #tpu.memory_space<hbm>>
      %dma_start3A_201 = arith.constant 0 : i32
      %dma_start3A_202 = tpu.memref_slice %arg10[%add3A_159, %dma_start3A_201] : memref<4096x128xf32, #tpu.memory_space<hbm>> -> memref<32x128xf32, #tpu.memory_space<hbm>>
      tpu.enqueue_dma source(%arg12 : memref<32x128xf32, #tpu.memory_space<vmem>>) target(%dma_start3A_202 : memref<32x128xf32, #tpu.memory_space<hbm>>) target_semaphore(%run_scoped3A_198 : memref<!tpu.dma_semaphore, #tpu.memory_space<semaphore_mem>>)
      %dma_wait3A_203 = arith.constant 0 : i32
      %dma_wait3A_204 = tpu.memref_slice %arg10[%add3A_159, %dma_wait3A_203] : memref<4096x128xf32, #tpu.memory_space<hbm>> -> memref<32x128xf32, #tpu.memory_space<hbm>>
      %dma_wait3A_205 = arith.constant 0 : i32
      %dma_wait3A_206 = tpu.memref_slice %arg10[%add3A_159, %dma_wait3A_205] : memref<4096x128xf32, #tpu.memory_space<hbm>> -> memref<32x128xf32, #tpu.memory_space<hbm>>
      tpu.wait_dma2 semaphore(%run_scoped3A_198 : memref<!tpu.dma_semaphore, #tpu.memory_space<semaphore_mem>>) src(%arg12 : memref<32x128xf32, #tpu.memory_space<vmem>>) dst(%dma_wait3A_206 : memref<32x128xf32, #tpu.memory_space<hbm>>)
      tpu.yield
    }) : () -> ()
    %mul3A_170 = arith.constant 128 : i32
    %mul3A_171 = arith.muli %add3A, %mul3A_170 : i32
    %add3A_172 = arith.constant 64 : i32
    %add3A_173 = arith.addi %mul3A_171, %add3A_172 : i32
    %dma_start3A_174 = arith.constant 64 : i32
    %dma_start3A_175 = tpu.memref_slice %arg11[%dma_start3A_174] : memref<128xi32, #tpu.memory_space<vmem>> -> memref<32xi32, #tpu.memory_space<vmem>>
    %dma_start3A_176 = arith.constant 0 : i32
    %dma_start3A_177 = arith.constant 0 : i32
    %dma_start3A_178 = tpu.memref_slice %arg5[%dma_start3A_176, %dma_start3A_177] : memref<100000x128xf32, #tpu.memory_space<hbm>> -> memref<100000x128xf32, #tpu.memory_space<hbm>>
    tpu.enqueue_indirect_dma source(%dma_start3A_178 : memref<100000x128xf32, #tpu.memory_space<hbm>>) target(%arg12 : memref<32x128xf32, #tpu.memory_space<vmem>>) offsets(%dma_start3A_175 : memref<32xi32, #tpu.memory_space<vmem>>) semaphore(%arg13 : memref<!tpu.dma_semaphore, #tpu.memory_space<semaphore_mem>>)
    %dma_wait3A_179 = arith.constant 64 : i32
    %dma_wait3A_180 = tpu.memref_slice %arg11[%dma_wait3A_179] : memref<128xi32, #tpu.memory_space<vmem>> -> memref<32xi32, #tpu.memory_space<vmem>>
    %dma_wait3A_181 = arith.constant 0 : i32
    %dma_wait3A_182 = arith.constant 0 : i32
    %dma_wait3A_183 = tpu.memref_slice %arg5[%dma_wait3A_181, %dma_wait3A_182] : memref<100000x128xf32, #tpu.memory_space<hbm>> -> memref<100000x128xf32, #tpu.memory_space<hbm>>
    tpu.wait_indirect_dma semaphore(%arg13 : memref<!tpu.dma_semaphore, #tpu.memory_space<semaphore_mem>>) src(%dma_wait3A_183 : memref<100000x128xf32, #tpu.memory_space<hbm>>) dst(%arg12 : memref<32x128xf32, #tpu.memory_space<vmem>>)
    "tpu.region"() ({
      %run_scoped3A_198 = tpu.sem_alloc : memref<!tpu.dma_semaphore, #tpu.memory_space<semaphore_mem>>
      %dma_start3A_199 = arith.constant 0 : i32
      %dma_start3A_200 = tpu.memref_slice %arg10[%add3A_173, %dma_start3A_199] : memref<4096x128xf32, #tpu.memory_space<hbm>> -> memref<32x128xf32, #tpu.memory_space<hbm>>
      %dma_start3A_201 = arith.constant 0 : i32
      %dma_start3A_202 = tpu.memref_slice %arg10[%add3A_173, %dma_start3A_201] : memref<4096x128xf32, #tpu.memory_space<hbm>> -> memref<32x128xf32, #tpu.memory_space<hbm>>
      tpu.enqueue_dma source(%arg12 : memref<32x128xf32, #tpu.memory_space<vmem>>) target(%dma_start3A_202 : memref<32x128xf32, #tpu.memory_space<hbm>>) target_semaphore(%run_scoped3A_198 : memref<!tpu.dma_semaphore, #tpu.memory_space<semaphore_mem>>)
      %dma_wait3A_203 = arith.constant 0 : i32
      %dma_wait3A_204 = tpu.memref_slice %arg10[%add3A_173, %dma_wait3A_203] : memref<4096x128xf32, #tpu.memory_space<hbm>> -> memref<32x128xf32, #tpu.memory_space<hbm>>
      %dma_wait3A_205 = arith.constant 0 : i32
      %dma_wait3A_206 = tpu.memref_slice %arg10[%add3A_173, %dma_wait3A_205] : memref<4096x128xf32, #tpu.memory_space<hbm>> -> memref<32x128xf32, #tpu.memory_space<hbm>>
      tpu.wait_dma2 semaphore(%run_scoped3A_198 : memref<!tpu.dma_semaphore, #tpu.memory_space<semaphore_mem>>) src(%arg12 : memref<32x128xf32, #tpu.memory_space<vmem>>) dst(%dma_wait3A_206 : memref<32x128xf32, #tpu.memory_space<hbm>>)
      tpu.yield
    }) : () -> ()
    %mul3A_184 = arith.constant 128 : i32
    %mul3A_185 = arith.muli %add3A, %mul3A_184 : i32
    %add3A_186 = arith.constant 96 : i32
    %add3A_187 = arith.addi %mul3A_185, %add3A_186 : i32
    %dma_start3A_188 = arith.constant 96 : i32
    %dma_start3A_189 = tpu.memref_slice %arg11[%dma_start3A_188] : memref<128xi32, #tpu.memory_space<vmem>> -> memref<32xi32, #tpu.memory_space<vmem>>
    %dma_start3A_190 = arith.constant 0 : i32
    %dma_start3A_191 = arith.constant 0 : i32
    %dma_start3A_192 = tpu.memref_slice %arg5[%dma_start3A_190, %dma_start3A_191] : memref<100000x128xf32, #tpu.memory_space<hbm>> -> memref<100000x128xf32, #tpu.memory_space<hbm>>
    tpu.enqueue_indirect_dma source(%dma_start3A_192 : memref<100000x128xf32, #tpu.memory_space<hbm>>) target(%arg12 : memref<32x128xf32, #tpu.memory_space<vmem>>) offsets(%dma_start3A_189 : memref<32xi32, #tpu.memory_space<vmem>>) semaphore(%arg13 : memref<!tpu.dma_semaphore, #tpu.memory_space<semaphore_mem>>)
    %dma_wait3A_193 = arith.constant 96 : i32
    %dma_wait3A_194 = tpu.memref_slice %arg11[%dma_wait3A_193] : memref<128xi32, #tpu.memory_space<vmem>> -> memref<32xi32, #tpu.memory_space<vmem>>
    %dma_wait3A_195 = arith.constant 0 : i32
    %dma_wait3A_196 = arith.constant 0 : i32
    %dma_wait3A_197 = tpu.memref_slice %arg5[%dma_wait3A_195, %dma_wait3A_196] : memref<100000x128xf32, #tpu.memory_space<hbm>> -> memref<100000x128xf32, #tpu.memory_space<hbm>>
    tpu.wait_indirect_dma semaphore(%arg13 : memref<!tpu.dma_semaphore, #tpu.memory_space<semaphore_mem>>) src(%dma_wait3A_197 : memref<100000x128xf32, #tpu.memory_space<hbm>>) dst(%arg12 : memref<32x128xf32, #tpu.memory_space<vmem>>)
    "tpu.region"() ({
      %run_scoped3A_198 = tpu.sem_alloc : memref<!tpu.dma_semaphore, #tpu.memory_space<semaphore_mem>>
      %dma_start3A_199 = arith.constant 0 : i32
      %dma_start3A_200 = tpu.memref_slice %arg10[%add3A_187, %dma_start3A_199] : memref<4096x128xf32, #tpu.memory_space<hbm>> -> memref<32x128xf32, #tpu.memory_space<hbm>>
      %dma_start3A_201 = arith.constant 0 : i32
      %dma_start3A_202 = tpu.memref_slice %arg10[%add3A_187, %dma_start3A_201] : memref<4096x128xf32, #tpu.memory_space<hbm>> -> memref<32x128xf32, #tpu.memory_space<hbm>>
      tpu.enqueue_dma source(%arg12 : memref<32x128xf32, #tpu.memory_space<vmem>>) target(%dma_start3A_202 : memref<32x128xf32, #tpu.memory_space<hbm>>) target_semaphore(%run_scoped3A_198 : memref<!tpu.dma_semaphore, #tpu.memory_space<semaphore_mem>>)
      %dma_wait3A_203 = arith.constant 0 : i32
      %dma_wait3A_204 = tpu.memref_slice %arg10[%add3A_187, %dma_wait3A_203] : memref<4096x128xf32, #tpu.memory_space<hbm>> -> memref<32x128xf32, #tpu.memory_space<hbm>>
      %dma_wait3A_205 = arith.constant 0 : i32
      %dma_wait3A_206 = tpu.memref_slice %arg10[%add3A_187, %dma_wait3A_205] : memref<4096x128xf32, #tpu.memory_space<hbm>> -> memref<32x128xf32, #tpu.memory_space<hbm>>
      tpu.wait_dma2 semaphore(%run_scoped3A_198 : memref<!tpu.dma_semaphore, #tpu.memory_space<semaphore_mem>>) src(%arg12 : memref<32x128xf32, #tpu.memory_space<vmem>>) dst(%dma_wait3A_206 : memref<32x128xf32, #tpu.memory_space<hbm>>)
      tpu.yield
    }) : () -> ()
    return
  }
}

#map = affine_map<(d0, d1) -> (0)>
#map1 = affine_map<(d0, d1) -> (0, 0)>
#map2 = affine_map<(d0, d1) -> (0, 0, 0)>
module attributes {stable_mosaic.version = 14 : i64} {
  func.func @_sc_scatter_full(%arg0: i32, %arg1: i32, %arg2: memref<320000xi32, #tpu.memory_space<hbm>>, %arg3: memref<320000xi32, #tpu.memory_space<hbm>>, %arg4: memref<10000x128xf32, #tpu.memory_space<hbm>>, %arg5: memref<10000x128xf32, #tpu.memory_space<hbm>>, %arg6: memref<2x10000x128xf32, #tpu.memory_space<hbm>>, %arg7: memref<10000x128xf32, #tpu.memory_space<vmem_shared>>, %arg8: memref<2x1x80xi32, #tpu.memory_space<vmem>>, %arg9: memref<2x1x80xi32, #tpu.memory_space<vmem>>, %arg10: memref<2x1x80xi32, #tpu.memory_space<vmem>>, %arg11: memref<2x1x80xi32, #tpu.memory_space<vmem>>, %arg12: memref<80x128xf32, #tpu.memory_space<vmem>>, %arg13: memref<80x128xf32, #tpu.memory_space<vmem>>, %arg14: memref<!tpu.dma_semaphore, #tpu.memory_space<semaphore_mem>>, %arg15: memref<!tpu.dma_semaphore, #tpu.memory_space<semaphore_mem>>, %arg16: memref<!tpu.dma_semaphore, #tpu.memory_space<semaphore_mem>>, %arg17: memref<!tpu.dma_semaphore, #tpu.memory_space<semaphore_mem>>, %arg18: memref<!tpu.dma_semaphore, #tpu.memory_space<semaphore_mem>>, %arg19: memref<!tpu.dma_semaphore, #tpu.memory_space<semaphore_mem>>, %arg20: memref<!tpu.dma_semaphore, #tpu.memory_space<semaphore_mem>>, %arg21: memref<!tpu.dma_semaphore, #tpu.memory_space<semaphore_mem>>) attributes {dimension_semantics = [#tpu.dimension_semantics<core_parallel>, #tpu.dimension_semantics<subcore_parallel>], iteration_bounds = array<i64: 2, 16>, scalar_prefetch = 0 : i64, scratch_operands = 15 : i64, tpu.core_type = #tpu.core_type<sc_vector_subcore>, window_params = [{transform_indices = #map}, {transform_indices = #map}, {transform_indices = #map1}, {transform_indices = #map1}, {transform_indices = #map2}]} {
    %mul3A = arith.constant 16 : i32
    %mul3A_0 = arith.muli %arg0, %mul3A : i32
    %add3A = arith.addi %mul3A_0, %arg1 : i32
    %mul3A_1 = arith.constant 10000 : i32
    %mul3A_2 = arith.muli %add3A, %mul3A_1 : i32
    %eq3A = arith.constant 0 : i32
    %eq3A_3 = arith.cmpi eq, %arg0, %eq3A : i32
    %convert_element_type3A = arith.extui %eq3A_3 : i1 to i32
    %cond3A = arith.constant 0 : i32
    %cond3A_4 = arith.cmpi ne, %convert_element_type3A, %cond3A : i32
    scf.if %cond3A_4 {
      %lt3A_92 = arith.constant 15 : i32
      %lt3A_93 = arith.cmpi slt, %arg1, %lt3A_92 : i32
      %convert_element_type3A_94 = arith.extui %lt3A_93 : i1 to i32
      %cond3A_95 = arith.constant 0 : i32
      %cond3A_96 = arith.cmpi ne, %convert_element_type3A_94, %cond3A_95 : i32
      scf.if %cond3A_96 {
        %mul3A_102 = arith.constant 624 : i32
        %mul3A_103 = arith.muli %arg1, %mul3A_102 : i32
        "tpu.region"() ({
          %run_scoped3A = tpu.sem_alloc : memref<!tpu.dma_semaphore, #tpu.memory_space<semaphore_mem>>
          %dma_start3A_104 = arith.constant 0 : i32
          %dma_start3A_105 = tpu.memref_slice %arg7[%mul3A_103, %dma_start3A_104] : memref<10000x128xf32, #tpu.memory_space<vmem_shared>> -> memref<624x128xf32, #tpu.memory_space<vmem_shared>>
          %dma_start3A_106 = arith.constant 0 : i32
          %dma_start3A_107 = tpu.memref_slice %arg4[%mul3A_103, %dma_start3A_106] : memref<10000x128xf32, #tpu.memory_space<hbm>> -> memref<624x128xf32, #tpu.memory_space<hbm>>
          tpu.enqueue_dma source(%dma_start3A_107 : memref<624x128xf32, #tpu.memory_space<hbm>>) target(%dma_start3A_105 : memref<624x128xf32, #tpu.memory_space<vmem_shared>>) target_semaphore(%run_scoped3A : memref<!tpu.dma_semaphore, #tpu.memory_space<semaphore_mem>>)
          %dma_wait3A_108 = arith.constant 0 : i32
          %dma_wait3A_109 = tpu.memref_slice %arg7[%mul3A_103, %dma_wait3A_108] : memref<10000x128xf32, #tpu.memory_space<vmem_shared>> -> memref<624x128xf32, #tpu.memory_space<vmem_shared>>
          %dma_wait3A_110 = arith.constant 0 : i32
          %dma_wait3A_111 = tpu.memref_slice %arg4[%mul3A_103, %dma_wait3A_110] : memref<10000x128xf32, #tpu.memory_space<hbm>> -> memref<624x128xf32, #tpu.memory_space<hbm>>
          tpu.wait_dma2 semaphore(%run_scoped3A : memref<!tpu.dma_semaphore, #tpu.memory_space<semaphore_mem>>) src(%dma_wait3A_111 : memref<624x128xf32, #tpu.memory_space<hbm>>) dst(%dma_wait3A_109 : memref<624x128xf32, #tpu.memory_space<vmem_shared>>)
          tpu.yield
        }) : () -> ()
      } else {
      }
      %eq3A_97 = arith.constant 15 : i32
      %eq3A_98 = arith.cmpi eq, %arg1, %eq3A_97 : i32
      %convert_element_type3A_99 = arith.extui %eq3A_98 : i1 to i32
      %cond3A_100 = arith.constant 0 : i32
      %cond3A_101 = arith.cmpi ne, %convert_element_type3A_99, %cond3A_100 : i32
      scf.if %cond3A_101 {
        "tpu.region"() ({
          %run_scoped3A = tpu.sem_alloc : memref<!tpu.dma_semaphore, #tpu.memory_space<semaphore_mem>>
          %dma_start3A_102 = arith.constant 9360 : i32
          %dma_start3A_103 = arith.constant 0 : i32
          %dma_start3A_104 = tpu.memref_slice %arg7[%dma_start3A_102, %dma_start3A_103] : memref<10000x128xf32, #tpu.memory_space<vmem_shared>> -> memref<640x128xf32, #tpu.memory_space<vmem_shared>>
          %dma_start3A_105 = arith.constant 9360 : i32
          %dma_start3A_106 = arith.constant 0 : i32
          %dma_start3A_107 = tpu.memref_slice %arg4[%dma_start3A_105, %dma_start3A_106] : memref<10000x128xf32, #tpu.memory_space<hbm>> -> memref<640x128xf32, #tpu.memory_space<hbm>>
          tpu.enqueue_dma source(%dma_start3A_107 : memref<640x128xf32, #tpu.memory_space<hbm>>) target(%dma_start3A_104 : memref<640x128xf32, #tpu.memory_space<vmem_shared>>) target_semaphore(%run_scoped3A : memref<!tpu.dma_semaphore, #tpu.memory_space<semaphore_mem>>)
          %dma_wait3A_108 = arith.constant 9360 : i32
          %dma_wait3A_109 = arith.constant 0 : i32
          %dma_wait3A_110 = tpu.memref_slice %arg7[%dma_wait3A_108, %dma_wait3A_109] : memref<10000x128xf32, #tpu.memory_space<vmem_shared>> -> memref<640x128xf32, #tpu.memory_space<vmem_shared>>
          %dma_wait3A_111 = arith.constant 9360 : i32
          %dma_wait3A_112 = arith.constant 0 : i32
          %dma_wait3A_113 = tpu.memref_slice %arg4[%dma_wait3A_111, %dma_wait3A_112] : memref<10000x128xf32, #tpu.memory_space<hbm>> -> memref<640x128xf32, #tpu.memory_space<hbm>>
          tpu.wait_dma2 semaphore(%run_scoped3A : memref<!tpu.dma_semaphore, #tpu.memory_space<semaphore_mem>>) src(%dma_wait3A_113 : memref<640x128xf32, #tpu.memory_space<hbm>>) dst(%dma_wait3A_110 : memref<640x128xf32, #tpu.memory_space<vmem_shared>>)
          tpu.yield
        }) : () -> ()
      } else {
      }
    } else {
    }
    %eq3A_5 = arith.constant 1 : i32
    %eq3A_6 = arith.cmpi eq, %arg0, %eq3A_5 : i32
    %convert_element_type3A_7 = arith.extui %eq3A_6 : i1 to i32
    %cond3A_8 = arith.constant 0 : i32
    %cond3A_9 = arith.cmpi ne, %convert_element_type3A_7, %cond3A_8 : i32
    scf.if %cond3A_9 {
      %lt3A_92 = arith.constant 15 : i32
      %lt3A_93 = arith.cmpi slt, %arg1, %lt3A_92 : i32
      %convert_element_type3A_94 = arith.extui %lt3A_93 : i1 to i32
      %cond3A_95 = arith.constant 0 : i32
      %cond3A_96 = arith.cmpi ne, %convert_element_type3A_94, %cond3A_95 : i32
      scf.if %cond3A_96 {
        %mul3A_102 = arith.constant 624 : i32
        %mul3A_103 = arith.muli %arg1, %mul3A_102 : i32
        "tpu.region"() ({
          %run_scoped3A = tpu.sem_alloc : memref<!tpu.dma_semaphore, #tpu.memory_space<semaphore_mem>>
          %dma_start3A_104 = arith.constant 0 : i32
          %dma_start3A_105 = tpu.memref_slice %arg7[%mul3A_103, %dma_start3A_104] : memref<10000x128xf32, #tpu.memory_space<vmem_shared>> -> memref<624x128xf32, #tpu.memory_space<vmem_shared>>
          %dma_start3A_106 = arith.constant 0 : i32
          %dma_start3A_107 = tpu.memref_slice %arg5[%mul3A_103, %dma_start3A_106] : memref<10000x128xf32, #tpu.memory_space<hbm>> -> memref<624x128xf32, #tpu.memory_space<hbm>>
          tpu.enqueue_dma source(%dma_start3A_107 : memref<624x128xf32, #tpu.memory_space<hbm>>) target(%dma_start3A_105 : memref<624x128xf32, #tpu.memory_space<vmem_shared>>) target_semaphore(%run_scoped3A : memref<!tpu.dma_semaphore, #tpu.memory_space<semaphore_mem>>)
          %dma_wait3A_108 = arith.constant 0 : i32
          %dma_wait3A_109 = tpu.memref_slice %arg7[%mul3A_103, %dma_wait3A_108] : memref<10000x128xf32, #tpu.memory_space<vmem_shared>> -> memref<624x128xf32, #tpu.memory_space<vmem_shared>>
          %dma_wait3A_110 = arith.constant 0 : i32
          %dma_wait3A_111 = tpu.memref_slice %arg5[%mul3A_103, %dma_wait3A_110] : memref<10000x128xf32, #tpu.memory_space<hbm>> -> memref<624x128xf32, #tpu.memory_space<hbm>>
          tpu.wait_dma2 semaphore(%run_scoped3A : memref<!tpu.dma_semaphore, #tpu.memory_space<semaphore_mem>>) src(%dma_wait3A_111 : memref<624x128xf32, #tpu.memory_space<hbm>>) dst(%dma_wait3A_109 : memref<624x128xf32, #tpu.memory_space<vmem_shared>>)
          tpu.yield
        }) : () -> ()
      } else {
      }
      %eq3A_97 = arith.constant 15 : i32
      %eq3A_98 = arith.cmpi eq, %arg1, %eq3A_97 : i32
      %convert_element_type3A_99 = arith.extui %eq3A_98 : i1 to i32
      %cond3A_100 = arith.constant 0 : i32
      %cond3A_101 = arith.cmpi ne, %convert_element_type3A_99, %cond3A_100 : i32
      scf.if %cond3A_101 {
        "tpu.region"() ({
          %run_scoped3A = tpu.sem_alloc : memref<!tpu.dma_semaphore, #tpu.memory_space<semaphore_mem>>
          %dma_start3A_102 = arith.constant 9360 : i32
          %dma_start3A_103 = arith.constant 0 : i32
          %dma_start3A_104 = tpu.memref_slice %arg7[%dma_start3A_102, %dma_start3A_103] : memref<10000x128xf32, #tpu.memory_space<vmem_shared>> -> memref<640x128xf32, #tpu.memory_space<vmem_shared>>
          %dma_start3A_105 = arith.constant 9360 : i32
          %dma_start3A_106 = arith.constant 0 : i32
          %dma_start3A_107 = tpu.memref_slice %arg5[%dma_start3A_105, %dma_start3A_106] : memref<10000x128xf32, #tpu.memory_space<hbm>> -> memref<640x128xf32, #tpu.memory_space<hbm>>
          tpu.enqueue_dma source(%dma_start3A_107 : memref<640x128xf32, #tpu.memory_space<hbm>>) target(%dma_start3A_104 : memref<640x128xf32, #tpu.memory_space<vmem_shared>>) target_semaphore(%run_scoped3A : memref<!tpu.dma_semaphore, #tpu.memory_space<semaphore_mem>>)
          %dma_wait3A_108 = arith.constant 9360 : i32
          %dma_wait3A_109 = arith.constant 0 : i32
          %dma_wait3A_110 = tpu.memref_slice %arg7[%dma_wait3A_108, %dma_wait3A_109] : memref<10000x128xf32, #tpu.memory_space<vmem_shared>> -> memref<640x128xf32, #tpu.memory_space<vmem_shared>>
          %dma_wait3A_111 = arith.constant 9360 : i32
          %dma_wait3A_112 = arith.constant 0 : i32
          %dma_wait3A_113 = tpu.memref_slice %arg5[%dma_wait3A_111, %dma_wait3A_112] : memref<10000x128xf32, #tpu.memory_space<hbm>> -> memref<640x128xf32, #tpu.memory_space<hbm>>
          tpu.wait_dma2 semaphore(%run_scoped3A : memref<!tpu.dma_semaphore, #tpu.memory_space<semaphore_mem>>) src(%dma_wait3A_113 : memref<640x128xf32, #tpu.memory_space<hbm>>) dst(%dma_wait3A_110 : memref<640x128xf32, #tpu.memory_space<vmem_shared>>)
          tpu.yield
        }) : () -> ()
      } else {
      }
    } else {
    }
    %barrier3A = arith.constant 0 : index
    tpu.barrier barrier_id(%barrier3A)
    %dma_start3A = arith.constant 0 : i32
    %dma_start3A_10 = arith.constant 0 : i32
    %dma_start3A_11 = arith.constant 0 : i32
    %dma_start3A_12 = tpu.memref_slice %arg8[%dma_start3A, %dma_start3A_10, %dma_start3A_11] : memref<2x1x80xi32, #tpu.memory_space<vmem>> -> memref<1x1x80xi32, #tpu.memory_space<vmem>>
    %dma_start3A_13 = tpu.memref_squeeze %dma_start3A_12 : memref<1x1x80xi32, #tpu.memory_space<vmem>> -> memref<80xi32, #tpu.memory_space<vmem>>
    %dma_start3A_14 = tpu.memref_slice %arg2[%mul3A_2] : memref<320000xi32, #tpu.memory_space<hbm>> -> memref<80xi32, #tpu.memory_space<hbm>>
    %dma_start3A_15 = arith.constant 0 : i32
    %dma_start3A_16 = tpu.memref_slice %arg8[%dma_start3A, %dma_start3A_10, %dma_start3A_15] : memref<2x1x80xi32, #tpu.memory_space<vmem>> -> memref<1x1x80xi32, #tpu.memory_space<vmem>>
    %dma_start3A_17 = tpu.memref_squeeze %dma_start3A_16 : memref<1x1x80xi32, #tpu.memory_space<vmem>> -> memref<80xi32, #tpu.memory_space<vmem>>
    %dma_start3A_18 = tpu.memref_slice %arg2[%mul3A_2] : memref<320000xi32, #tpu.memory_space<hbm>> -> memref<80xi32, #tpu.memory_space<hbm>>
    tpu.enqueue_dma source(%dma_start3A_18 : memref<80xi32, #tpu.memory_space<hbm>>) target(%dma_start3A_17 : memref<80xi32, #tpu.memory_space<vmem>>) target_semaphore(%arg16 : memref<!tpu.dma_semaphore, #tpu.memory_space<semaphore_mem>>)
    %add3A_19 = arith.constant 80 : i32
    %add3A_20 = arith.addi %mul3A_2, %add3A_19 : i32
    %dma_start3A_21 = arith.constant 0 : i32
    %dma_start3A_22 = arith.constant 0 : i32
    %dma_start3A_23 = arith.constant 0 : i32
    %dma_start3A_24 = tpu.memref_slice %arg9[%dma_start3A_21, %dma_start3A_22, %dma_start3A_23] : memref<2x1x80xi32, #tpu.memory_space<vmem>> -> memref<1x1x80xi32, #tpu.memory_space<vmem>>
    %dma_start3A_25 = tpu.memref_squeeze %dma_start3A_24 : memref<1x1x80xi32, #tpu.memory_space<vmem>> -> memref<80xi32, #tpu.memory_space<vmem>>
    %dma_start3A_26 = tpu.memref_slice %arg2[%add3A_20] : memref<320000xi32, #tpu.memory_space<hbm>> -> memref<80xi32, #tpu.memory_space<hbm>>
    %dma_start3A_27 = arith.constant 0 : i32
    %dma_start3A_28 = tpu.memref_slice %arg9[%dma_start3A_21, %dma_start3A_22, %dma_start3A_27] : memref<2x1x80xi32, #tpu.memory_space<vmem>> -> memref<1x1x80xi32, #tpu.memory_space<vmem>>
    %dma_start3A_29 = tpu.memref_squeeze %dma_start3A_28 : memref<1x1x80xi32, #tpu.memory_space<vmem>> -> memref<80xi32, #tpu.memory_space<vmem>>
    %dma_start3A_30 = tpu.memref_slice %arg2[%add3A_20] : memref<320000xi32, #tpu.memory_space<hbm>> -> memref<80xi32, #tpu.memory_space<hbm>>
    tpu.enqueue_dma source(%dma_start3A_30 : memref<80xi32, #tpu.memory_space<hbm>>) target(%dma_start3A_29 : memref<80xi32, #tpu.memory_space<vmem>>) target_semaphore(%arg17 : memref<!tpu.dma_semaphore, #tpu.memory_space<semaphore_mem>>)
    %dma_start3A_31 = arith.constant 0 : i32
    %dma_start3A_32 = arith.constant 0 : i32
    %dma_start3A_33 = arith.constant 0 : i32
    %dma_start3A_34 = tpu.memref_slice %arg10[%dma_start3A_31, %dma_start3A_32, %dma_start3A_33] : memref<2x1x80xi32, #tpu.memory_space<vmem>> -> memref<1x1x80xi32, #tpu.memory_space<vmem>>
    %dma_start3A_35 = tpu.memref_squeeze %dma_start3A_34 : memref<1x1x80xi32, #tpu.memory_space<vmem>> -> memref<80xi32, #tpu.memory_space<vmem>>
    %dma_start3A_36 = tpu.memref_slice %arg3[%mul3A_2] : memref<320000xi32, #tpu.memory_space<hbm>> -> memref<80xi32, #tpu.memory_space<hbm>>
    %dma_start3A_37 = arith.constant 0 : i32
    %dma_start3A_38 = tpu.memref_slice %arg10[%dma_start3A_31, %dma_start3A_32, %dma_start3A_37] : memref<2x1x80xi32, #tpu.memory_space<vmem>> -> memref<1x1x80xi32, #tpu.memory_space<vmem>>
    %dma_start3A_39 = tpu.memref_squeeze %dma_start3A_38 : memref<1x1x80xi32, #tpu.memory_space<vmem>> -> memref<80xi32, #tpu.memory_space<vmem>>
    %dma_start3A_40 = tpu.memref_slice %arg3[%mul3A_2] : memref<320000xi32, #tpu.memory_space<hbm>> -> memref<80xi32, #tpu.memory_space<hbm>>
    tpu.enqueue_dma source(%dma_start3A_40 : memref<80xi32, #tpu.memory_space<hbm>>) target(%dma_start3A_39 : memref<80xi32, #tpu.memory_space<vmem>>) target_semaphore(%arg18 : memref<!tpu.dma_semaphore, #tpu.memory_space<semaphore_mem>>)
    %add3A_41 = arith.constant 80 : i32
    %add3A_42 = arith.addi %mul3A_2, %add3A_41 : i32
    %dma_start3A_43 = arith.constant 0 : i32
    %dma_start3A_44 = arith.constant 0 : i32
    %dma_start3A_45 = arith.constant 0 : i32
    %dma_start3A_46 = tpu.memref_slice %arg11[%dma_start3A_43, %dma_start3A_44, %dma_start3A_45] : memref<2x1x80xi32, #tpu.memory_space<vmem>> -> memref<1x1x80xi32, #tpu.memory_space<vmem>>
    %dma_start3A_47 = tpu.memref_squeeze %dma_start3A_46 : memref<1x1x80xi32, #tpu.memory_space<vmem>> -> memref<80xi32, #tpu.memory_space<vmem>>
    %dma_start3A_48 = tpu.memref_slice %arg3[%add3A_42] : memref<320000xi32, #tpu.memory_space<hbm>> -> memref<80xi32, #tpu.memory_space<hbm>>
    %dma_start3A_49 = arith.constant 0 : i32
    %dma_start3A_50 = tpu.memref_slice %arg11[%dma_start3A_43, %dma_start3A_44, %dma_start3A_49] : memref<2x1x80xi32, #tpu.memory_space<vmem>> -> memref<1x1x80xi32, #tpu.memory_space<vmem>>
    %dma_start3A_51 = tpu.memref_squeeze %dma_start3A_50 : memref<1x1x80xi32, #tpu.memory_space<vmem>> -> memref<80xi32, #tpu.memory_space<vmem>>
    %dma_start3A_52 = tpu.memref_slice %arg3[%add3A_42] : memref<320000xi32, #tpu.memory_space<hbm>> -> memref<80xi32, #tpu.memory_space<hbm>>
    tpu.enqueue_dma source(%dma_start3A_52 : memref<80xi32, #tpu.memory_space<hbm>>) target(%dma_start3A_51 : memref<80xi32, #tpu.memory_space<vmem>>) target_semaphore(%arg19 : memref<!tpu.dma_semaphore, #tpu.memory_space<semaphore_mem>>)
    %dma_wait3A = arith.constant 0 : i32
    %dma_wait3A_53 = arith.constant 0 : i32
    %dma_wait3A_54 = arith.constant 0 : i32
    %dma_wait3A_55 = tpu.memref_slice %arg8[%dma_wait3A, %dma_wait3A_53, %dma_wait3A_54] : memref<2x1x80xi32, #tpu.memory_space<vmem>> -> memref<1x1x80xi32, #tpu.memory_space<vmem>>
    %dma_wait3A_56 = tpu.memref_squeeze %dma_wait3A_55 : memref<1x1x80xi32, #tpu.memory_space<vmem>> -> memref<80xi32, #tpu.memory_space<vmem>>
    %dma_wait3A_57 = tpu.memref_slice %arg2[%mul3A_2] : memref<320000xi32, #tpu.memory_space<hbm>> -> memref<80xi32, #tpu.memory_space<hbm>>
    %dma_wait3A_58 = arith.constant 0 : i32
    %dma_wait3A_59 = tpu.memref_slice %arg8[%dma_wait3A, %dma_wait3A_53, %dma_wait3A_58] : memref<2x1x80xi32, #tpu.memory_space<vmem>> -> memref<1x1x80xi32, #tpu.memory_space<vmem>>
    %dma_wait3A_60 = tpu.memref_squeeze %dma_wait3A_59 : memref<1x1x80xi32, #tpu.memory_space<vmem>> -> memref<80xi32, #tpu.memory_space<vmem>>
    %dma_wait3A_61 = tpu.memref_slice %arg2[%mul3A_2] : memref<320000xi32, #tpu.memory_space<hbm>> -> memref<80xi32, #tpu.memory_space<hbm>>
    tpu.wait_dma2 semaphore(%arg16 : memref<!tpu.dma_semaphore, #tpu.memory_space<semaphore_mem>>) src(%dma_wait3A_61 : memref<80xi32, #tpu.memory_space<hbm>>) dst(%dma_wait3A_60 : memref<80xi32, #tpu.memory_space<vmem>>)
    %dma_start3A_62 = arith.constant 0 : i32
    %dma_start3A_63 = arith.constant 0 : i32
    %dma_start3A_64 = arith.constant 0 : i32
    %dma_start3A_65 = tpu.memref_slice %arg8[%dma_start3A_62, %dma_start3A_63, %dma_start3A_64] : memref<2x1x80xi32, #tpu.memory_space<vmem>> -> memref<1x1x80xi32, #tpu.memory_space<vmem>>
    %dma_start3A_66 = tpu.memref_squeeze %dma_start3A_65 : memref<1x1x80xi32, #tpu.memory_space<vmem>> -> memref<80xi32, #tpu.memory_space<vmem>>
    %dma_start3A_67 = arith.constant 0 : i32
    %dma_start3A_68 = arith.constant 0 : i32
    %dma_start3A_69 = tpu.memref_slice %arg4[%dma_start3A_67, %dma_start3A_68] : memref<10000x128xf32, #tpu.memory_space<hbm>> -> memref<10000x128xf32, #tpu.memory_space<hbm>>
    tpu.enqueue_indirect_dma source(%dma_start3A_69 : memref<10000x128xf32, #tpu.memory_space<hbm>>) target(%arg12 : memref<80x128xf32, #tpu.memory_space<vmem>>) offsets(%dma_start3A_66 : memref<80xi32, #tpu.memory_space<vmem>>) semaphore(%arg14 : memref<!tpu.dma_semaphore, #tpu.memory_space<semaphore_mem>>)
    %scan3A = arith.constant 0 : i32
    %scan3A_70 = arith.constant 63 : i32
    %scan3A_71 = arith.addi %scan3A, %scan3A_70 : i32
    %scan3A_72 = arith.constant 1 : i32
    scf.for %scan3A_92 = %scan3A to %scan3A_71 step %scan3A_72  : i32 {
      %mul3A_93 = arith.constant 1 : i32
      %mul3A_94 = arith.muli %scan3A_92, %mul3A_93 : i32
      %add3A_95 = arith.constant 0 : i32
      %add3A_96 = arith.addi %add3A_95, %mul3A_94 : i32
      %and3A = arith.constant 1 : i32
      %and3A_97 = arith.andi %add3A_96, %and3A : i32
      %mul3A_98 = arith.constant 2 : i32
      %mul3A_99 = arith.muli %mul3A_98, %add3A_96 : i32
      %add3A_100 = arith.constant 1 : i32
      %add3A_101 = arith.addi %mul3A_99, %add3A_100 : i32
      %dma_wait3A_102 = arith.constant 0 : i32
      %dma_wait3A_103 = arith.constant 0 : i32
      %dma_wait3A_104 = tpu.memref_slice %arg8[%and3A_97, %dma_wait3A_102, %dma_wait3A_103] : memref<2x1x80xi32, #tpu.memory_space<vmem>> -> memref<1x1x80xi32, #tpu.memory_space<vmem>>
      %dma_wait3A_105 = tpu.memref_squeeze %dma_wait3A_104 : memref<1x1x80xi32, #tpu.memory_space<vmem>> -> memref<80xi32, #tpu.memory_space<vmem>>
      %dma_wait3A_106 = arith.constant 0 : i32
      %dma_wait3A_107 = arith.constant 0 : i32
      %dma_wait3A_108 = tpu.memref_slice %arg4[%dma_wait3A_106, %dma_wait3A_107] : memref<10000x128xf32, #tpu.memory_space<hbm>> -> memref<10000x128xf32, #tpu.memory_space<hbm>>
      tpu.wait_indirect_dma semaphore(%arg14 : memref<!tpu.dma_semaphore, #tpu.memory_space<semaphore_mem>>) src(%dma_wait3A_108 : memref<10000x128xf32, #tpu.memory_space<hbm>>) dst(%arg12 : memref<80x128xf32, #tpu.memory_space<vmem>>)
      %dma_wait3A_109 = arith.constant 0 : i32
      %dma_wait3A_110 = arith.constant 0 : i32
      %dma_wait3A_111 = tpu.memref_slice %arg10[%and3A_97, %dma_wait3A_109, %dma_wait3A_110] : memref<2x1x80xi32, #tpu.memory_space<vmem>> -> memref<1x1x80xi32, #tpu.memory_space<vmem>>
      %dma_wait3A_112 = tpu.memref_squeeze %dma_wait3A_111 : memref<1x1x80xi32, #tpu.memory_space<vmem>> -> memref<80xi32, #tpu.memory_space<vmem>>
      %dma_wait3A_113 = tpu.memref_slice %arg3[%mul3A_2] : memref<320000xi32, #tpu.memory_space<hbm>> -> memref<80xi32, #tpu.memory_space<hbm>>
      %dma_wait3A_114 = arith.constant 0 : i32
      %dma_wait3A_115 = tpu.memref_slice %arg10[%and3A_97, %dma_wait3A_109, %dma_wait3A_114] : memref<2x1x80xi32, #tpu.memory_space<vmem>> -> memref<1x1x80xi32, #tpu.memory_space<vmem>>
      %dma_wait3A_116 = tpu.memref_squeeze %dma_wait3A_115 : memref<1x1x80xi32, #tpu.memory_space<vmem>> -> memref<80xi32, #tpu.memory_space<vmem>>
      %dma_wait3A_117 = tpu.memref_slice %arg3[%mul3A_2] : memref<320000xi32, #tpu.memory_space<hbm>> -> memref<80xi32, #tpu.memory_space<hbm>>
      tpu.wait_dma2 semaphore(%arg18 : memref<!tpu.dma_semaphore, #tpu.memory_space<semaphore_mem>>) src(%dma_wait3A_117 : memref<80xi32, #tpu.memory_space<hbm>>) dst(%dma_wait3A_116 : memref<80xi32, #tpu.memory_space<vmem>>)
      %dma_start3A_118 = arith.constant 0 : i32
      %dma_start3A_119 = arith.constant 0 : i32
      %dma_start3A_120 = tpu.memref_slice %arg10[%and3A_97, %dma_start3A_118, %dma_start3A_119] : memref<2x1x80xi32, #tpu.memory_space<vmem>> -> memref<1x1x80xi32, #tpu.memory_space<vmem>>
      %dma_start3A_121 = tpu.memref_squeeze %dma_start3A_120 : memref<1x1x80xi32, #tpu.memory_space<vmem>> -> memref<80xi32, #tpu.memory_space<vmem>>
      %dma_start3A_122 = arith.constant 0 : i32
      %dma_start3A_123 = arith.constant 0 : i32
      %dma_start3A_124 = tpu.memref_slice %arg7[%dma_start3A_122, %dma_start3A_123] : memref<10000x128xf32, #tpu.memory_space<vmem_shared>> -> memref<10000x128xf32, #tpu.memory_space<vmem_shared>>
      tpu.enqueue_indirect_dma source(%arg12 : memref<80x128xf32, #tpu.memory_space<vmem>>) target(%dma_start3A_124 : memref<10000x128xf32, #tpu.memory_space<vmem_shared>>) offsets(%dma_start3A_121 : memref<80xi32, #tpu.memory_space<vmem>>) semaphore(%arg20 : memref<!tpu.dma_semaphore, #tpu.memory_space<semaphore_mem>>) {add = true}
      %add3A_125 = arith.constant 2 : i32
      %add3A_126 = arith.addi %mul3A_99, %add3A_125 : i32
      %lt3A_127 = arith.constant 125 : i32
      %lt3A_128 = arith.cmpi slt, %add3A_126, %lt3A_127 : i32
      %convert_element_type3A_129 = arith.extui %lt3A_128 : i1 to i32
      %cond3A_130 = arith.constant 0 : i32
      %cond3A_131 = arith.cmpi ne, %convert_element_type3A_129, %cond3A_130 : i32
      scf.if %cond3A_131 {
        %add3A_162 = arith.constant 2 : i32
        %add3A_163 = arith.addi %mul3A_99, %add3A_162 : i32
        %mul3A_164 = arith.constant 80 : i32
        %mul3A_165 = arith.muli %add3A_163, %mul3A_164 : i32
        %add3A_166 = arith.addi %mul3A_2, %mul3A_165 : i32
        %sub3A = arith.constant 1 : i32
        %sub3A_167 = arith.subi %sub3A, %and3A_97 : i32
        %dma_start3A_168 = arith.constant 0 : i32
        %dma_start3A_169 = arith.constant 0 : i32
        %dma_start3A_170 = tpu.memref_slice %arg8[%sub3A_167, %dma_start3A_168, %dma_start3A_169] : memref<2x1x80xi32, #tpu.memory_space<vmem>> -> memref<1x1x80xi32, #tpu.memory_space<vmem>>
        %dma_start3A_171 = tpu.memref_squeeze %dma_start3A_170 : memref<1x1x80xi32, #tpu.memory_space<vmem>> -> memref<80xi32, #tpu.memory_space<vmem>>
        %dma_start3A_172 = tpu.memref_slice %arg2[%add3A_166] : memref<320000xi32, #tpu.memory_space<hbm>> -> memref<80xi32, #tpu.memory_space<hbm>>
        %dma_start3A_173 = arith.constant 0 : i32
        %dma_start3A_174 = tpu.memref_slice %arg8[%sub3A_167, %dma_start3A_168, %dma_start3A_173] : memref<2x1x80xi32, #tpu.memory_space<vmem>> -> memref<1x1x80xi32, #tpu.memory_space<vmem>>
        %dma_start3A_175 = tpu.memref_squeeze %dma_start3A_174 : memref<1x1x80xi32, #tpu.memory_space<vmem>> -> memref<80xi32, #tpu.memory_space<vmem>>
        %dma_start3A_176 = tpu.memref_slice %arg2[%add3A_166] : memref<320000xi32, #tpu.memory_space<hbm>> -> memref<80xi32, #tpu.memory_space<hbm>>
        tpu.enqueue_dma source(%dma_start3A_176 : memref<80xi32, #tpu.memory_space<hbm>>) target(%dma_start3A_175 : memref<80xi32, #tpu.memory_space<vmem>>) target_semaphore(%arg16 : memref<!tpu.dma_semaphore, #tpu.memory_space<semaphore_mem>>)
        %add3A_177 = arith.constant 2 : i32
        %add3A_178 = arith.addi %mul3A_99, %add3A_177 : i32
        %mul3A_179 = arith.constant 80 : i32
        %mul3A_180 = arith.muli %add3A_178, %mul3A_179 : i32
        %add3A_181 = arith.addi %mul3A_2, %mul3A_180 : i32
        %sub3A_182 = arith.constant 1 : i32
        %sub3A_183 = arith.subi %sub3A_182, %and3A_97 : i32
        %dma_start3A_184 = arith.constant 0 : i32
        %dma_start3A_185 = arith.constant 0 : i32
        %dma_start3A_186 = tpu.memref_slice %arg10[%sub3A_183, %dma_start3A_184, %dma_start3A_185] : memref<2x1x80xi32, #tpu.memory_space<vmem>> -> memref<1x1x80xi32, #tpu.memory_space<vmem>>
        %dma_start3A_187 = tpu.memref_squeeze %dma_start3A_186 : memref<1x1x80xi32, #tpu.memory_space<vmem>> -> memref<80xi32, #tpu.memory_space<vmem>>
        %dma_start3A_188 = tpu.memref_slice %arg3[%add3A_181] : memref<320000xi32, #tpu.memory_space<hbm>> -> memref<80xi32, #tpu.memory_space<hbm>>
        %dma_start3A_189 = arith.constant 0 : i32
        %dma_start3A_190 = tpu.memref_slice %arg10[%sub3A_183, %dma_start3A_184, %dma_start3A_189] : memref<2x1x80xi32, #tpu.memory_space<vmem>> -> memref<1x1x80xi32, #tpu.memory_space<vmem>>
        %dma_start3A_191 = tpu.memref_squeeze %dma_start3A_190 : memref<1x1x80xi32, #tpu.memory_space<vmem>> -> memref<80xi32, #tpu.memory_space<vmem>>
        %dma_start3A_192 = tpu.memref_slice %arg3[%add3A_181] : memref<320000xi32, #tpu.memory_space<hbm>> -> memref<80xi32, #tpu.memory_space<hbm>>
        tpu.enqueue_dma source(%dma_start3A_192 : memref<80xi32, #tpu.memory_space<hbm>>) target(%dma_start3A_191 : memref<80xi32, #tpu.memory_space<vmem>>) target_semaphore(%arg18 : memref<!tpu.dma_semaphore, #tpu.memory_space<semaphore_mem>>)
      } else {
      }
      %add3A_132 = arith.constant 3 : i32
      %add3A_133 = arith.addi %mul3A_99, %add3A_132 : i32
      %lt3A_134 = arith.constant 125 : i32
      %lt3A_135 = arith.cmpi slt, %add3A_133, %lt3A_134 : i32
      %convert_element_type3A_136 = arith.extui %lt3A_135 : i1 to i32
      %cond3A_137 = arith.constant 0 : i32
      %cond3A_138 = arith.cmpi ne, %convert_element_type3A_136, %cond3A_137 : i32
      scf.if %cond3A_138 {
        %add3A_162 = arith.constant 3 : i32
        %add3A_163 = arith.addi %mul3A_99, %add3A_162 : i32
        %mul3A_164 = arith.constant 80 : i32
        %mul3A_165 = arith.muli %add3A_163, %mul3A_164 : i32
        %add3A_166 = arith.addi %mul3A_2, %mul3A_165 : i32
        %sub3A = arith.constant 1 : i32
        %sub3A_167 = arith.subi %sub3A, %and3A_97 : i32
        %dma_start3A_168 = arith.constant 0 : i32
        %dma_start3A_169 = arith.constant 0 : i32
        %dma_start3A_170 = tpu.memref_slice %arg9[%sub3A_167, %dma_start3A_168, %dma_start3A_169] : memref<2x1x80xi32, #tpu.memory_space<vmem>> -> memref<1x1x80xi32, #tpu.memory_space<vmem>>
        %dma_start3A_171 = tpu.memref_squeeze %dma_start3A_170 : memref<1x1x80xi32, #tpu.memory_space<vmem>> -> memref<80xi32, #tpu.memory_space<vmem>>
        %dma_start3A_172 = tpu.memref_slice %arg2[%add3A_166] : memref<320000xi32, #tpu.memory_space<hbm>> -> memref<80xi32, #tpu.memory_space<hbm>>
        %dma_start3A_173 = arith.constant 0 : i32
        %dma_start3A_174 = tpu.memref_slice %arg9[%sub3A_167, %dma_start3A_168, %dma_start3A_173] : memref<2x1x80xi32, #tpu.memory_space<vmem>> -> memref<1x1x80xi32, #tpu.memory_space<vmem>>
        %dma_start3A_175 = tpu.memref_squeeze %dma_start3A_174 : memref<1x1x80xi32, #tpu.memory_space<vmem>> -> memref<80xi32, #tpu.memory_space<vmem>>
        %dma_start3A_176 = tpu.memref_slice %arg2[%add3A_166] : memref<320000xi32, #tpu.memory_space<hbm>> -> memref<80xi32, #tpu.memory_space<hbm>>
        tpu.enqueue_dma source(%dma_start3A_176 : memref<80xi32, #tpu.memory_space<hbm>>) target(%dma_start3A_175 : memref<80xi32, #tpu.memory_space<vmem>>) target_semaphore(%arg17 : memref<!tpu.dma_semaphore, #tpu.memory_space<semaphore_mem>>)
      } else {
      }
      %gt3A = arith.constant 0 : i32
      %gt3A_139 = arith.cmpi sgt, %add3A_96, %gt3A : i32
      %convert_element_type3A_140 = arith.extui %gt3A_139 : i1 to i32
      %cond3A_141 = arith.constant 0 : i32
      %cond3A_142 = arith.cmpi ne, %convert_element_type3A_140, %cond3A_141 : i32
      scf.if %cond3A_142 {
        %dma_wait3A_162 = arith.constant 0 : i32
        %dma_wait3A_163 = arith.constant 0 : i32
        %dma_wait3A_164 = tpu.memref_slice %arg11[%and3A_97, %dma_wait3A_162, %dma_wait3A_163] : memref<2x1x80xi32, #tpu.memory_space<vmem>> -> memref<1x1x80xi32, #tpu.memory_space<vmem>>
        %dma_wait3A_165 = tpu.memref_squeeze %dma_wait3A_164 : memref<1x1x80xi32, #tpu.memory_space<vmem>> -> memref<80xi32, #tpu.memory_space<vmem>>
        %dma_wait3A_166 = arith.constant 0 : i32
        %dma_wait3A_167 = arith.constant 0 : i32
        %dma_wait3A_168 = tpu.memref_slice %arg7[%dma_wait3A_166, %dma_wait3A_167] : memref<10000x128xf32, #tpu.memory_space<vmem_shared>> -> memref<10000x128xf32, #tpu.memory_space<vmem_shared>>
        tpu.wait_indirect_dma semaphore(%arg21 : memref<!tpu.dma_semaphore, #tpu.memory_space<semaphore_mem>>) src(%arg13 : memref<80x128xf32, #tpu.memory_space<vmem>>) dst(%dma_wait3A_168 : memref<10000x128xf32, #tpu.memory_space<vmem_shared>>)
      } else {
      }
      %add3A_143 = arith.constant 3 : i32
      %add3A_144 = arith.addi %mul3A_99, %add3A_143 : i32
      %lt3A_145 = arith.constant 125 : i32
      %lt3A_146 = arith.cmpi slt, %add3A_144, %lt3A_145 : i32
      %convert_element_type3A_147 = arith.extui %lt3A_146 : i1 to i32
      %cond3A_148 = arith.constant 0 : i32
      %cond3A_149 = arith.cmpi ne, %convert_element_type3A_147, %cond3A_148 : i32
      scf.if %cond3A_149 {
        %add3A_162 = arith.constant 3 : i32
        %add3A_163 = arith.addi %mul3A_99, %add3A_162 : i32
        %mul3A_164 = arith.constant 80 : i32
        %mul3A_165 = arith.muli %add3A_163, %mul3A_164 : i32
        %add3A_166 = arith.addi %mul3A_2, %mul3A_165 : i32
        %sub3A = arith.constant 1 : i32
        %sub3A_167 = arith.subi %sub3A, %and3A_97 : i32
        %dma_start3A_168 = arith.constant 0 : i32
        %dma_start3A_169 = arith.constant 0 : i32
        %dma_start3A_170 = tpu.memref_slice %arg11[%sub3A_167, %dma_start3A_168, %dma_start3A_169] : memref<2x1x80xi32, #tpu.memory_space<vmem>> -> memref<1x1x80xi32, #tpu.memory_space<vmem>>
        %dma_start3A_171 = tpu.memref_squeeze %dma_start3A_170 : memref<1x1x80xi32, #tpu.memory_space<vmem>> -> memref<80xi32, #tpu.memory_space<vmem>>
        %dma_start3A_172 = tpu.memref_slice %arg3[%add3A_166] : memref<320000xi32, #tpu.memory_space<hbm>> -> memref<80xi32, #tpu.memory_space<hbm>>
        %dma_start3A_173 = arith.constant 0 : i32
        %dma_start3A_174 = tpu.memref_slice %arg11[%sub3A_167, %dma_start3A_168, %dma_start3A_173] : memref<2x1x80xi32, #tpu.memory_space<vmem>> -> memref<1x1x80xi32, #tpu.memory_space<vmem>>
        %dma_start3A_175 = tpu.memref_squeeze %dma_start3A_174 : memref<1x1x80xi32, #tpu.memory_space<vmem>> -> memref<80xi32, #tpu.memory_space<vmem>>
        %dma_start3A_176 = tpu.memref_slice %arg3[%add3A_166] : memref<320000xi32, #tpu.memory_space<hbm>> -> memref<80xi32, #tpu.memory_space<hbm>>
        tpu.enqueue_dma source(%dma_start3A_176 : memref<80xi32, #tpu.memory_space<hbm>>) target(%dma_start3A_175 : memref<80xi32, #tpu.memory_space<vmem>>) target_semaphore(%arg19 : memref<!tpu.dma_semaphore, #tpu.memory_space<semaphore_mem>>)
      } else {
      }
      %lt3A_150 = arith.constant 125 : i32
      %lt3A_151 = arith.cmpi slt, %add3A_101, %lt3A_150 : i32
      %convert_element_type3A_152 = arith.extui %lt3A_151 : i1 to i32
      %cond3A_153 = arith.constant 0 : i32
      %cond3A_154 = arith.cmpi ne, %convert_element_type3A_152, %cond3A_153 : i32
      scf.if %cond3A_154 {
        %add3A_162 = arith.constant 80 : i32
        %add3A_163 = arith.addi %mul3A_2, %add3A_162 : i32
        %dma_wait3A_164 = arith.constant 0 : i32
        %dma_wait3A_165 = arith.constant 0 : i32
        %dma_wait3A_166 = tpu.memref_slice %arg9[%and3A_97, %dma_wait3A_164, %dma_wait3A_165] : memref<2x1x80xi32, #tpu.memory_space<vmem>> -> memref<1x1x80xi32, #tpu.memory_space<vmem>>
        %dma_wait3A_167 = tpu.memref_squeeze %dma_wait3A_166 : memref<1x1x80xi32, #tpu.memory_space<vmem>> -> memref<80xi32, #tpu.memory_space<vmem>>
        %dma_wait3A_168 = tpu.memref_slice %arg2[%add3A_163] : memref<320000xi32, #tpu.memory_space<hbm>> -> memref<80xi32, #tpu.memory_space<hbm>>
        %dma_wait3A_169 = arith.constant 0 : i32
        %dma_wait3A_170 = tpu.memref_slice %arg9[%and3A_97, %dma_wait3A_164, %dma_wait3A_169] : memref<2x1x80xi32, #tpu.memory_space<vmem>> -> memref<1x1x80xi32, #tpu.memory_space<vmem>>
        %dma_wait3A_171 = tpu.memref_squeeze %dma_wait3A_170 : memref<1x1x80xi32, #tpu.memory_space<vmem>> -> memref<80xi32, #tpu.memory_space<vmem>>
        %dma_wait3A_172 = tpu.memref_slice %arg2[%add3A_163] : memref<320000xi32, #tpu.memory_space<hbm>> -> memref<80xi32, #tpu.memory_space<hbm>>
        tpu.wait_dma2 semaphore(%arg17 : memref<!tpu.dma_semaphore, #tpu.memory_space<semaphore_mem>>) src(%dma_wait3A_172 : memref<80xi32, #tpu.memory_space<hbm>>) dst(%dma_wait3A_171 : memref<80xi32, #tpu.memory_space<vmem>>)
        %dma_start3A_173 = arith.constant 0 : i32
        %dma_start3A_174 = arith.constant 0 : i32
        %dma_start3A_175 = tpu.memref_slice %arg9[%and3A_97, %dma_start3A_173, %dma_start3A_174] : memref<2x1x80xi32, #tpu.memory_space<vmem>> -> memref<1x1x80xi32, #tpu.memory_space<vmem>>
        %dma_start3A_176 = tpu.memref_squeeze %dma_start3A_175 : memref<1x1x80xi32, #tpu.memory_space<vmem>> -> memref<80xi32, #tpu.memory_space<vmem>>
        %dma_start3A_177 = arith.constant 0 : i32
        %dma_start3A_178 = arith.constant 0 : i32
        %dma_start3A_179 = tpu.memref_slice %arg4[%dma_start3A_177, %dma_start3A_178] : memref<10000x128xf32, #tpu.memory_space<hbm>> -> memref<10000x128xf32, #tpu.memory_space<hbm>>
        tpu.enqueue_indirect_dma source(%dma_start3A_179 : memref<10000x128xf32, #tpu.memory_space<hbm>>) target(%arg13 : memref<80x128xf32, #tpu.memory_space<vmem>>) offsets(%dma_start3A_176 : memref<80xi32, #tpu.memory_space<vmem>>) semaphore(%arg15 : memref<!tpu.dma_semaphore, #tpu.memory_space<semaphore_mem>>)
        %dma_wait3A_180 = arith.constant 0 : i32
        %dma_wait3A_181 = arith.constant 0 : i32
        %dma_wait3A_182 = tpu.memref_slice %arg9[%and3A_97, %dma_wait3A_180, %dma_wait3A_181] : memref<2x1x80xi32, #tpu.memory_space<vmem>> -> memref<1x1x80xi32, #tpu.memory_space<vmem>>
        %dma_wait3A_183 = tpu.memref_squeeze %dma_wait3A_182 : memref<1x1x80xi32, #tpu.memory_space<vmem>> -> memref<80xi32, #tpu.memory_space<vmem>>
        %dma_wait3A_184 = arith.constant 0 : i32
        %dma_wait3A_185 = arith.constant 0 : i32
        %dma_wait3A_186 = tpu.memref_slice %arg4[%dma_wait3A_184, %dma_wait3A_185] : memref<10000x128xf32, #tpu.memory_space<hbm>> -> memref<10000x128xf32, #tpu.memory_space<hbm>>
        tpu.wait_indirect_dma semaphore(%arg15 : memref<!tpu.dma_semaphore, #tpu.memory_space<semaphore_mem>>) src(%dma_wait3A_186 : memref<10000x128xf32, #tpu.memory_space<hbm>>) dst(%arg13 : memref<80x128xf32, #tpu.memory_space<vmem>>)
        %add3A_187 = arith.constant 80 : i32
        %add3A_188 = arith.addi %mul3A_2, %add3A_187 : i32
        %dma_wait3A_189 = arith.constant 0 : i32
        %dma_wait3A_190 = arith.constant 0 : i32
        %dma_wait3A_191 = tpu.memref_slice %arg11[%and3A_97, %dma_wait3A_189, %dma_wait3A_190] : memref<2x1x80xi32, #tpu.memory_space<vmem>> -> memref<1x1x80xi32, #tpu.memory_space<vmem>>
        %dma_wait3A_192 = tpu.memref_squeeze %dma_wait3A_191 : memref<1x1x80xi32, #tpu.memory_space<vmem>> -> memref<80xi32, #tpu.memory_space<vmem>>
        %dma_wait3A_193 = tpu.memref_slice %arg3[%add3A_188] : memref<320000xi32, #tpu.memory_space<hbm>> -> memref<80xi32, #tpu.memory_space<hbm>>
        %dma_wait3A_194 = arith.constant 0 : i32
        %dma_wait3A_195 = tpu.memref_slice %arg11[%and3A_97, %dma_wait3A_189, %dma_wait3A_194] : memref<2x1x80xi32, #tpu.memory_space<vmem>> -> memref<1x1x80xi32, #tpu.memory_space<vmem>>
        %dma_wait3A_196 = tpu.memref_squeeze %dma_wait3A_195 : memref<1x1x80xi32, #tpu.memory_space<vmem>> -> memref<80xi32, #tpu.memory_space<vmem>>
        %dma_wait3A_197 = tpu.memref_slice %arg3[%add3A_188] : memref<320000xi32, #tpu.memory_space<hbm>> -> memref<80xi32, #tpu.memory_space<hbm>>
        tpu.wait_dma2 semaphore(%arg19 : memref<!tpu.dma_semaphore, #tpu.memory_space<semaphore_mem>>) src(%dma_wait3A_197 : memref<80xi32, #tpu.memory_space<hbm>>) dst(%dma_wait3A_196 : memref<80xi32, #tpu.memory_space<vmem>>)
        %dma_start3A_198 = arith.constant 0 : i32
        %dma_start3A_199 = arith.constant 0 : i32
        %dma_start3A_200 = tpu.memref_slice %arg11[%and3A_97, %dma_start3A_198, %dma_start3A_199] : memref<2x1x80xi32, #tpu.memory_space<vmem>> -> memref<1x1x80xi32, #tpu.memory_space<vmem>>
        %dma_start3A_201 = tpu.memref_squeeze %dma_start3A_200 : memref<1x1x80xi32, #tpu.memory_space<vmem>> -> memref<80xi32, #tpu.memory_space<vmem>>
        %dma_start3A_202 = arith.constant 0 : i32
        %dma_start3A_203 = arith.constant 0 : i32
        %dma_start3A_204 = tpu.memref_slice %arg7[%dma_start3A_202, %dma_start3A_203] : memref<10000x128xf32, #tpu.memory_space<vmem_shared>> -> memref<10000x128xf32, #tpu.memory_space<vmem_shared>>
        tpu.enqueue_indirect_dma source(%arg13 : memref<80x128xf32, #tpu.memory_space<vmem>>) target(%dma_start3A_204 : memref<10000x128xf32, #tpu.memory_space<vmem_shared>>) offsets(%dma_start3A_201 : memref<80xi32, #tpu.memory_space<vmem>>) semaphore(%arg21 : memref<!tpu.dma_semaphore, #tpu.memory_space<semaphore_mem>>) {add = true}
      } else {
      }
      %add3A_155 = arith.constant 2 : i32
      %add3A_156 = arith.addi %mul3A_99, %add3A_155 : i32
      %lt3A_157 = arith.constant 125 : i32
      %lt3A_158 = arith.cmpi slt, %add3A_156, %lt3A_157 : i32
      %convert_element_type3A_159 = arith.extui %lt3A_158 : i1 to i32
      %cond3A_160 = arith.constant 0 : i32
      %cond3A_161 = arith.cmpi ne, %convert_element_type3A_159, %cond3A_160 : i32
      scf.if %cond3A_161 {
        %dma_wait3A_162 = arith.constant 0 : i32
        %dma_wait3A_163 = arith.constant 0 : i32
        %dma_wait3A_164 = tpu.memref_slice %arg10[%and3A_97, %dma_wait3A_162, %dma_wait3A_163] : memref<2x1x80xi32, #tpu.memory_space<vmem>> -> memref<1x1x80xi32, #tpu.memory_space<vmem>>
        %dma_wait3A_165 = tpu.memref_squeeze %dma_wait3A_164 : memref<1x1x80xi32, #tpu.memory_space<vmem>> -> memref<80xi32, #tpu.memory_space<vmem>>
        %dma_wait3A_166 = arith.constant 0 : i32
        %dma_wait3A_167 = arith.constant 0 : i32
        %dma_wait3A_168 = tpu.memref_slice %arg7[%dma_wait3A_166, %dma_wait3A_167] : memref<10000x128xf32, #tpu.memory_space<vmem_shared>> -> memref<10000x128xf32, #tpu.memory_space<vmem_shared>>
        tpu.wait_indirect_dma semaphore(%arg20 : memref<!tpu.dma_semaphore, #tpu.memory_space<semaphore_mem>>) src(%arg12 : memref<80x128xf32, #tpu.memory_space<vmem>>) dst(%dma_wait3A_168 : memref<10000x128xf32, #tpu.memory_space<vmem_shared>>)
        %dma_wait3A_169 = arith.constant 0 : i32
        %dma_wait3A_170 = arith.constant 0 : i32
        %dma_wait3A_171 = tpu.memref_slice %arg8[%and3A_97, %dma_wait3A_169, %dma_wait3A_170] : memref<2x1x80xi32, #tpu.memory_space<vmem>> -> memref<1x1x80xi32, #tpu.memory_space<vmem>>
        %dma_wait3A_172 = tpu.memref_squeeze %dma_wait3A_171 : memref<1x1x80xi32, #tpu.memory_space<vmem>> -> memref<80xi32, #tpu.memory_space<vmem>>
        %dma_wait3A_173 = tpu.memref_slice %arg2[%mul3A_2] : memref<320000xi32, #tpu.memory_space<hbm>> -> memref<80xi32, #tpu.memory_space<hbm>>
        %dma_wait3A_174 = arith.constant 0 : i32
        %dma_wait3A_175 = tpu.memref_slice %arg8[%and3A_97, %dma_wait3A_169, %dma_wait3A_174] : memref<2x1x80xi32, #tpu.memory_space<vmem>> -> memref<1x1x80xi32, #tpu.memory_space<vmem>>
        %dma_wait3A_176 = tpu.memref_squeeze %dma_wait3A_175 : memref<1x1x80xi32, #tpu.memory_space<vmem>> -> memref<80xi32, #tpu.memory_space<vmem>>
        %dma_wait3A_177 = tpu.memref_slice %arg2[%mul3A_2] : memref<320000xi32, #tpu.memory_space<hbm>> -> memref<80xi32, #tpu.memory_space<hbm>>
        tpu.wait_dma2 semaphore(%arg16 : memref<!tpu.dma_semaphore, #tpu.memory_space<semaphore_mem>>) src(%dma_wait3A_177 : memref<80xi32, #tpu.memory_space<hbm>>) dst(%dma_wait3A_176 : memref<80xi32, #tpu.memory_space<vmem>>)
        %sub3A = arith.constant 1 : i32
        %sub3A_178 = arith.subi %sub3A, %and3A_97 : i32
        %dma_start3A_179 = arith.constant 0 : i32
        %dma_start3A_180 = arith.constant 0 : i32
        %dma_start3A_181 = tpu.memref_slice %arg8[%sub3A_178, %dma_start3A_179, %dma_start3A_180] : memref<2x1x80xi32, #tpu.memory_space<vmem>> -> memref<1x1x80xi32, #tpu.memory_space<vmem>>
        %dma_start3A_182 = tpu.memref_squeeze %dma_start3A_181 : memref<1x1x80xi32, #tpu.memory_space<vmem>> -> memref<80xi32, #tpu.memory_space<vmem>>
        %dma_start3A_183 = arith.constant 0 : i32
        %dma_start3A_184 = arith.constant 0 : i32
        %dma_start3A_185 = tpu.memref_slice %arg4[%dma_start3A_183, %dma_start3A_184] : memref<10000x128xf32, #tpu.memory_space<hbm>> -> memref<10000x128xf32, #tpu.memory_space<hbm>>
        tpu.enqueue_indirect_dma source(%dma_start3A_185 : memref<10000x128xf32, #tpu.memory_space<hbm>>) target(%arg12 : memref<80x128xf32, #tpu.memory_space<vmem>>) offsets(%dma_start3A_182 : memref<80xi32, #tpu.memory_space<vmem>>) semaphore(%arg14 : memref<!tpu.dma_semaphore, #tpu.memory_space<semaphore_mem>>)
      } else {
      }
    }
    %scan3A_73 = arith.constant 63 : i32
    %dma_wait3A_74 = arith.constant 0 : i32
    %dma_wait3A_75 = arith.constant 0 : i32
    %dma_wait3A_76 = arith.constant 0 : i32
    %dma_wait3A_77 = tpu.memref_slice %arg10[%dma_wait3A_74, %dma_wait3A_75, %dma_wait3A_76] : memref<2x1x80xi32, #tpu.memory_space<vmem>> -> memref<1x1x80xi32, #tpu.memory_space<vmem>>
    %dma_wait3A_78 = tpu.memref_squeeze %dma_wait3A_77 : memref<1x1x80xi32, #tpu.memory_space<vmem>> -> memref<80xi32, #tpu.memory_space<vmem>>
    %dma_wait3A_79 = arith.constant 0 : i32
    %dma_wait3A_80 = arith.constant 0 : i32
    %dma_wait3A_81 = tpu.memref_slice %arg7[%dma_wait3A_79, %dma_wait3A_80] : memref<10000x128xf32, #tpu.memory_space<vmem_shared>> -> memref<10000x128xf32, #tpu.memory_space<vmem_shared>>
    tpu.wait_indirect_dma semaphore(%arg20 : memref<!tpu.dma_semaphore, #tpu.memory_space<semaphore_mem>>) src(%arg12 : memref<80x128xf32, #tpu.memory_space<vmem>>) dst(%dma_wait3A_81 : memref<10000x128xf32, #tpu.memory_space<vmem_shared>>)
    %barrier3A_82 = arith.constant 0 : index
    tpu.barrier barrier_id(%barrier3A_82)
    %lt3A = arith.constant 15 : i32
    %lt3A_83 = arith.cmpi slt, %arg1, %lt3A : i32
    %convert_element_type3A_84 = arith.extui %lt3A_83 : i1 to i32
    %cond3A_85 = arith.constant 0 : i32
    %cond3A_86 = arith.cmpi ne, %convert_element_type3A_84, %cond3A_85 : i32
    scf.if %cond3A_86 {
      %mul3A_92 = arith.constant 624 : i32
      %mul3A_93 = arith.muli %arg1, %mul3A_92 : i32
      "tpu.region"() ({
        %run_scoped3A = tpu.sem_alloc : memref<!tpu.dma_semaphore, #tpu.memory_space<semaphore_mem>>
        %dma_start3A_94 = arith.constant 0 : i32
        %dma_start3A_95 = tpu.memref_slice %arg6[%arg0, %mul3A_93, %dma_start3A_94] : memref<2x10000x128xf32, #tpu.memory_space<hbm>> -> memref<1x624x128xf32, #tpu.memory_space<hbm>>
        %dma_start3A_96 = tpu.memref_squeeze %dma_start3A_95 : memref<1x624x128xf32, #tpu.memory_space<hbm>> -> memref<624x128xf32, #tpu.memory_space<hbm>>
        %dma_start3A_97 = arith.constant 0 : i32
        %dma_start3A_98 = tpu.memref_slice %arg7[%mul3A_93, %dma_start3A_97] : memref<10000x128xf32, #tpu.memory_space<vmem_shared>> -> memref<624x128xf32, #tpu.memory_space<vmem_shared>>
        tpu.enqueue_dma source(%dma_start3A_98 : memref<624x128xf32, #tpu.memory_space<vmem_shared>>) target(%dma_start3A_96 : memref<624x128xf32, #tpu.memory_space<hbm>>) target_semaphore(%run_scoped3A : memref<!tpu.dma_semaphore, #tpu.memory_space<semaphore_mem>>)
        %dma_wait3A_99 = arith.constant 0 : i32
        %dma_wait3A_100 = tpu.memref_slice %arg6[%arg0, %mul3A_93, %dma_wait3A_99] : memref<2x10000x128xf32, #tpu.memory_space<hbm>> -> memref<1x624x128xf32, #tpu.memory_space<hbm>>
        %dma_wait3A_101 = tpu.memref_squeeze %dma_wait3A_100 : memref<1x624x128xf32, #tpu.memory_space<hbm>> -> memref<624x128xf32, #tpu.memory_space<hbm>>
        %dma_wait3A_102 = arith.constant 0 : i32
        %dma_wait3A_103 = tpu.memref_slice %arg7[%mul3A_93, %dma_wait3A_102] : memref<10000x128xf32, #tpu.memory_space<vmem_shared>> -> memref<624x128xf32, #tpu.memory_space<vmem_shared>>
        tpu.wait_dma2 semaphore(%run_scoped3A : memref<!tpu.dma_semaphore, #tpu.memory_space<semaphore_mem>>) src(%dma_wait3A_103 : memref<624x128xf32, #tpu.memory_space<vmem_shared>>) dst(%dma_wait3A_101 : memref<624x128xf32, #tpu.memory_space<hbm>>)
        tpu.yield
      }) : () -> ()
    } else {
    }
    %eq3A_87 = arith.constant 15 : i32
    %eq3A_88 = arith.cmpi eq, %arg1, %eq3A_87 : i32
    %convert_element_type3A_89 = arith.extui %eq3A_88 : i1 to i32
    %cond3A_90 = arith.constant 0 : i32
    %cond3A_91 = arith.cmpi ne, %convert_element_type3A_89, %cond3A_90 : i32
    scf.if %cond3A_91 {
      "tpu.region"() ({
        %run_scoped3A = tpu.sem_alloc : memref<!tpu.dma_semaphore, #tpu.memory_space<semaphore_mem>>
        %dma_start3A_92 = arith.constant 9360 : i32
        %dma_start3A_93 = arith.constant 0 : i32
        %dma_start3A_94 = tpu.memref_slice %arg6[%arg0, %dma_start3A_92, %dma_start3A_93] : memref<2x10000x128xf32, #tpu.memory_space<hbm>> -> memref<1x640x128xf32, #tpu.memory_space<hbm>>
        %dma_start3A_95 = tpu.memref_squeeze %dma_start3A_94 : memref<1x640x128xf32, #tpu.memory_space<hbm>> -> memref<640x128xf32, #tpu.memory_space<hbm>>
        %dma_start3A_96 = arith.constant 9360 : i32
        %dma_start3A_97 = arith.constant 0 : i32
        %dma_start3A_98 = tpu.memref_slice %arg7[%dma_start3A_96, %dma_start3A_97] : memref<10000x128xf32, #tpu.memory_space<vmem_shared>> -> memref<640x128xf32, #tpu.memory_space<vmem_shared>>
        tpu.enqueue_dma source(%dma_start3A_98 : memref<640x128xf32, #tpu.memory_space<vmem_shared>>) target(%dma_start3A_95 : memref<640x128xf32, #tpu.memory_space<hbm>>) target_semaphore(%run_scoped3A : memref<!tpu.dma_semaphore, #tpu.memory_space<semaphore_mem>>)
        %dma_wait3A_99 = arith.constant 9360 : i32
        %dma_wait3A_100 = arith.constant 0 : i32
        %dma_wait3A_101 = tpu.memref_slice %arg6[%arg0, %dma_wait3A_99, %dma_wait3A_100] : memref<2x10000x128xf32, #tpu.memory_space<hbm>> -> memref<1x640x128xf32, #tpu.memory_space<hbm>>
        %dma_wait3A_102 = tpu.memref_squeeze %dma_wait3A_101 : memref<1x640x128xf32, #tpu.memory_space<hbm>> -> memref<640x128xf32, #tpu.memory_space<hbm>>
        %dma_wait3A_103 = arith.constant 9360 : i32
        %dma_wait3A_104 = arith.constant 0 : i32
        %dma_wait3A_105 = tpu.memref_slice %arg7[%dma_wait3A_103, %dma_wait3A_104] : memref<10000x128xf32, #tpu.memory_space<vmem_shared>> -> memref<640x128xf32, #tpu.memory_space<vmem_shared>>
        tpu.wait_dma2 semaphore(%run_scoped3A : memref<!tpu.dma_semaphore, #tpu.memory_space<semaphore_mem>>) src(%dma_wait3A_105 : memref<640x128xf32, #tpu.memory_space<vmem_shared>>) dst(%dma_wait3A_102 : memref<640x128xf32, #tpu.memory_space<hbm>>)
        tpu.yield
      }) : () -> ()
    } else {
    }
    return
  }
}

#map = affine_map<(d0, d1) -> (0)>
#map1 = affine_map<(d0, d1) -> (0, 0)>
#map2 = affine_map<(d0, d1) -> (0, 0, 0)>
module attributes {stable_mosaic.version = 14 : i64} {
  func.func @_sc_scatter_full(%arg0: i32, %arg1: i32, %arg2: memref<320000xi32, #tpu.memory_space<hbm>>, %arg3: memref<320000xi32, #tpu.memory_space<hbm>>, %arg4: memref<10000x128xf32, #tpu.memory_space<hbm>>, %arg5: memref<10000x128xf32, #tpu.memory_space<hbm>>, %arg6: memref<2x10000x128xf32, #tpu.memory_space<hbm>>, %arg7: memref<10000x128xf32, #tpu.memory_space<vmem_shared>>, %arg8: memref<2x1x80xi32, #tpu.memory_space<vmem>>, %arg9: memref<2x1x80xi32, #tpu.memory_space<vmem>>, %arg10: memref<2x1x80xi32, #tpu.memory_space<vmem>>, %arg11: memref<2x1x80xi32, #tpu.memory_space<vmem>>, %arg12: memref<80x128xf32, #tpu.memory_space<vmem>>, %arg13: memref<80x128xf32, #tpu.memory_space<vmem>>, %arg14: memref<!tpu.dma_semaphore, #tpu.memory_space<semaphore_mem>>, %arg15: memref<!tpu.dma_semaphore, #tpu.memory_space<semaphore_mem>>, %arg16: memref<!tpu.dma_semaphore, #tpu.memory_space<semaphore_mem>>, %arg17: memref<!tpu.dma_semaphore, #tpu.memory_space<semaphore_mem>>, %arg18: memref<!tpu.dma_semaphore, #tpu.memory_space<semaphore_mem>>, %arg19: memref<!tpu.dma_semaphore, #tpu.memory_space<semaphore_mem>>, %arg20: memref<!tpu.dma_semaphore, #tpu.memory_space<semaphore_mem>>, %arg21: memref<!tpu.dma_semaphore, #tpu.memory_space<semaphore_mem>>) attributes {dimension_semantics = [#tpu.dimension_semantics<core_parallel>, #tpu.dimension_semantics<subcore_parallel>], iteration_bounds = array<i64: 2, 16>, scalar_prefetch = 0 : i64, scratch_operands = 15 : i64, tpu.core_type = #tpu.core_type<sc_vector_subcore>, window_params = [{transform_indices = #map}, {transform_indices = #map}, {transform_indices = #map1}, {transform_indices = #map1}, {transform_indices = #map2}]} {
    %mul3A = arith.constant 16 : i32
    %mul3A_0 = arith.muli %arg0, %mul3A : i32
    %add3A = arith.addi %mul3A_0, %arg1 : i32
    %mul3A_1 = arith.constant 10000 : i32
    %mul3A_2 = arith.muli %add3A, %mul3A_1 : i32
    %eq3A = arith.constant 0 : i32
    %eq3A_3 = arith.cmpi eq, %arg0, %eq3A : i32
    %convert_element_type3A = arith.extui %eq3A_3 : i1 to i32
    %cond3A = arith.constant 0 : i32
    %cond3A_4 = arith.cmpi ne, %convert_element_type3A, %cond3A : i32
    scf.if %cond3A_4 {
      %lt3A_92 = arith.constant 15 : i32
      %lt3A_93 = arith.cmpi slt, %arg1, %lt3A_92 : i32
      %convert_element_type3A_94 = arith.extui %lt3A_93 : i1 to i32
      %cond3A_95 = arith.constant 0 : i32
      %cond3A_96 = arith.cmpi ne, %convert_element_type3A_94, %cond3A_95 : i32
      scf.if %cond3A_96 {
        %mul3A_102 = arith.constant 624 : i32
        %mul3A_103 = arith.muli %arg1, %mul3A_102 : i32
        "tpu.region"() ({
          %run_scoped3A = tpu.sem_alloc : memref<!tpu.dma_semaphore, #tpu.memory_space<semaphore_mem>>
          %dma_start3A_104 = arith.constant 0 : i32
          %dma_start3A_105 = tpu.memref_slice %arg7[%mul3A_103, %dma_start3A_104] : memref<10000x128xf32, #tpu.memory_space<vmem_shared>> -> memref<624x128xf32, #tpu.memory_space<vmem_shared>>
          %dma_start3A_106 = arith.constant 0 : i32
          %dma_start3A_107 = tpu.memref_slice %arg4[%mul3A_103, %dma_start3A_106] : memref<10000x128xf32, #tpu.memory_space<hbm>> -> memref<624x128xf32, #tpu.memory_space<hbm>>
          tpu.enqueue_dma source(%dma_start3A_107 : memref<624x128xf32, #tpu.memory_space<hbm>>) target(%dma_start3A_105 : memref<624x128xf32, #tpu.memory_space<vmem_shared>>) target_semaphore(%run_scoped3A : memref<!tpu.dma_semaphore, #tpu.memory_space<semaphore_mem>>)
          %dma_wait3A_108 = arith.constant 0 : i32
          %dma_wait3A_109 = tpu.memref_slice %arg7[%mul3A_103, %dma_wait3A_108] : memref<10000x128xf32, #tpu.memory_space<vmem_shared>> -> memref<624x128xf32, #tpu.memory_space<vmem_shared>>
          %dma_wait3A_110 = arith.constant 0 : i32
          %dma_wait3A_111 = tpu.memref_slice %arg4[%mul3A_103, %dma_wait3A_110] : memref<10000x128xf32, #tpu.memory_space<hbm>> -> memref<624x128xf32, #tpu.memory_space<hbm>>
          tpu.wait_dma2 semaphore(%run_scoped3A : memref<!tpu.dma_semaphore, #tpu.memory_space<semaphore_mem>>) src(%dma_wait3A_111 : memref<624x128xf32, #tpu.memory_space<hbm>>) dst(%dma_wait3A_109 : memref<624x128xf32, #tpu.memory_space<vmem_shared>>)
          tpu.yield
        }) : () -> ()
      } else {
      }
      %eq3A_97 = arith.constant 15 : i32
      %eq3A_98 = arith.cmpi eq, %arg1, %eq3A_97 : i32
      %convert_element_type3A_99 = arith.extui %eq3A_98 : i1 to i32
      %cond3A_100 = arith.constant 0 : i32
      %cond3A_101 = arith.cmpi ne, %convert_element_type3A_99, %cond3A_100 : i32
      scf.if %cond3A_101 {
        "tpu.region"() ({
          %run_scoped3A = tpu.sem_alloc : memref<!tpu.dma_semaphore, #tpu.memory_space<semaphore_mem>>
          %dma_start3A_102 = arith.constant 9360 : i32
          %dma_start3A_103 = arith.constant 0 : i32
          %dma_start3A_104 = tpu.memref_slice %arg7[%dma_start3A_102, %dma_start3A_103] : memref<10000x128xf32, #tpu.memory_space<vmem_shared>> -> memref<640x128xf32, #tpu.memory_space<vmem_shared>>
          %dma_start3A_105 = arith.constant 9360 : i32
          %dma_start3A_106 = arith.constant 0 : i32
          %dma_start3A_107 = tpu.memref_slice %arg4[%dma_start3A_105, %dma_start3A_106] : memref<10000x128xf32, #tpu.memory_space<hbm>> -> memref<640x128xf32, #tpu.memory_space<hbm>>
          tpu.enqueue_dma source(%dma_start3A_107 : memref<640x128xf32, #tpu.memory_space<hbm>>) target(%dma_start3A_104 : memref<640x128xf32, #tpu.memory_space<vmem_shared>>) target_semaphore(%run_scoped3A : memref<!tpu.dma_semaphore, #tpu.memory_space<semaphore_mem>>)
          %dma_wait3A_108 = arith.constant 9360 : i32
          %dma_wait3A_109 = arith.constant 0 : i32
          %dma_wait3A_110 = tpu.memref_slice %arg7[%dma_wait3A_108, %dma_wait3A_109] : memref<10000x128xf32, #tpu.memory_space<vmem_shared>> -> memref<640x128xf32, #tpu.memory_space<vmem_shared>>
          %dma_wait3A_111 = arith.constant 9360 : i32
          %dma_wait3A_112 = arith.constant 0 : i32
          %dma_wait3A_113 = tpu.memref_slice %arg4[%dma_wait3A_111, %dma_wait3A_112] : memref<10000x128xf32, #tpu.memory_space<hbm>> -> memref<640x128xf32, #tpu.memory_space<hbm>>
          tpu.wait_dma2 semaphore(%run_scoped3A : memref<!tpu.dma_semaphore, #tpu.memory_space<semaphore_mem>>) src(%dma_wait3A_113 : memref<640x128xf32, #tpu.memory_space<hbm>>) dst(%dma_wait3A_110 : memref<640x128xf32, #tpu.memory_space<vmem_shared>>)
          tpu.yield
        }) : () -> ()
      } else {
      }
    } else {
    }
    %eq3A_5 = arith.constant 1 : i32
    %eq3A_6 = arith.cmpi eq, %arg0, %eq3A_5 : i32
    %convert_element_type3A_7 = arith.extui %eq3A_6 : i1 to i32
    %cond3A_8 = arith.constant 0 : i32
    %cond3A_9 = arith.cmpi ne, %convert_element_type3A_7, %cond3A_8 : i32
    scf.if %cond3A_9 {
      %lt3A_92 = arith.constant 15 : i32
      %lt3A_93 = arith.cmpi slt, %arg1, %lt3A_92 : i32
      %convert_element_type3A_94 = arith.extui %lt3A_93 : i1 to i32
      %cond3A_95 = arith.constant 0 : i32
      %cond3A_96 = arith.cmpi ne, %convert_element_type3A_94, %cond3A_95 : i32
      scf.if %cond3A_96 {
        %mul3A_102 = arith.constant 624 : i32
        %mul3A_103 = arith.muli %arg1, %mul3A_102 : i32
        "tpu.region"() ({
          %run_scoped3A = tpu.sem_alloc : memref<!tpu.dma_semaphore, #tpu.memory_space<semaphore_mem>>
          %dma_start3A_104 = arith.constant 0 : i32
          %dma_start3A_105 = tpu.memref_slice %arg7[%mul3A_103, %dma_start3A_104] : memref<10000x128xf32, #tpu.memory_space<vmem_shared>> -> memref<624x128xf32, #tpu.memory_space<vmem_shared>>
          %dma_start3A_106 = arith.constant 0 : i32
          %dma_start3A_107 = tpu.memref_slice %arg5[%mul3A_103, %dma_start3A_106] : memref<10000x128xf32, #tpu.memory_space<hbm>> -> memref<624x128xf32, #tpu.memory_space<hbm>>
          tpu.enqueue_dma source(%dma_start3A_107 : memref<624x128xf32, #tpu.memory_space<hbm>>) target(%dma_start3A_105 : memref<624x128xf32, #tpu.memory_space<vmem_shared>>) target_semaphore(%run_scoped3A : memref<!tpu.dma_semaphore, #tpu.memory_space<semaphore_mem>>)
          %dma_wait3A_108 = arith.constant 0 : i32
          %dma_wait3A_109 = tpu.memref_slice %arg7[%mul3A_103, %dma_wait3A_108] : memref<10000x128xf32, #tpu.memory_space<vmem_shared>> -> memref<624x128xf32, #tpu.memory_space<vmem_shared>>
          %dma_wait3A_110 = arith.constant 0 : i32
          %dma_wait3A_111 = tpu.memref_slice %arg5[%mul3A_103, %dma_wait3A_110] : memref<10000x128xf32, #tpu.memory_space<hbm>> -> memref<624x128xf32, #tpu.memory_space<hbm>>
          tpu.wait_dma2 semaphore(%run_scoped3A : memref<!tpu.dma_semaphore, #tpu.memory_space<semaphore_mem>>) src(%dma_wait3A_111 : memref<624x128xf32, #tpu.memory_space<hbm>>) dst(%dma_wait3A_109 : memref<624x128xf32, #tpu.memory_space<vmem_shared>>)
          tpu.yield
        }) : () -> ()
      } else {
      }
      %eq3A_97 = arith.constant 15 : i32
      %eq3A_98 = arith.cmpi eq, %arg1, %eq3A_97 : i32
      %convert_element_type3A_99 = arith.extui %eq3A_98 : i1 to i32
      %cond3A_100 = arith.constant 0 : i32
      %cond3A_101 = arith.cmpi ne, %convert_element_type3A_99, %cond3A_100 : i32
      scf.if %cond3A_101 {
        "tpu.region"() ({
          %run_scoped3A = tpu.sem_alloc : memref<!tpu.dma_semaphore, #tpu.memory_space<semaphore_mem>>
          %dma_start3A_102 = arith.constant 9360 : i32
          %dma_start3A_103 = arith.constant 0 : i32
          %dma_start3A_104 = tpu.memref_slice %arg7[%dma_start3A_102, %dma_start3A_103] : memref<10000x128xf32, #tpu.memory_space<vmem_shared>> -> memref<640x128xf32, #tpu.memory_space<vmem_shared>>
          %dma_start3A_105 = arith.constant 9360 : i32
          %dma_start3A_106 = arith.constant 0 : i32
          %dma_start3A_107 = tpu.memref_slice %arg5[%dma_start3A_105, %dma_start3A_106] : memref<10000x128xf32, #tpu.memory_space<hbm>> -> memref<640x128xf32, #tpu.memory_space<hbm>>
          tpu.enqueue_dma source(%dma_start3A_107 : memref<640x128xf32, #tpu.memory_space<hbm>>) target(%dma_start3A_104 : memref<640x128xf32, #tpu.memory_space<vmem_shared>>) target_semaphore(%run_scoped3A : memref<!tpu.dma_semaphore, #tpu.memory_space<semaphore_mem>>)
          %dma_wait3A_108 = arith.constant 9360 : i32
          %dma_wait3A_109 = arith.constant 0 : i32
          %dma_wait3A_110 = tpu.memref_slice %arg7[%dma_wait3A_108, %dma_wait3A_109] : memref<10000x128xf32, #tpu.memory_space<vmem_shared>> -> memref<640x128xf32, #tpu.memory_space<vmem_shared>>
          %dma_wait3A_111 = arith.constant 9360 : i32
          %dma_wait3A_112 = arith.constant 0 : i32
          %dma_wait3A_113 = tpu.memref_slice %arg5[%dma_wait3A_111, %dma_wait3A_112] : memref<10000x128xf32, #tpu.memory_space<hbm>> -> memref<640x128xf32, #tpu.memory_space<hbm>>
          tpu.wait_dma2 semaphore(%run_scoped3A : memref<!tpu.dma_semaphore, #tpu.memory_space<semaphore_mem>>) src(%dma_wait3A_113 : memref<640x128xf32, #tpu.memory_space<hbm>>) dst(%dma_wait3A_110 : memref<640x128xf32, #tpu.memory_space<vmem_shared>>)
          tpu.yield
        }) : () -> ()
      } else {
      }
    } else {
    }
    %barrier3A = arith.constant 0 : index
    tpu.barrier barrier_id(%barrier3A)
    %dma_start3A = arith.constant 0 : i32
    %dma_start3A_10 = arith.constant 0 : i32
    %dma_start3A_11 = arith.constant 0 : i32
    %dma_start3A_12 = tpu.memref_slice %arg8[%dma_start3A, %dma_start3A_10, %dma_start3A_11] : memref<2x1x80xi32, #tpu.memory_space<vmem>> -> memref<1x1x80xi32, #tpu.memory_space<vmem>>
    %dma_start3A_13 = tpu.memref_squeeze %dma_start3A_12 : memref<1x1x80xi32, #tpu.memory_space<vmem>> -> memref<80xi32, #tpu.memory_space<vmem>>
    %dma_start3A_14 = tpu.memref_slice %arg2[%mul3A_2] : memref<320000xi32, #tpu.memory_space<hbm>> -> memref<80xi32, #tpu.memory_space<hbm>>
    %dma_start3A_15 = arith.constant 0 : i32
    %dma_start3A_16 = tpu.memref_slice %arg8[%dma_start3A, %dma_start3A_10, %dma_start3A_15] : memref<2x1x80xi32, #tpu.memory_space<vmem>> -> memref<1x1x80xi32, #tpu.memory_space<vmem>>
    %dma_start3A_17 = tpu.memref_squeeze %dma_start3A_16 : memref<1x1x80xi32, #tpu.memory_space<vmem>> -> memref<80xi32, #tpu.memory_space<vmem>>
    %dma_start3A_18 = tpu.memref_slice %arg2[%mul3A_2] : memref<320000xi32, #tpu.memory_space<hbm>> -> memref<80xi32, #tpu.memory_space<hbm>>
    tpu.enqueue_dma source(%dma_start3A_18 : memref<80xi32, #tpu.memory_space<hbm>>) target(%dma_start3A_17 : memref<80xi32, #tpu.memory_space<vmem>>) target_semaphore(%arg16 : memref<!tpu.dma_semaphore, #tpu.memory_space<semaphore_mem>>)
    %add3A_19 = arith.constant 80 : i32
    %add3A_20 = arith.addi %mul3A_2, %add3A_19 : i32
    %dma_start3A_21 = arith.constant 0 : i32
    %dma_start3A_22 = arith.constant 0 : i32
    %dma_start3A_23 = arith.constant 0 : i32
    %dma_start3A_24 = tpu.memref_slice %arg9[%dma_start3A_21, %dma_start3A_22, %dma_start3A_23] : memref<2x1x80xi32, #tpu.memory_space<vmem>> -> memref<1x1x80xi32, #tpu.memory_space<vmem>>
    %dma_start3A_25 = tpu.memref_squeeze %dma_start3A_24 : memref<1x1x80xi32, #tpu.memory_space<vmem>> -> memref<80xi32, #tpu.memory_space<vmem>>
    %dma_start3A_26 = tpu.memref_slice %arg2[%add3A_20] : memref<320000xi32, #tpu.memory_space<hbm>> -> memref<80xi32, #tpu.memory_space<hbm>>
    %dma_start3A_27 = arith.constant 0 : i32
    %dma_start3A_28 = tpu.memref_slice %arg9[%dma_start3A_21, %dma_start3A_22, %dma_start3A_27] : memref<2x1x80xi32, #tpu.memory_space<vmem>> -> memref<1x1x80xi32, #tpu.memory_space<vmem>>
    %dma_start3A_29 = tpu.memref_squeeze %dma_start3A_28 : memref<1x1x80xi32, #tpu.memory_space<vmem>> -> memref<80xi32, #tpu.memory_space<vmem>>
    %dma_start3A_30 = tpu.memref_slice %arg2[%add3A_20] : memref<320000xi32, #tpu.memory_space<hbm>> -> memref<80xi32, #tpu.memory_space<hbm>>
    tpu.enqueue_dma source(%dma_start3A_30 : memref<80xi32, #tpu.memory_space<hbm>>) target(%dma_start3A_29 : memref<80xi32, #tpu.memory_space<vmem>>) target_semaphore(%arg17 : memref<!tpu.dma_semaphore, #tpu.memory_space<semaphore_mem>>)
    %dma_start3A_31 = arith.constant 0 : i32
    %dma_start3A_32 = arith.constant 0 : i32
    %dma_start3A_33 = arith.constant 0 : i32
    %dma_start3A_34 = tpu.memref_slice %arg10[%dma_start3A_31, %dma_start3A_32, %dma_start3A_33] : memref<2x1x80xi32, #tpu.memory_space<vmem>> -> memref<1x1x80xi32, #tpu.memory_space<vmem>>
    %dma_start3A_35 = tpu.memref_squeeze %dma_start3A_34 : memref<1x1x80xi32, #tpu.memory_space<vmem>> -> memref<80xi32, #tpu.memory_space<vmem>>
    %dma_start3A_36 = tpu.memref_slice %arg3[%mul3A_2] : memref<320000xi32, #tpu.memory_space<hbm>> -> memref<80xi32, #tpu.memory_space<hbm>>
    %dma_start3A_37 = arith.constant 0 : i32
    %dma_start3A_38 = tpu.memref_slice %arg10[%dma_start3A_31, %dma_start3A_32, %dma_start3A_37] : memref<2x1x80xi32, #tpu.memory_space<vmem>> -> memref<1x1x80xi32, #tpu.memory_space<vmem>>
    %dma_start3A_39 = tpu.memref_squeeze %dma_start3A_38 : memref<1x1x80xi32, #tpu.memory_space<vmem>> -> memref<80xi32, #tpu.memory_space<vmem>>
    %dma_start3A_40 = tpu.memref_slice %arg3[%mul3A_2] : memref<320000xi32, #tpu.memory_space<hbm>> -> memref<80xi32, #tpu.memory_space<hbm>>
    tpu.enqueue_dma source(%dma_start3A_40 : memref<80xi32, #tpu.memory_space<hbm>>) target(%dma_start3A_39 : memref<80xi32, #tpu.memory_space<vmem>>) target_semaphore(%arg18 : memref<!tpu.dma_semaphore, #tpu.memory_space<semaphore_mem>>)
    %add3A_41 = arith.constant 80 : i32
    %add3A_42 = arith.addi %mul3A_2, %add3A_41 : i32
    %dma_start3A_43 = arith.constant 0 : i32
    %dma_start3A_44 = arith.constant 0 : i32
    %dma_start3A_45 = arith.constant 0 : i32
    %dma_start3A_46 = tpu.memref_slice %arg11[%dma_start3A_43, %dma_start3A_44, %dma_start3A_45] : memref<2x1x80xi32, #tpu.memory_space<vmem>> -> memref<1x1x80xi32, #tpu.memory_space<vmem>>
    %dma_start3A_47 = tpu.memref_squeeze %dma_start3A_46 : memref<1x1x80xi32, #tpu.memory_space<vmem>> -> memref<80xi32, #tpu.memory_space<vmem>>
    %dma_start3A_48 = tpu.memref_slice %arg3[%add3A_42] : memref<320000xi32, #tpu.memory_space<hbm>> -> memref<80xi32, #tpu.memory_space<hbm>>
    %dma_start3A_49 = arith.constant 0 : i32
    %dma_start3A_50 = tpu.memref_slice %arg11[%dma_start3A_43, %dma_start3A_44, %dma_start3A_49] : memref<2x1x80xi32, #tpu.memory_space<vmem>> -> memref<1x1x80xi32, #tpu.memory_space<vmem>>
    %dma_start3A_51 = tpu.memref_squeeze %dma_start3A_50 : memref<1x1x80xi32, #tpu.memory_space<vmem>> -> memref<80xi32, #tpu.memory_space<vmem>>
    %dma_start3A_52 = tpu.memref_slice %arg3[%add3A_42] : memref<320000xi32, #tpu.memory_space<hbm>> -> memref<80xi32, #tpu.memory_space<hbm>>
    tpu.enqueue_dma source(%dma_start3A_52 : memref<80xi32, #tpu.memory_space<hbm>>) target(%dma_start3A_51 : memref<80xi32, #tpu.memory_space<vmem>>) target_semaphore(%arg19 : memref<!tpu.dma_semaphore, #tpu.memory_space<semaphore_mem>>)
    %dma_wait3A = arith.constant 0 : i32
    %dma_wait3A_53 = arith.constant 0 : i32
    %dma_wait3A_54 = arith.constant 0 : i32
    %dma_wait3A_55 = tpu.memref_slice %arg8[%dma_wait3A, %dma_wait3A_53, %dma_wait3A_54] : memref<2x1x80xi32, #tpu.memory_space<vmem>> -> memref<1x1x80xi32, #tpu.memory_space<vmem>>
    %dma_wait3A_56 = tpu.memref_squeeze %dma_wait3A_55 : memref<1x1x80xi32, #tpu.memory_space<vmem>> -> memref<80xi32, #tpu.memory_space<vmem>>
    %dma_wait3A_57 = tpu.memref_slice %arg2[%mul3A_2] : memref<320000xi32, #tpu.memory_space<hbm>> -> memref<80xi32, #tpu.memory_space<hbm>>
    %dma_wait3A_58 = arith.constant 0 : i32
    %dma_wait3A_59 = tpu.memref_slice %arg8[%dma_wait3A, %dma_wait3A_53, %dma_wait3A_58] : memref<2x1x80xi32, #tpu.memory_space<vmem>> -> memref<1x1x80xi32, #tpu.memory_space<vmem>>
    %dma_wait3A_60 = tpu.memref_squeeze %dma_wait3A_59 : memref<1x1x80xi32, #tpu.memory_space<vmem>> -> memref<80xi32, #tpu.memory_space<vmem>>
    %dma_wait3A_61 = tpu.memref_slice %arg2[%mul3A_2] : memref<320000xi32, #tpu.memory_space<hbm>> -> memref<80xi32, #tpu.memory_space<hbm>>
    tpu.wait_dma2 semaphore(%arg16 : memref<!tpu.dma_semaphore, #tpu.memory_space<semaphore_mem>>) src(%dma_wait3A_61 : memref<80xi32, #tpu.memory_space<hbm>>) dst(%dma_wait3A_60 : memref<80xi32, #tpu.memory_space<vmem>>)
    %dma_start3A_62 = arith.constant 0 : i32
    %dma_start3A_63 = arith.constant 0 : i32
    %dma_start3A_64 = arith.constant 0 : i32
    %dma_start3A_65 = tpu.memref_slice %arg8[%dma_start3A_62, %dma_start3A_63, %dma_start3A_64] : memref<2x1x80xi32, #tpu.memory_space<vmem>> -> memref<1x1x80xi32, #tpu.memory_space<vmem>>
    %dma_start3A_66 = tpu.memref_squeeze %dma_start3A_65 : memref<1x1x80xi32, #tpu.memory_space<vmem>> -> memref<80xi32, #tpu.memory_space<vmem>>
    %dma_start3A_67 = arith.constant 0 : i32
    %dma_start3A_68 = arith.constant 0 : i32
    %dma_start3A_69 = tpu.memref_slice %arg4[%dma_start3A_67, %dma_start3A_68] : memref<10000x128xf32, #tpu.memory_space<hbm>> -> memref<10000x128xf32, #tpu.memory_space<hbm>>
    tpu.enqueue_indirect_dma source(%dma_start3A_69 : memref<10000x128xf32, #tpu.memory_space<hbm>>) target(%arg12 : memref<80x128xf32, #tpu.memory_space<vmem>>) offsets(%dma_start3A_66 : memref<80xi32, #tpu.memory_space<vmem>>) semaphore(%arg14 : memref<!tpu.dma_semaphore, #tpu.memory_space<semaphore_mem>>)
    %scan3A = arith.constant 0 : i32
    %scan3A_70 = arith.constant 63 : i32
    %scan3A_71 = arith.addi %scan3A, %scan3A_70 : i32
    %scan3A_72 = arith.constant 1 : i32
    scf.for %scan3A_92 = %scan3A to %scan3A_71 step %scan3A_72  : i32 {
      %mul3A_93 = arith.constant 1 : i32
      %mul3A_94 = arith.muli %scan3A_92, %mul3A_93 : i32
      %add3A_95 = arith.constant 0 : i32
      %add3A_96 = arith.addi %add3A_95, %mul3A_94 : i32
      %and3A = arith.constant 1 : i32
      %and3A_97 = arith.andi %add3A_96, %and3A : i32
      %mul3A_98 = arith.constant 2 : i32
      %mul3A_99 = arith.muli %mul3A_98, %add3A_96 : i32
      %add3A_100 = arith.constant 1 : i32
      %add3A_101 = arith.addi %mul3A_99, %add3A_100 : i32
      %dma_wait3A_102 = arith.constant 0 : i32
      %dma_wait3A_103 = arith.constant 0 : i32
      %dma_wait3A_104 = tpu.memref_slice %arg8[%and3A_97, %dma_wait3A_102, %dma_wait3A_103] : memref<2x1x80xi32, #tpu.memory_space<vmem>> -> memref<1x1x80xi32, #tpu.memory_space<vmem>>
      %dma_wait3A_105 = tpu.memref_squeeze %dma_wait3A_104 : memref<1x1x80xi32, #tpu.memory_space<vmem>> -> memref<80xi32, #tpu.memory_space<vmem>>
      %dma_wait3A_106 = arith.constant 0 : i32
      %dma_wait3A_107 = arith.constant 0 : i32
      %dma_wait3A_108 = tpu.memref_slice %arg4[%dma_wait3A_106, %dma_wait3A_107] : memref<10000x128xf32, #tpu.memory_space<hbm>> -> memref<10000x128xf32, #tpu.memory_space<hbm>>
      tpu.wait_indirect_dma semaphore(%arg14 : memref<!tpu.dma_semaphore, #tpu.memory_space<semaphore_mem>>) src(%dma_wait3A_108 : memref<10000x128xf32, #tpu.memory_space<hbm>>) dst(%arg12 : memref<80x128xf32, #tpu.memory_space<vmem>>)
      %dma_wait3A_109 = arith.constant 0 : i32
      %dma_wait3A_110 = arith.constant 0 : i32
      %dma_wait3A_111 = tpu.memref_slice %arg10[%and3A_97, %dma_wait3A_109, %dma_wait3A_110] : memref<2x1x80xi32, #tpu.memory_space<vmem>> -> memref<1x1x80xi32, #tpu.memory_space<vmem>>
      %dma_wait3A_112 = tpu.memref_squeeze %dma_wait3A_111 : memref<1x1x80xi32, #tpu.memory_space<vmem>> -> memref<80xi32, #tpu.memory_space<vmem>>
      %dma_wait3A_113 = tpu.memref_slice %arg3[%mul3A_2] : memref<320000xi32, #tpu.memory_space<hbm>> -> memref<80xi32, #tpu.memory_space<hbm>>
      %dma_wait3A_114 = arith.constant 0 : i32
      %dma_wait3A_115 = tpu.memref_slice %arg10[%and3A_97, %dma_wait3A_109, %dma_wait3A_114] : memref<2x1x80xi32, #tpu.memory_space<vmem>> -> memref<1x1x80xi32, #tpu.memory_space<vmem>>
      %dma_wait3A_116 = tpu.memref_squeeze %dma_wait3A_115 : memref<1x1x80xi32, #tpu.memory_space<vmem>> -> memref<80xi32, #tpu.memory_space<vmem>>
      %dma_wait3A_117 = tpu.memref_slice %arg3[%mul3A_2] : memref<320000xi32, #tpu.memory_space<hbm>> -> memref<80xi32, #tpu.memory_space<hbm>>
      tpu.wait_dma2 semaphore(%arg18 : memref<!tpu.dma_semaphore, #tpu.memory_space<semaphore_mem>>) src(%dma_wait3A_117 : memref<80xi32, #tpu.memory_space<hbm>>) dst(%dma_wait3A_116 : memref<80xi32, #tpu.memory_space<vmem>>)
      %dma_start3A_118 = arith.constant 0 : i32
      %dma_start3A_119 = arith.constant 0 : i32
      %dma_start3A_120 = tpu.memref_slice %arg10[%and3A_97, %dma_start3A_118, %dma_start3A_119] : memref<2x1x80xi32, #tpu.memory_space<vmem>> -> memref<1x1x80xi32, #tpu.memory_space<vmem>>
      %dma_start3A_121 = tpu.memref_squeeze %dma_start3A_120 : memref<1x1x80xi32, #tpu.memory_space<vmem>> -> memref<80xi32, #tpu.memory_space<vmem>>
      %dma_start3A_122 = arith.constant 0 : i32
      %dma_start3A_123 = arith.constant 0 : i32
      %dma_start3A_124 = tpu.memref_slice %arg7[%dma_start3A_122, %dma_start3A_123] : memref<10000x128xf32, #tpu.memory_space<vmem_shared>> -> memref<10000x128xf32, #tpu.memory_space<vmem_shared>>
      tpu.enqueue_indirect_dma source(%arg12 : memref<80x128xf32, #tpu.memory_space<vmem>>) target(%dma_start3A_124 : memref<10000x128xf32, #tpu.memory_space<vmem_shared>>) offsets(%dma_start3A_121 : memref<80xi32, #tpu.memory_space<vmem>>) semaphore(%arg20 : memref<!tpu.dma_semaphore, #tpu.memory_space<semaphore_mem>>) {add = true}
      %add3A_125 = arith.constant 2 : i32
      %add3A_126 = arith.addi %mul3A_99, %add3A_125 : i32
      %lt3A_127 = arith.constant 125 : i32
      %lt3A_128 = arith.cmpi slt, %add3A_126, %lt3A_127 : i32
      %convert_element_type3A_129 = arith.extui %lt3A_128 : i1 to i32
      %cond3A_130 = arith.constant 0 : i32
      %cond3A_131 = arith.cmpi ne, %convert_element_type3A_129, %cond3A_130 : i32
      scf.if %cond3A_131 {
        %add3A_162 = arith.constant 2 : i32
        %add3A_163 = arith.addi %mul3A_99, %add3A_162 : i32
        %mul3A_164 = arith.constant 80 : i32
        %mul3A_165 = arith.muli %add3A_163, %mul3A_164 : i32
        %add3A_166 = arith.addi %mul3A_2, %mul3A_165 : i32
        %sub3A = arith.constant 1 : i32
        %sub3A_167 = arith.subi %sub3A, %and3A_97 : i32
        %dma_start3A_168 = arith.constant 0 : i32
        %dma_start3A_169 = arith.constant 0 : i32
        %dma_start3A_170 = tpu.memref_slice %arg8[%sub3A_167, %dma_start3A_168, %dma_start3A_169] : memref<2x1x80xi32, #tpu.memory_space<vmem>> -> memref<1x1x80xi32, #tpu.memory_space<vmem>>
        %dma_start3A_171 = tpu.memref_squeeze %dma_start3A_170 : memref<1x1x80xi32, #tpu.memory_space<vmem>> -> memref<80xi32, #tpu.memory_space<vmem>>
        %dma_start3A_172 = tpu.memref_slice %arg2[%add3A_166] : memref<320000xi32, #tpu.memory_space<hbm>> -> memref<80xi32, #tpu.memory_space<hbm>>
        %dma_start3A_173 = arith.constant 0 : i32
        %dma_start3A_174 = tpu.memref_slice %arg8[%sub3A_167, %dma_start3A_168, %dma_start3A_173] : memref<2x1x80xi32, #tpu.memory_space<vmem>> -> memref<1x1x80xi32, #tpu.memory_space<vmem>>
        %dma_start3A_175 = tpu.memref_squeeze %dma_start3A_174 : memref<1x1x80xi32, #tpu.memory_space<vmem>> -> memref<80xi32, #tpu.memory_space<vmem>>
        %dma_start3A_176 = tpu.memref_slice %arg2[%add3A_166] : memref<320000xi32, #tpu.memory_space<hbm>> -> memref<80xi32, #tpu.memory_space<hbm>>
        tpu.enqueue_dma source(%dma_start3A_176 : memref<80xi32, #tpu.memory_space<hbm>>) target(%dma_start3A_175 : memref<80xi32, #tpu.memory_space<vmem>>) target_semaphore(%arg16 : memref<!tpu.dma_semaphore, #tpu.memory_space<semaphore_mem>>)
        %add3A_177 = arith.constant 2 : i32
        %add3A_178 = arith.addi %mul3A_99, %add3A_177 : i32
        %mul3A_179 = arith.constant 80 : i32
        %mul3A_180 = arith.muli %add3A_178, %mul3A_179 : i32
        %add3A_181 = arith.addi %mul3A_2, %mul3A_180 : i32
        %sub3A_182 = arith.constant 1 : i32
        %sub3A_183 = arith.subi %sub3A_182, %and3A_97 : i32
        %dma_start3A_184 = arith.constant 0 : i32
        %dma_start3A_185 = arith.constant 0 : i32
        %dma_start3A_186 = tpu.memref_slice %arg10[%sub3A_183, %dma_start3A_184, %dma_start3A_185] : memref<2x1x80xi32, #tpu.memory_space<vmem>> -> memref<1x1x80xi32, #tpu.memory_space<vmem>>
        %dma_start3A_187 = tpu.memref_squeeze %dma_start3A_186 : memref<1x1x80xi32, #tpu.memory_space<vmem>> -> memref<80xi32, #tpu.memory_space<vmem>>
        %dma_start3A_188 = tpu.memref_slice %arg3[%add3A_181] : memref<320000xi32, #tpu.memory_space<hbm>> -> memref<80xi32, #tpu.memory_space<hbm>>
        %dma_start3A_189 = arith.constant 0 : i32
        %dma_start3A_190 = tpu.memref_slice %arg10[%sub3A_183, %dma_start3A_184, %dma_start3A_189] : memref<2x1x80xi32, #tpu.memory_space<vmem>> -> memref<1x1x80xi32, #tpu.memory_space<vmem>>
        %dma_start3A_191 = tpu.memref_squeeze %dma_start3A_190 : memref<1x1x80xi32, #tpu.memory_space<vmem>> -> memref<80xi32, #tpu.memory_space<vmem>>
        %dma_start3A_192 = tpu.memref_slice %arg3[%add3A_181] : memref<320000xi32, #tpu.memory_space<hbm>> -> memref<80xi32, #tpu.memory_space<hbm>>
        tpu.enqueue_dma source(%dma_start3A_192 : memref<80xi32, #tpu.memory_space<hbm>>) target(%dma_start3A_191 : memref<80xi32, #tpu.memory_space<vmem>>) target_semaphore(%arg18 : memref<!tpu.dma_semaphore, #tpu.memory_space<semaphore_mem>>)
      } else {
      }
      %add3A_132 = arith.constant 3 : i32
      %add3A_133 = arith.addi %mul3A_99, %add3A_132 : i32
      %lt3A_134 = arith.constant 125 : i32
      %lt3A_135 = arith.cmpi slt, %add3A_133, %lt3A_134 : i32
      %convert_element_type3A_136 = arith.extui %lt3A_135 : i1 to i32
      %cond3A_137 = arith.constant 0 : i32
      %cond3A_138 = arith.cmpi ne, %convert_element_type3A_136, %cond3A_137 : i32
      scf.if %cond3A_138 {
        %add3A_162 = arith.constant 3 : i32
        %add3A_163 = arith.addi %mul3A_99, %add3A_162 : i32
        %mul3A_164 = arith.constant 80 : i32
        %mul3A_165 = arith.muli %add3A_163, %mul3A_164 : i32
        %add3A_166 = arith.addi %mul3A_2, %mul3A_165 : i32
        %sub3A = arith.constant 1 : i32
        %sub3A_167 = arith.subi %sub3A, %and3A_97 : i32
        %dma_start3A_168 = arith.constant 0 : i32
        %dma_start3A_169 = arith.constant 0 : i32
        %dma_start3A_170 = tpu.memref_slice %arg9[%sub3A_167, %dma_start3A_168, %dma_start3A_169] : memref<2x1x80xi32, #tpu.memory_space<vmem>> -> memref<1x1x80xi32, #tpu.memory_space<vmem>>
        %dma_start3A_171 = tpu.memref_squeeze %dma_start3A_170 : memref<1x1x80xi32, #tpu.memory_space<vmem>> -> memref<80xi32, #tpu.memory_space<vmem>>
        %dma_start3A_172 = tpu.memref_slice %arg2[%add3A_166] : memref<320000xi32, #tpu.memory_space<hbm>> -> memref<80xi32, #tpu.memory_space<hbm>>
        %dma_start3A_173 = arith.constant 0 : i32
        %dma_start3A_174 = tpu.memref_slice %arg9[%sub3A_167, %dma_start3A_168, %dma_start3A_173] : memref<2x1x80xi32, #tpu.memory_space<vmem>> -> memref<1x1x80xi32, #tpu.memory_space<vmem>>
        %dma_start3A_175 = tpu.memref_squeeze %dma_start3A_174 : memref<1x1x80xi32, #tpu.memory_space<vmem>> -> memref<80xi32, #tpu.memory_space<vmem>>
        %dma_start3A_176 = tpu.memref_slice %arg2[%add3A_166] : memref<320000xi32, #tpu.memory_space<hbm>> -> memref<80xi32, #tpu.memory_space<hbm>>
        tpu.enqueue_dma source(%dma_start3A_176 : memref<80xi32, #tpu.memory_space<hbm>>) target(%dma_start3A_175 : memref<80xi32, #tpu.memory_space<vmem>>) target_semaphore(%arg17 : memref<!tpu.dma_semaphore, #tpu.memory_space<semaphore_mem>>)
      } else {
      }
      %gt3A = arith.constant 0 : i32
      %gt3A_139 = arith.cmpi sgt, %add3A_96, %gt3A : i32
      %convert_element_type3A_140 = arith.extui %gt3A_139 : i1 to i32
      %cond3A_141 = arith.constant 0 : i32
      %cond3A_142 = arith.cmpi ne, %convert_element_type3A_140, %cond3A_141 : i32
      scf.if %cond3A_142 {
        %dma_wait3A_162 = arith.constant 0 : i32
        %dma_wait3A_163 = arith.constant 0 : i32
        %dma_wait3A_164 = tpu.memref_slice %arg11[%and3A_97, %dma_wait3A_162, %dma_wait3A_163] : memref<2x1x80xi32, #tpu.memory_space<vmem>> -> memref<1x1x80xi32, #tpu.memory_space<vmem>>
        %dma_wait3A_165 = tpu.memref_squeeze %dma_wait3A_164 : memref<1x1x80xi32, #tpu.memory_space<vmem>> -> memref<80xi32, #tpu.memory_space<vmem>>
        %dma_wait3A_166 = arith.constant 0 : i32
        %dma_wait3A_167 = arith.constant 0 : i32
        %dma_wait3A_168 = tpu.memref_slice %arg7[%dma_wait3A_166, %dma_wait3A_167] : memref<10000x128xf32, #tpu.memory_space<vmem_shared>> -> memref<10000x128xf32, #tpu.memory_space<vmem_shared>>
        tpu.wait_indirect_dma semaphore(%arg21 : memref<!tpu.dma_semaphore, #tpu.memory_space<semaphore_mem>>) src(%arg13 : memref<80x128xf32, #tpu.memory_space<vmem>>) dst(%dma_wait3A_168 : memref<10000x128xf32, #tpu.memory_space<vmem_shared>>)
      } else {
      }
      %add3A_143 = arith.constant 3 : i32
      %add3A_144 = arith.addi %mul3A_99, %add3A_143 : i32
      %lt3A_145 = arith.constant 125 : i32
      %lt3A_146 = arith.cmpi slt, %add3A_144, %lt3A_145 : i32
      %convert_element_type3A_147 = arith.extui %lt3A_146 : i1 to i32
      %cond3A_148 = arith.constant 0 : i32
      %cond3A_149 = arith.cmpi ne, %convert_element_type3A_147, %cond3A_148 : i32
      scf.if %cond3A_149 {
        %add3A_162 = arith.constant 3 : i32
        %add3A_163 = arith.addi %mul3A_99, %add3A_162 : i32
        %mul3A_164 = arith.constant 80 : i32
        %mul3A_165 = arith.muli %add3A_163, %mul3A_164 : i32
        %add3A_166 = arith.addi %mul3A_2, %mul3A_165 : i32
        %sub3A = arith.constant 1 : i32
        %sub3A_167 = arith.subi %sub3A, %and3A_97 : i32
        %dma_start3A_168 = arith.constant 0 : i32
        %dma_start3A_169 = arith.constant 0 : i32
        %dma_start3A_170 = tpu.memref_slice %arg11[%sub3A_167, %dma_start3A_168, %dma_start3A_169] : memref<2x1x80xi32, #tpu.memory_space<vmem>> -> memref<1x1x80xi32, #tpu.memory_space<vmem>>
        %dma_start3A_171 = tpu.memref_squeeze %dma_start3A_170 : memref<1x1x80xi32, #tpu.memory_space<vmem>> -> memref<80xi32, #tpu.memory_space<vmem>>
        %dma_start3A_172 = tpu.memref_slice %arg3[%add3A_166] : memref<320000xi32, #tpu.memory_space<hbm>> -> memref<80xi32, #tpu.memory_space<hbm>>
        %dma_start3A_173 = arith.constant 0 : i32
        %dma_start3A_174 = tpu.memref_slice %arg11[%sub3A_167, %dma_start3A_168, %dma_start3A_173] : memref<2x1x80xi32, #tpu.memory_space<vmem>> -> memref<1x1x80xi32, #tpu.memory_space<vmem>>
        %dma_start3A_175 = tpu.memref_squeeze %dma_start3A_174 : memref<1x1x80xi32, #tpu.memory_space<vmem>> -> memref<80xi32, #tpu.memory_space<vmem>>
        %dma_start3A_176 = tpu.memref_slice %arg3[%add3A_166] : memref<320000xi32, #tpu.memory_space<hbm>> -> memref<80xi32, #tpu.memory_space<hbm>>
        tpu.enqueue_dma source(%dma_start3A_176 : memref<80xi32, #tpu.memory_space<hbm>>) target(%dma_start3A_175 : memref<80xi32, #tpu.memory_space<vmem>>) target_semaphore(%arg19 : memref<!tpu.dma_semaphore, #tpu.memory_space<semaphore_mem>>)
      } else {
      }
      %lt3A_150 = arith.constant 125 : i32
      %lt3A_151 = arith.cmpi slt, %add3A_101, %lt3A_150 : i32
      %convert_element_type3A_152 = arith.extui %lt3A_151 : i1 to i32
      %cond3A_153 = arith.constant 0 : i32
      %cond3A_154 = arith.cmpi ne, %convert_element_type3A_152, %cond3A_153 : i32
      scf.if %cond3A_154 {
        %add3A_162 = arith.constant 80 : i32
        %add3A_163 = arith.addi %mul3A_2, %add3A_162 : i32
        %dma_wait3A_164 = arith.constant 0 : i32
        %dma_wait3A_165 = arith.constant 0 : i32
        %dma_wait3A_166 = tpu.memref_slice %arg9[%and3A_97, %dma_wait3A_164, %dma_wait3A_165] : memref<2x1x80xi32, #tpu.memory_space<vmem>> -> memref<1x1x80xi32, #tpu.memory_space<vmem>>
        %dma_wait3A_167 = tpu.memref_squeeze %dma_wait3A_166 : memref<1x1x80xi32, #tpu.memory_space<vmem>> -> memref<80xi32, #tpu.memory_space<vmem>>
        %dma_wait3A_168 = tpu.memref_slice %arg2[%add3A_163] : memref<320000xi32, #tpu.memory_space<hbm>> -> memref<80xi32, #tpu.memory_space<hbm>>
        %dma_wait3A_169 = arith.constant 0 : i32
        %dma_wait3A_170 = tpu.memref_slice %arg9[%and3A_97, %dma_wait3A_164, %dma_wait3A_169] : memref<2x1x80xi32, #tpu.memory_space<vmem>> -> memref<1x1x80xi32, #tpu.memory_space<vmem>>
        %dma_wait3A_171 = tpu.memref_squeeze %dma_wait3A_170 : memref<1x1x80xi32, #tpu.memory_space<vmem>> -> memref<80xi32, #tpu.memory_space<vmem>>
        %dma_wait3A_172 = tpu.memref_slice %arg2[%add3A_163] : memref<320000xi32, #tpu.memory_space<hbm>> -> memref<80xi32, #tpu.memory_space<hbm>>
        tpu.wait_dma2 semaphore(%arg17 : memref<!tpu.dma_semaphore, #tpu.memory_space<semaphore_mem>>) src(%dma_wait3A_172 : memref<80xi32, #tpu.memory_space<hbm>>) dst(%dma_wait3A_171 : memref<80xi32, #tpu.memory_space<vmem>>)
        %dma_start3A_173 = arith.constant 0 : i32
        %dma_start3A_174 = arith.constant 0 : i32
        %dma_start3A_175 = tpu.memref_slice %arg9[%and3A_97, %dma_start3A_173, %dma_start3A_174] : memref<2x1x80xi32, #tpu.memory_space<vmem>> -> memref<1x1x80xi32, #tpu.memory_space<vmem>>
        %dma_start3A_176 = tpu.memref_squeeze %dma_start3A_175 : memref<1x1x80xi32, #tpu.memory_space<vmem>> -> memref<80xi32, #tpu.memory_space<vmem>>
        %dma_start3A_177 = arith.constant 0 : i32
        %dma_start3A_178 = arith.constant 0 : i32
        %dma_start3A_179 = tpu.memref_slice %arg4[%dma_start3A_177, %dma_start3A_178] : memref<10000x128xf32, #tpu.memory_space<hbm>> -> memref<10000x128xf32, #tpu.memory_space<hbm>>
        tpu.enqueue_indirect_dma source(%dma_start3A_179 : memref<10000x128xf32, #tpu.memory_space<hbm>>) target(%arg13 : memref<80x128xf32, #tpu.memory_space<vmem>>) offsets(%dma_start3A_176 : memref<80xi32, #tpu.memory_space<vmem>>) semaphore(%arg15 : memref<!tpu.dma_semaphore, #tpu.memory_space<semaphore_mem>>)
        %dma_wait3A_180 = arith.constant 0 : i32
        %dma_wait3A_181 = arith.constant 0 : i32
        %dma_wait3A_182 = tpu.memref_slice %arg9[%and3A_97, %dma_wait3A_180, %dma_wait3A_181] : memref<2x1x80xi32, #tpu.memory_space<vmem>> -> memref<1x1x80xi32, #tpu.memory_space<vmem>>
        %dma_wait3A_183 = tpu.memref_squeeze %dma_wait3A_182 : memref<1x1x80xi32, #tpu.memory_space<vmem>> -> memref<80xi32, #tpu.memory_space<vmem>>
        %dma_wait3A_184 = arith.constant 0 : i32
        %dma_wait3A_185 = arith.constant 0 : i32
        %dma_wait3A_186 = tpu.memref_slice %arg4[%dma_wait3A_184, %dma_wait3A_185] : memref<10000x128xf32, #tpu.memory_space<hbm>> -> memref<10000x128xf32, #tpu.memory_space<hbm>>
        tpu.wait_indirect_dma semaphore(%arg15 : memref<!tpu.dma_semaphore, #tpu.memory_space<semaphore_mem>>) src(%dma_wait3A_186 : memref<10000x128xf32, #tpu.memory_space<hbm>>) dst(%arg13 : memref<80x128xf32, #tpu.memory_space<vmem>>)
        %add3A_187 = arith.constant 80 : i32
        %add3A_188 = arith.addi %mul3A_2, %add3A_187 : i32
        %dma_wait3A_189 = arith.constant 0 : i32
        %dma_wait3A_190 = arith.constant 0 : i32
        %dma_wait3A_191 = tpu.memref_slice %arg11[%and3A_97, %dma_wait3A_189, %dma_wait3A_190] : memref<2x1x80xi32, #tpu.memory_space<vmem>> -> memref<1x1x80xi32, #tpu.memory_space<vmem>>
        %dma_wait3A_192 = tpu.memref_squeeze %dma_wait3A_191 : memref<1x1x80xi32, #tpu.memory_space<vmem>> -> memref<80xi32, #tpu.memory_space<vmem>>
        %dma_wait3A_193 = tpu.memref_slice %arg3[%add3A_188] : memref<320000xi32, #tpu.memory_space<hbm>> -> memref<80xi32, #tpu.memory_space<hbm>>
        %dma_wait3A_194 = arith.constant 0 : i32
        %dma_wait3A_195 = tpu.memref_slice %arg11[%and3A_97, %dma_wait3A_189, %dma_wait3A_194] : memref<2x1x80xi32, #tpu.memory_space<vmem>> -> memref<1x1x80xi32, #tpu.memory_space<vmem>>
        %dma_wait3A_196 = tpu.memref_squeeze %dma_wait3A_195 : memref<1x1x80xi32, #tpu.memory_space<vmem>> -> memref<80xi32, #tpu.memory_space<vmem>>
        %dma_wait3A_197 = tpu.memref_slice %arg3[%add3A_188] : memref<320000xi32, #tpu.memory_space<hbm>> -> memref<80xi32, #tpu.memory_space<hbm>>
        tpu.wait_dma2 semaphore(%arg19 : memref<!tpu.dma_semaphore, #tpu.memory_space<semaphore_mem>>) src(%dma_wait3A_197 : memref<80xi32, #tpu.memory_space<hbm>>) dst(%dma_wait3A_196 : memref<80xi32, #tpu.memory_space<vmem>>)
        %dma_start3A_198 = arith.constant 0 : i32
        %dma_start3A_199 = arith.constant 0 : i32
        %dma_start3A_200 = tpu.memref_slice %arg11[%and3A_97, %dma_start3A_198, %dma_start3A_199] : memref<2x1x80xi32, #tpu.memory_space<vmem>> -> memref<1x1x80xi32, #tpu.memory_space<vmem>>
        %dma_start3A_201 = tpu.memref_squeeze %dma_start3A_200 : memref<1x1x80xi32, #tpu.memory_space<vmem>> -> memref<80xi32, #tpu.memory_space<vmem>>
        %dma_start3A_202 = arith.constant 0 : i32
        %dma_start3A_203 = arith.constant 0 : i32
        %dma_start3A_204 = tpu.memref_slice %arg7[%dma_start3A_202, %dma_start3A_203] : memref<10000x128xf32, #tpu.memory_space<vmem_shared>> -> memref<10000x128xf32, #tpu.memory_space<vmem_shared>>
        tpu.enqueue_indirect_dma source(%arg13 : memref<80x128xf32, #tpu.memory_space<vmem>>) target(%dma_start3A_204 : memref<10000x128xf32, #tpu.memory_space<vmem_shared>>) offsets(%dma_start3A_201 : memref<80xi32, #tpu.memory_space<vmem>>) semaphore(%arg21 : memref<!tpu.dma_semaphore, #tpu.memory_space<semaphore_mem>>) {add = true}
      } else {
      }
      %add3A_155 = arith.constant 2 : i32
      %add3A_156 = arith.addi %mul3A_99, %add3A_155 : i32
      %lt3A_157 = arith.constant 125 : i32
      %lt3A_158 = arith.cmpi slt, %add3A_156, %lt3A_157 : i32
      %convert_element_type3A_159 = arith.extui %lt3A_158 : i1 to i32
      %cond3A_160 = arith.constant 0 : i32
      %cond3A_161 = arith.cmpi ne, %convert_element_type3A_159, %cond3A_160 : i32
      scf.if %cond3A_161 {
        %dma_wait3A_162 = arith.constant 0 : i32
        %dma_wait3A_163 = arith.constant 0 : i32
        %dma_wait3A_164 = tpu.memref_slice %arg10[%and3A_97, %dma_wait3A_162, %dma_wait3A_163] : memref<2x1x80xi32, #tpu.memory_space<vmem>> -> memref<1x1x80xi32, #tpu.memory_space<vmem>>
        %dma_wait3A_165 = tpu.memref_squeeze %dma_wait3A_164 : memref<1x1x80xi32, #tpu.memory_space<vmem>> -> memref<80xi32, #tpu.memory_space<vmem>>
        %dma_wait3A_166 = arith.constant 0 : i32
        %dma_wait3A_167 = arith.constant 0 : i32
        %dma_wait3A_168 = tpu.memref_slice %arg7[%dma_wait3A_166, %dma_wait3A_167] : memref<10000x128xf32, #tpu.memory_space<vmem_shared>> -> memref<10000x128xf32, #tpu.memory_space<vmem_shared>>
        tpu.wait_indirect_dma semaphore(%arg20 : memref<!tpu.dma_semaphore, #tpu.memory_space<semaphore_mem>>) src(%arg12 : memref<80x128xf32, #tpu.memory_space<vmem>>) dst(%dma_wait3A_168 : memref<10000x128xf32, #tpu.memory_space<vmem_shared>>)
        %dma_wait3A_169 = arith.constant 0 : i32
        %dma_wait3A_170 = arith.constant 0 : i32
        %dma_wait3A_171 = tpu.memref_slice %arg8[%and3A_97, %dma_wait3A_169, %dma_wait3A_170] : memref<2x1x80xi32, #tpu.memory_space<vmem>> -> memref<1x1x80xi32, #tpu.memory_space<vmem>>
        %dma_wait3A_172 = tpu.memref_squeeze %dma_wait3A_171 : memref<1x1x80xi32, #tpu.memory_space<vmem>> -> memref<80xi32, #tpu.memory_space<vmem>>
        %dma_wait3A_173 = tpu.memref_slice %arg2[%mul3A_2] : memref<320000xi32, #tpu.memory_space<hbm>> -> memref<80xi32, #tpu.memory_space<hbm>>
        %dma_wait3A_174 = arith.constant 0 : i32
        %dma_wait3A_175 = tpu.memref_slice %arg8[%and3A_97, %dma_wait3A_169, %dma_wait3A_174] : memref<2x1x80xi32, #tpu.memory_space<vmem>> -> memref<1x1x80xi32, #tpu.memory_space<vmem>>
        %dma_wait3A_176 = tpu.memref_squeeze %dma_wait3A_175 : memref<1x1x80xi32, #tpu.memory_space<vmem>> -> memref<80xi32, #tpu.memory_space<vmem>>
        %dma_wait3A_177 = tpu.memref_slice %arg2[%mul3A_2] : memref<320000xi32, #tpu.memory_space<hbm>> -> memref<80xi32, #tpu.memory_space<hbm>>
        tpu.wait_dma2 semaphore(%arg16 : memref<!tpu.dma_semaphore, #tpu.memory_space<semaphore_mem>>) src(%dma_wait3A_177 : memref<80xi32, #tpu.memory_space<hbm>>) dst(%dma_wait3A_176 : memref<80xi32, #tpu.memory_space<vmem>>)
        %sub3A = arith.constant 1 : i32
        %sub3A_178 = arith.subi %sub3A, %and3A_97 : i32
        %dma_start3A_179 = arith.constant 0 : i32
        %dma_start3A_180 = arith.constant 0 : i32
        %dma_start3A_181 = tpu.memref_slice %arg8[%sub3A_178, %dma_start3A_179, %dma_start3A_180] : memref<2x1x80xi32, #tpu.memory_space<vmem>> -> memref<1x1x80xi32, #tpu.memory_space<vmem>>
        %dma_start3A_182 = tpu.memref_squeeze %dma_start3A_181 : memref<1x1x80xi32, #tpu.memory_space<vmem>> -> memref<80xi32, #tpu.memory_space<vmem>>
        %dma_start3A_183 = arith.constant 0 : i32
        %dma_start3A_184 = arith.constant 0 : i32
        %dma_start3A_185 = tpu.memref_slice %arg4[%dma_start3A_183, %dma_start3A_184] : memref<10000x128xf32, #tpu.memory_space<hbm>> -> memref<10000x128xf32, #tpu.memory_space<hbm>>
        tpu.enqueue_indirect_dma source(%dma_start3A_185 : memref<10000x128xf32, #tpu.memory_space<hbm>>) target(%arg12 : memref<80x128xf32, #tpu.memory_space<vmem>>) offsets(%dma_start3A_182 : memref<80xi32, #tpu.memory_space<vmem>>) semaphore(%arg14 : memref<!tpu.dma_semaphore, #tpu.memory_space<semaphore_mem>>)
      } else {
      }
    }
    %scan3A_73 = arith.constant 63 : i32
    %dma_wait3A_74 = arith.constant 0 : i32
    %dma_wait3A_75 = arith.constant 0 : i32
    %dma_wait3A_76 = arith.constant 0 : i32
    %dma_wait3A_77 = tpu.memref_slice %arg10[%dma_wait3A_74, %dma_wait3A_75, %dma_wait3A_76] : memref<2x1x80xi32, #tpu.memory_space<vmem>> -> memref<1x1x80xi32, #tpu.memory_space<vmem>>
    %dma_wait3A_78 = tpu.memref_squeeze %dma_wait3A_77 : memref<1x1x80xi32, #tpu.memory_space<vmem>> -> memref<80xi32, #tpu.memory_space<vmem>>
    %dma_wait3A_79 = arith.constant 0 : i32
    %dma_wait3A_80 = arith.constant 0 : i32
    %dma_wait3A_81 = tpu.memref_slice %arg7[%dma_wait3A_79, %dma_wait3A_80] : memref<10000x128xf32, #tpu.memory_space<vmem_shared>> -> memref<10000x128xf32, #tpu.memory_space<vmem_shared>>
    tpu.wait_indirect_dma semaphore(%arg20 : memref<!tpu.dma_semaphore, #tpu.memory_space<semaphore_mem>>) src(%arg12 : memref<80x128xf32, #tpu.memory_space<vmem>>) dst(%dma_wait3A_81 : memref<10000x128xf32, #tpu.memory_space<vmem_shared>>)
    %barrier3A_82 = arith.constant 0 : index
    tpu.barrier barrier_id(%barrier3A_82)
    %lt3A = arith.constant 15 : i32
    %lt3A_83 = arith.cmpi slt, %arg1, %lt3A : i32
    %convert_element_type3A_84 = arith.extui %lt3A_83 : i1 to i32
    %cond3A_85 = arith.constant 0 : i32
    %cond3A_86 = arith.cmpi ne, %convert_element_type3A_84, %cond3A_85 : i32
    scf.if %cond3A_86 {
      %mul3A_92 = arith.constant 624 : i32
      %mul3A_93 = arith.muli %arg1, %mul3A_92 : i32
      "tpu.region"() ({
        %run_scoped3A = tpu.sem_alloc : memref<!tpu.dma_semaphore, #tpu.memory_space<semaphore_mem>>
        %dma_start3A_94 = arith.constant 0 : i32
        %dma_start3A_95 = tpu.memref_slice %arg6[%arg0, %mul3A_93, %dma_start3A_94] : memref<2x10000x128xf32, #tpu.memory_space<hbm>> -> memref<1x624x128xf32, #tpu.memory_space<hbm>>
        %dma_start3A_96 = tpu.memref_squeeze %dma_start3A_95 : memref<1x624x128xf32, #tpu.memory_space<hbm>> -> memref<624x128xf32, #tpu.memory_space<hbm>>
        %dma_start3A_97 = arith.constant 0 : i32
        %dma_start3A_98 = tpu.memref_slice %arg7[%mul3A_93, %dma_start3A_97] : memref<10000x128xf32, #tpu.memory_space<vmem_shared>> -> memref<624x128xf32, #tpu.memory_space<vmem_shared>>
        tpu.enqueue_dma source(%dma_start3A_98 : memref<624x128xf32, #tpu.memory_space<vmem_shared>>) target(%dma_start3A_96 : memref<624x128xf32, #tpu.memory_space<hbm>>) target_semaphore(%run_scoped3A : memref<!tpu.dma_semaphore, #tpu.memory_space<semaphore_mem>>)
        %dma_wait3A_99 = arith.constant 0 : i32
        %dma_wait3A_100 = tpu.memref_slice %arg6[%arg0, %mul3A_93, %dma_wait3A_99] : memref<2x10000x128xf32, #tpu.memory_space<hbm>> -> memref<1x624x128xf32, #tpu.memory_space<hbm>>
        %dma_wait3A_101 = tpu.memref_squeeze %dma_wait3A_100 : memref<1x624x128xf32, #tpu.memory_space<hbm>> -> memref<624x128xf32, #tpu.memory_space<hbm>>
        %dma_wait3A_102 = arith.constant 0 : i32
        %dma_wait3A_103 = tpu.memref_slice %arg7[%mul3A_93, %dma_wait3A_102] : memref<10000x128xf32, #tpu.memory_space<vmem_shared>> -> memref<624x128xf32, #tpu.memory_space<vmem_shared>>
        tpu.wait_dma2 semaphore(%run_scoped3A : memref<!tpu.dma_semaphore, #tpu.memory_space<semaphore_mem>>) src(%dma_wait3A_103 : memref<624x128xf32, #tpu.memory_space<vmem_shared>>) dst(%dma_wait3A_101 : memref<624x128xf32, #tpu.memory_space<hbm>>)
        tpu.yield
      }) : () -> ()
    } else {
    }
    %eq3A_87 = arith.constant 15 : i32
    %eq3A_88 = arith.cmpi eq, %arg1, %eq3A_87 : i32
    %convert_element_type3A_89 = arith.extui %eq3A_88 : i1 to i32
    %cond3A_90 = arith.constant 0 : i32
    %cond3A_91 = arith.cmpi ne, %convert_element_type3A_89, %cond3A_90 : i32
    scf.if %cond3A_91 {
      "tpu.region"() ({
        %run_scoped3A = tpu.sem_alloc : memref<!tpu.dma_semaphore, #tpu.memory_space<semaphore_mem>>
        %dma_start3A_92 = arith.constant 9360 : i32
        %dma_start3A_93 = arith.constant 0 : i32
        %dma_start3A_94 = tpu.memref_slice %arg6[%arg0, %dma_start3A_92, %dma_start3A_93] : memref<2x10000x128xf32, #tpu.memory_space<hbm>> -> memref<1x640x128xf32, #tpu.memory_space<hbm>>
        %dma_start3A_95 = tpu.memref_squeeze %dma_start3A_94 : memref<1x640x128xf32, #tpu.memory_space<hbm>> -> memref<640x128xf32, #tpu.memory_space<hbm>>
        %dma_start3A_96 = arith.constant 9360 : i32
        %dma_start3A_97 = arith.constant 0 : i32
        %dma_start3A_98 = tpu.memref_slice %arg7[%dma_start3A_96, %dma_start3A_97] : memref<10000x128xf32, #tpu.memory_space<vmem_shared>> -> memref<640x128xf32, #tpu.memory_space<vmem_shared>>
        tpu.enqueue_dma source(%dma_start3A_98 : memref<640x128xf32, #tpu.memory_space<vmem_shared>>) target(%dma_start3A_95 : memref<640x128xf32, #tpu.memory_space<hbm>>) target_semaphore(%run_scoped3A : memref<!tpu.dma_semaphore, #tpu.memory_space<semaphore_mem>>)
        %dma_wait3A_99 = arith.constant 9360 : i32
        %dma_wait3A_100 = arith.constant 0 : i32
        %dma_wait3A_101 = tpu.memref_slice %arg6[%arg0, %dma_wait3A_99, %dma_wait3A_100] : memref<2x10000x128xf32, #tpu.memory_space<hbm>> -> memref<1x640x128xf32, #tpu.memory_space<hbm>>
        %dma_wait3A_102 = tpu.memref_squeeze %dma_wait3A_101 : memref<1x640x128xf32, #tpu.memory_space<hbm>> -> memref<640x128xf32, #tpu.memory_space<hbm>>
        %dma_wait3A_103 = arith.constant 9360 : i32
        %dma_wait3A_104 = arith.constant 0 : i32
        %dma_wait3A_105 = tpu.memref_slice %arg7[%dma_wait3A_103, %dma_wait3A_104] : memref<10000x128xf32, #tpu.memory_space<vmem_shared>> -> memref<640x128xf32, #tpu.memory_space<vmem_shared>>
        tpu.wait_dma2 semaphore(%run_scoped3A : memref<!tpu.dma_semaphore, #tpu.memory_space<semaphore_mem>>) src(%dma_wait3A_105 : memref<640x128xf32, #tpu.memory_space<vmem_shared>>) dst(%dma_wait3A_102 : memref<640x128xf32, #tpu.memory_space<hbm>>)
        tpu.yield
      }) : () -> ()
    } else {
    }
    return
  }
}

module attributes {stable_mosaic.version = 14 : i64} {
  func.func @_tc_deg_body(%arg0: i32, %arg1: memref<8x4000xi32, #tpu.memory_space<vmem>>, %arg2: memref<80x128xf32, #tpu.memory_space<vmem>>) attributes {dimension_semantics = [#tpu.dimension_semantics<arbitrary>], iteration_bounds = array<i64: 10>, scalar_prefetch = 0 : i64, scratch_operands = 0 : i64, tpu.core_type = #tpu.core_type<tc>, window_params = [{transform_indices = @transform_0, window_bounds = array<i64: 8, 4000>}, {pipeline_mode = #tpu.pipeline_mode<synchronous>, transform_indices = @transform_1, window_bounds = array<i64: 80, 128>}]} {
    %get3A = arith.constant 0 : index
    %get3A_0 = arith.constant 0 : index
    %get3A_1 = vector.load %arg1[%get3A, %get3A_0] : memref<8x4000xi32, #tpu.memory_space<vmem>>, vector<8x4000xi32>
    %broadcast_in_dim3A = arith.constant 0.000000e+00 : f32
    %broadcast_in_dim3A_2 = vector.broadcast %broadcast_in_dim3A : f32 to vector<80x128xf32>
    %slice3A = vector.extract_strided_slice %get3A_1 {offsets = [0, 0], sizes = [1, 4000], strides = [1, 1]} : vector<8x4000xi32> to vector<1x4000xi32>
    %shift_right_arithmetic3A = arith.constant 7 : i32
    %shift_right_arithmetic3A_3 = vector.broadcast %shift_right_arithmetic3A : i32 to vector<1x4000xi32>
    %shift_right_arithmetic3A_4 = arith.shrsi %slice3A, %shift_right_arithmetic3A_3 : vector<1x4000xi32>
    %iota3A = tpu.iota {dimensions = array<i32: 0>} : vector<80x1xi32>
    %eq3A = vector.broadcast %shift_right_arithmetic3A_4 : vector<1x4000xi32> to vector<80x4000xi32>
    %eq3A_5 = vector.broadcast %iota3A : vector<80x1xi32> to vector<80x4000xi32>
    %eq3A_6 = arith.cmpi eq, %eq3A, %eq3A_5 : vector<80x4000xi32>
    %convert_element_type3A = arith.extui %eq3A_6 : vector<80x4000xi1> to vector<80x4000xi32>
    %convert_element_type3A_7 = arith.sitofp %convert_element_type3A : vector<80x4000xi32> to vector<80x4000xf32>
    %convert_element_type3A_8 = arith.truncf %convert_element_type3A_7 : vector<80x4000xf32> to vector<80x4000xbf16>
    %and3A = arith.constant 127 : i32
    %and3A_9 = vector.broadcast %and3A : i32 to vector<1x4000xi32>
    %and3A_10 = arith.andi %slice3A, %and3A_9 : vector<1x4000xi32>
    %iota3A_11 = tpu.iota {dimensions = array<i32: 0>} : vector<128x1xi32>
    %eq3A_12 = vector.broadcast %and3A_10 : vector<1x4000xi32> to vector<128x4000xi32>
    %eq3A_13 = vector.broadcast %iota3A_11 : vector<128x1xi32> to vector<128x4000xi32>
    %eq3A_14 = arith.cmpi eq, %eq3A_12, %eq3A_13 : vector<128x4000xi32>
    %convert_element_type3A_15 = arith.extui %eq3A_14 : vector<128x4000xi1> to vector<128x4000xi32>
    %convert_element_type3A_16 = arith.sitofp %convert_element_type3A_15 : vector<128x4000xi32> to vector<128x4000xf32>
    %convert_element_type3A_17 = arith.truncf %convert_element_type3A_16 : vector<128x4000xf32> to vector<128x4000xbf16>
    %dot_general3A = arith.constant dense<0.000000e+00> : vector<80x128xf32>
    %dot_general3A_18 = tpu.matmul %convert_element_type3A_8, %convert_element_type3A_17, %dot_general3A {dimension_numbers = #tpu.dot_dimension_numbers<[1], [1], [0], [0], [0, 0, 1, 0], [], []>, transpose_lhs_hint = false} : vector<80x4000xbf16>, vector<128x4000xbf16>, vector<80x128xf32> -> vector<80x128xf32>
    %add3A = arith.addf %broadcast_in_dim3A_2, %dot_general3A_18 : vector<80x128xf32>
    %slice3A_19 = vector.extract_strided_slice %get3A_1 {offsets = [1, 0], sizes = [1, 4000], strides = [1, 1]} : vector<8x4000xi32> to vector<1x4000xi32>
    %shift_right_arithmetic3A_20 = arith.constant 7 : i32
    %shift_right_arithmetic3A_21 = vector.broadcast %shift_right_arithmetic3A_20 : i32 to vector<1x4000xi32>
    %shift_right_arithmetic3A_22 = arith.shrsi %slice3A_19, %shift_right_arithmetic3A_21 : vector<1x4000xi32>
    %iota3A_23 = tpu.iota {dimensions = array<i32: 0>} : vector<80x1xi32>
    %eq3A_24 = vector.broadcast %shift_right_arithmetic3A_22 : vector<1x4000xi32> to vector<80x4000xi32>
    %eq3A_25 = vector.broadcast %iota3A_23 : vector<80x1xi32> to vector<80x4000xi32>
    %eq3A_26 = arith.cmpi eq, %eq3A_24, %eq3A_25 : vector<80x4000xi32>
    %convert_element_type3A_27 = arith.extui %eq3A_26 : vector<80x4000xi1> to vector<80x4000xi32>
    %convert_element_type3A_28 = arith.sitofp %convert_element_type3A_27 : vector<80x4000xi32> to vector<80x4000xf32>
    %convert_element_type3A_29 = arith.truncf %convert_element_type3A_28 : vector<80x4000xf32> to vector<80x4000xbf16>
    %and3A_30 = arith.constant 127 : i32
    %and3A_31 = vector.broadcast %and3A_30 : i32 to vector<1x4000xi32>
    %and3A_32 = arith.andi %slice3A_19, %and3A_31 : vector<1x4000xi32>
    %iota3A_33 = tpu.iota {dimensions = array<i32: 0>} : vector<128x1xi32>
    %eq3A_34 = vector.broadcast %and3A_32 : vector<1x4000xi32> to vector<128x4000xi32>
    %eq3A_35 = vector.broadcast %iota3A_33 : vector<128x1xi32> to vector<128x4000xi32>
    %eq3A_36 = arith.cmpi eq, %eq3A_34, %eq3A_35 : vector<128x4000xi32>
    %convert_element_type3A_37 = arith.extui %eq3A_36 : vector<128x4000xi1> to vector<128x4000xi32>
    %convert_element_type3A_38 = arith.sitofp %convert_element_type3A_37 : vector<128x4000xi32> to vector<128x4000xf32>
    %convert_element_type3A_39 = arith.truncf %convert_element_type3A_38 : vector<128x4000xf32> to vector<128x4000xbf16>
    %dot_general3A_40 = arith.constant dense<0.000000e+00> : vector<80x128xf32>
    %dot_general3A_41 = tpu.matmul %convert_element_type3A_29, %convert_element_type3A_39, %dot_general3A_40 {dimension_numbers = #tpu.dot_dimension_numbers<[1], [1], [0], [0], [0, 0, 1, 0], [], []>, transpose_lhs_hint = false} : vector<80x4000xbf16>, vector<128x4000xbf16>, vector<80x128xf32> -> vector<80x128xf32>
    %add3A_42 = arith.addf %add3A, %dot_general3A_41 : vector<80x128xf32>
    %slice3A_43 = vector.extract_strided_slice %get3A_1 {offsets = [2, 0], sizes = [1, 4000], strides = [1, 1]} : vector<8x4000xi32> to vector<1x4000xi32>
    %shift_right_arithmetic3A_44 = arith.constant 7 : i32
    %shift_right_arithmetic3A_45 = vector.broadcast %shift_right_arithmetic3A_44 : i32 to vector<1x4000xi32>
    %shift_right_arithmetic3A_46 = arith.shrsi %slice3A_43, %shift_right_arithmetic3A_45 : vector<1x4000xi32>
    %iota3A_47 = tpu.iota {dimensions = array<i32: 0>} : vector<80x1xi32>
    %eq3A_48 = vector.broadcast %shift_right_arithmetic3A_46 : vector<1x4000xi32> to vector<80x4000xi32>
    %eq3A_49 = vector.broadcast %iota3A_47 : vector<80x1xi32> to vector<80x4000xi32>
    %eq3A_50 = arith.cmpi eq, %eq3A_48, %eq3A_49 : vector<80x4000xi32>
    %convert_element_type3A_51 = arith.extui %eq3A_50 : vector<80x4000xi1> to vector<80x4000xi32>
    %convert_element_type3A_52 = arith.sitofp %convert_element_type3A_51 : vector<80x4000xi32> to vector<80x4000xf32>
    %convert_element_type3A_53 = arith.truncf %convert_element_type3A_52 : vector<80x4000xf32> to vector<80x4000xbf16>
    %and3A_54 = arith.constant 127 : i32
    %and3A_55 = vector.broadcast %and3A_54 : i32 to vector<1x4000xi32>
    %and3A_56 = arith.andi %slice3A_43, %and3A_55 : vector<1x4000xi32>
    %iota3A_57 = tpu.iota {dimensions = array<i32: 0>} : vector<128x1xi32>
    %eq3A_58 = vector.broadcast %and3A_56 : vector<1x4000xi32> to vector<128x4000xi32>
    %eq3A_59 = vector.broadcast %iota3A_57 : vector<128x1xi32> to vector<128x4000xi32>
    %eq3A_60 = arith.cmpi eq, %eq3A_58, %eq3A_59 : vector<128x4000xi32>
    %convert_element_type3A_61 = arith.extui %eq3A_60 : vector<128x4000xi1> to vector<128x4000xi32>
    %convert_element_type3A_62 = arith.sitofp %convert_element_type3A_61 : vector<128x4000xi32> to vector<128x4000xf32>
    %convert_element_type3A_63 = arith.truncf %convert_element_type3A_62 : vector<128x4000xf32> to vector<128x4000xbf16>
    %dot_general3A_64 = arith.constant dense<0.000000e+00> : vector<80x128xf32>
    %dot_general3A_65 = tpu.matmul %convert_element_type3A_53, %convert_element_type3A_63, %dot_general3A_64 {dimension_numbers = #tpu.dot_dimension_numbers<[1], [1], [0], [0], [0, 0, 1, 0], [], []>, transpose_lhs_hint = false} : vector<80x4000xbf16>, vector<128x4000xbf16>, vector<80x128xf32> -> vector<80x128xf32>
    %add3A_66 = arith.addf %add3A_42, %dot_general3A_65 : vector<80x128xf32>
    %slice3A_67 = vector.extract_strided_slice %get3A_1 {offsets = [3, 0], sizes = [1, 4000], strides = [1, 1]} : vector<8x4000xi32> to vector<1x4000xi32>
    %shift_right_arithmetic3A_68 = arith.constant 7 : i32
    %shift_right_arithmetic3A_69 = vector.broadcast %shift_right_arithmetic3A_68 : i32 to vector<1x4000xi32>
    %shift_right_arithmetic3A_70 = arith.shrsi %slice3A_67, %shift_right_arithmetic3A_69 : vector<1x4000xi32>
    %iota3A_71 = tpu.iota {dimensions = array<i32: 0>} : vector<80x1xi32>
    %eq3A_72 = vector.broadcast %shift_right_arithmetic3A_70 : vector<1x4000xi32> to vector<80x4000xi32>
    %eq3A_73 = vector.broadcast %iota3A_71 : vector<80x1xi32> to vector<80x4000xi32>
    %eq3A_74 = arith.cmpi eq, %eq3A_72, %eq3A_73 : vector<80x4000xi32>
    %convert_element_type3A_75 = arith.extui %eq3A_74 : vector<80x4000xi1> to vector<80x4000xi32>
    %convert_element_type3A_76 = arith.sitofp %convert_element_type3A_75 : vector<80x4000xi32> to vector<80x4000xf32>
    %convert_element_type3A_77 = arith.truncf %convert_element_type3A_76 : vector<80x4000xf32> to vector<80x4000xbf16>
    %and3A_78 = arith.constant 127 : i32
    %and3A_79 = vector.broadcast %and3A_78 : i32 to vector<1x4000xi32>
    %and3A_80 = arith.andi %slice3A_67, %and3A_79 : vector<1x4000xi32>
    %iota3A_81 = tpu.iota {dimensions = array<i32: 0>} : vector<128x1xi32>
    %eq3A_82 = vector.broadcast %and3A_80 : vector<1x4000xi32> to vector<128x4000xi32>
    %eq3A_83 = vector.broadcast %iota3A_81 : vector<128x1xi32> to vector<128x4000xi32>
    %eq3A_84 = arith.cmpi eq, %eq3A_82, %eq3A_83 : vector<128x4000xi32>
    %convert_element_type3A_85 = arith.extui %eq3A_84 : vector<128x4000xi1> to vector<128x4000xi32>
    %convert_element_type3A_86 = arith.sitofp %convert_element_type3A_85 : vector<128x4000xi32> to vector<128x4000xf32>
    %convert_element_type3A_87 = arith.truncf %convert_element_type3A_86 : vector<128x4000xf32> to vector<128x4000xbf16>
    %dot_general3A_88 = arith.constant dense<0.000000e+00> : vector<80x128xf32>
    %dot_general3A_89 = tpu.matmul %convert_element_type3A_77, %convert_element_type3A_87, %dot_general3A_88 {dimension_numbers = #tpu.dot_dimension_numbers<[1], [1], [0], [0], [0, 0, 1, 0], [], []>, transpose_lhs_hint = false} : vector<80x4000xbf16>, vector<128x4000xbf16>, vector<80x128xf32> -> vector<80x128xf32>
    %add3A_90 = arith.addf %add3A_66, %dot_general3A_89 : vector<80x128xf32>
    %slice3A_91 = vector.extract_strided_slice %get3A_1 {offsets = [4, 0], sizes = [1, 4000], strides = [1, 1]} : vector<8x4000xi32> to vector<1x4000xi32>
    %shift_right_arithmetic3A_92 = arith.constant 7 : i32
    %shift_right_arithmetic3A_93 = vector.broadcast %shift_right_arithmetic3A_92 : i32 to vector<1x4000xi32>
    %shift_right_arithmetic3A_94 = arith.shrsi %slice3A_91, %shift_right_arithmetic3A_93 : vector<1x4000xi32>
    %iota3A_95 = tpu.iota {dimensions = array<i32: 0>} : vector<80x1xi32>
    %eq3A_96 = vector.broadcast %shift_right_arithmetic3A_94 : vector<1x4000xi32> to vector<80x4000xi32>
    %eq3A_97 = vector.broadcast %iota3A_95 : vector<80x1xi32> to vector<80x4000xi32>
    %eq3A_98 = arith.cmpi eq, %eq3A_96, %eq3A_97 : vector<80x4000xi32>
    %convert_element_type3A_99 = arith.extui %eq3A_98 : vector<80x4000xi1> to vector<80x4000xi32>
    %convert_element_type3A_100 = arith.sitofp %convert_element_type3A_99 : vector<80x4000xi32> to vector<80x4000xf32>
    %convert_element_type3A_101 = arith.truncf %convert_element_type3A_100 : vector<80x4000xf32> to vector<80x4000xbf16>
    %and3A_102 = arith.constant 127 : i32
    %and3A_103 = vector.broadcast %and3A_102 : i32 to vector<1x4000xi32>
    %and3A_104 = arith.andi %slice3A_91, %and3A_103 : vector<1x4000xi32>
    %iota3A_105 = tpu.iota {dimensions = array<i32: 0>} : vector<128x1xi32>
    %eq3A_106 = vector.broadcast %and3A_104 : vector<1x4000xi32> to vector<128x4000xi32>
    %eq3A_107 = vector.broadcast %iota3A_105 : vector<128x1xi32> to vector<128x4000xi32>
    %eq3A_108 = arith.cmpi eq, %eq3A_106, %eq3A_107 : vector<128x4000xi32>
    %convert_element_type3A_109 = arith.extui %eq3A_108 : vector<128x4000xi1> to vector<128x4000xi32>
    %convert_element_type3A_110 = arith.sitofp %convert_element_type3A_109 : vector<128x4000xi32> to vector<128x4000xf32>
    %convert_element_type3A_111 = arith.truncf %convert_element_type3A_110 : vector<128x4000xf32> to vector<128x4000xbf16>
    %dot_general3A_112 = arith.constant dense<0.000000e+00> : vector<80x128xf32>
    %dot_general3A_113 = tpu.matmul %convert_element_type3A_101, %convert_element_type3A_111, %dot_general3A_112 {dimension_numbers = #tpu.dot_dimension_numbers<[1], [1], [0], [0], [0, 0, 1, 0], [], []>, transpose_lhs_hint = false} : vector<80x4000xbf16>, vector<128x4000xbf16>, vector<80x128xf32> -> vector<80x128xf32>
    %add3A_114 = arith.addf %add3A_90, %dot_general3A_113 : vector<80x128xf32>
    %slice3A_115 = vector.extract_strided_slice %get3A_1 {offsets = [5, 0], sizes = [1, 4000], strides = [1, 1]} : vector<8x4000xi32> to vector<1x4000xi32>
    %shift_right_arithmetic3A_116 = arith.constant 7 : i32
    %shift_right_arithmetic3A_117 = vector.broadcast %shift_right_arithmetic3A_116 : i32 to vector<1x4000xi32>
    %shift_right_arithmetic3A_118 = arith.shrsi %slice3A_115, %shift_right_arithmetic3A_117 : vector<1x4000xi32>
    %iota3A_119 = tpu.iota {dimensions = array<i32: 0>} : vector<80x1xi32>
    %eq3A_120 = vector.broadcast %shift_right_arithmetic3A_118 : vector<1x4000xi32> to vector<80x4000xi32>
    %eq3A_121 = vector.broadcast %iota3A_119 : vector<80x1xi32> to vector<80x4000xi32>
    %eq3A_122 = arith.cmpi eq, %eq3A_120, %eq3A_121 : vector<80x4000xi32>
    %convert_element_type3A_123 = arith.extui %eq3A_122 : vector<80x4000xi1> to vector<80x4000xi32>
    %convert_element_type3A_124 = arith.sitofp %convert_element_type3A_123 : vector<80x4000xi32> to vector<80x4000xf32>
    %convert_element_type3A_125 = arith.truncf %convert_element_type3A_124 : vector<80x4000xf32> to vector<80x4000xbf16>
    %and3A_126 = arith.constant 127 : i32
    %and3A_127 = vector.broadcast %and3A_126 : i32 to vector<1x4000xi32>
    %and3A_128 = arith.andi %slice3A_115, %and3A_127 : vector<1x4000xi32>
    %iota3A_129 = tpu.iota {dimensions = array<i32: 0>} : vector<128x1xi32>
    %eq3A_130 = vector.broadcast %and3A_128 : vector<1x4000xi32> to vector<128x4000xi32>
    %eq3A_131 = vector.broadcast %iota3A_129 : vector<128x1xi32> to vector<128x4000xi32>
    %eq3A_132 = arith.cmpi eq, %eq3A_130, %eq3A_131 : vector<128x4000xi32>
    %convert_element_type3A_133 = arith.extui %eq3A_132 : vector<128x4000xi1> to vector<128x4000xi32>
    %convert_element_type3A_134 = arith.sitofp %convert_element_type3A_133 : vector<128x4000xi32> to vector<128x4000xf32>
    %convert_element_type3A_135 = arith.truncf %convert_element_type3A_134 : vector<128x4000xf32> to vector<128x4000xbf16>
    %dot_general3A_136 = arith.constant dense<0.000000e+00> : vector<80x128xf32>
    %dot_general3A_137 = tpu.matmul %convert_element_type3A_125, %convert_element_type3A_135, %dot_general3A_136 {dimension_numbers = #tpu.dot_dimension_numbers<[1], [1], [0], [0], [0, 0, 1, 0], [], []>, transpose_lhs_hint = false} : vector<80x4000xbf16>, vector<128x4000xbf16>, vector<80x128xf32> -> vector<80x128xf32>
    %add3A_138 = arith.addf %add3A_114, %dot_general3A_137 : vector<80x128xf32>
    %slice3A_139 = vector.extract_strided_slice %get3A_1 {offsets = [6, 0], sizes = [1, 4000], strides = [1, 1]} : vector<8x4000xi32> to vector<1x4000xi32>
    %shift_right_arithmetic3A_140 = arith.constant 7 : i32
    %shift_right_arithmetic3A_141 = vector.broadcast %shift_right_arithmetic3A_140 : i32 to vector<1x4000xi32>
    %shift_right_arithmetic3A_142 = arith.shrsi %slice3A_139, %shift_right_arithmetic3A_141 : vector<1x4000xi32>
    %iota3A_143 = tpu.iota {dimensions = array<i32: 0>} : vector<80x1xi32>
    %eq3A_144 = vector.broadcast %shift_right_arithmetic3A_142 : vector<1x4000xi32> to vector<80x4000xi32>
    %eq3A_145 = vector.broadcast %iota3A_143 : vector<80x1xi32> to vector<80x4000xi32>
    %eq3A_146 = arith.cmpi eq, %eq3A_144, %eq3A_145 : vector<80x4000xi32>
    %convert_element_type3A_147 = arith.extui %eq3A_146 : vector<80x4000xi1> to vector<80x4000xi32>
    %convert_element_type3A_148 = arith.sitofp %convert_element_type3A_147 : vector<80x4000xi32> to vector<80x4000xf32>
    %convert_element_type3A_149 = arith.truncf %convert_element_type3A_148 : vector<80x4000xf32> to vector<80x4000xbf16>
    %and3A_150 = arith.constant 127 : i32
    %and3A_151 = vector.broadcast %and3A_150 : i32 to vector<1x4000xi32>
    %and3A_152 = arith.andi %slice3A_139, %and3A_151 : vector<1x4000xi32>
    %iota3A_153 = tpu.iota {dimensions = array<i32: 0>} : vector<128x1xi32>
    %eq3A_154 = vector.broadcast %and3A_152 : vector<1x4000xi32> to vector<128x4000xi32>
    %eq3A_155 = vector.broadcast %iota3A_153 : vector<128x1xi32> to vector<128x4000xi32>
    %eq3A_156 = arith.cmpi eq, %eq3A_154, %eq3A_155 : vector<128x4000xi32>
    %convert_element_type3A_157 = arith.extui %eq3A_156 : vector<128x4000xi1> to vector<128x4000xi32>
    %convert_element_type3A_158 = arith.sitofp %convert_element_type3A_157 : vector<128x4000xi32> to vector<128x4000xf32>
    %convert_element_type3A_159 = arith.truncf %convert_element_type3A_158 : vector<128x4000xf32> to vector<128x4000xbf16>
    %dot_general3A_160 = arith.constant dense<0.000000e+00> : vector<80x128xf32>
    %dot_general3A_161 = tpu.matmul %convert_element_type3A_149, %convert_element_type3A_159, %dot_general3A_160 {dimension_numbers = #tpu.dot_dimension_numbers<[1], [1], [0], [0], [0, 0, 1, 0], [], []>, transpose_lhs_hint = false} : vector<80x4000xbf16>, vector<128x4000xbf16>, vector<80x128xf32> -> vector<80x128xf32>
    %add3A_162 = arith.addf %add3A_138, %dot_general3A_161 : vector<80x128xf32>
    %slice3A_163 = vector.extract_strided_slice %get3A_1 {offsets = [7, 0], sizes = [1, 4000], strides = [1, 1]} : vector<8x4000xi32> to vector<1x4000xi32>
    %shift_right_arithmetic3A_164 = arith.constant 7 : i32
    %shift_right_arithmetic3A_165 = vector.broadcast %shift_right_arithmetic3A_164 : i32 to vector<1x4000xi32>
    %shift_right_arithmetic3A_166 = arith.shrsi %slice3A_163, %shift_right_arithmetic3A_165 : vector<1x4000xi32>
    %iota3A_167 = tpu.iota {dimensions = array<i32: 0>} : vector<80x1xi32>
    %eq3A_168 = vector.broadcast %shift_right_arithmetic3A_166 : vector<1x4000xi32> to vector<80x4000xi32>
    %eq3A_169 = vector.broadcast %iota3A_167 : vector<80x1xi32> to vector<80x4000xi32>
    %eq3A_170 = arith.cmpi eq, %eq3A_168, %eq3A_169 : vector<80x4000xi32>
    %convert_element_type3A_171 = arith.extui %eq3A_170 : vector<80x4000xi1> to vector<80x4000xi32>
    %convert_element_type3A_172 = arith.sitofp %convert_element_type3A_171 : vector<80x4000xi32> to vector<80x4000xf32>
    %convert_element_type3A_173 = arith.truncf %convert_element_type3A_172 : vector<80x4000xf32> to vector<80x4000xbf16>
    %and3A_174 = arith.constant 127 : i32
    %and3A_175 = vector.broadcast %and3A_174 : i32 to vector<1x4000xi32>
    %and3A_176 = arith.andi %slice3A_163, %and3A_175 : vector<1x4000xi32>
    %iota3A_177 = tpu.iota {dimensions = array<i32: 0>} : vector<128x1xi32>
    %eq3A_178 = vector.broadcast %and3A_176 : vector<1x4000xi32> to vector<128x4000xi32>
    %eq3A_179 = vector.broadcast %iota3A_177 : vector<128x1xi32> to vector<128x4000xi32>
    %eq3A_180 = arith.cmpi eq, %eq3A_178, %eq3A_179 : vector<128x4000xi32>
    %convert_element_type3A_181 = arith.extui %eq3A_180 : vector<128x4000xi1> to vector<128x4000xi32>
    %convert_element_type3A_182 = arith.sitofp %convert_element_type3A_181 : vector<128x4000xi32> to vector<128x4000xf32>
    %convert_element_type3A_183 = arith.truncf %convert_element_type3A_182 : vector<128x4000xf32> to vector<128x4000xbf16>
    %dot_general3A_184 = arith.constant dense<0.000000e+00> : vector<80x128xf32>
    %dot_general3A_185 = tpu.matmul %convert_element_type3A_173, %convert_element_type3A_183, %dot_general3A_184 {dimension_numbers = #tpu.dot_dimension_numbers<[1], [1], [0], [0], [0, 0, 1, 0], [], []>, transpose_lhs_hint = false} : vector<80x4000xbf16>, vector<128x4000xbf16>, vector<80x128xf32> -> vector<80x128xf32>
    %add3A_186 = arith.addf %add3A_162, %dot_general3A_185 : vector<80x128xf32>
    %eq3A_187 = arith.constant 0 : i32
    %eq3A_188 = arith.cmpi eq, %arg0, %eq3A_187 : i32
    %convert_element_type3A_189 = arith.extui %eq3A_188 : i1 to i32
    %cond3A = arith.constant 0 : i32
    %cond3A_190 = arith.cmpi ne, %convert_element_type3A_189, %cond3A : i32
    scf.if %cond3A_190 {
      %swap3A = arith.constant 0 : index
      %swap3A_195 = arith.constant 0 : index
      %swap3A_196 = vector.load %arg2[%swap3A, %swap3A_195] : memref<80x128xf32, #tpu.memory_space<vmem>>, vector<80x128xf32>
      tpu.vector_store %arg2[%swap3A, %swap3A_195], %add3A_186 {strides = array<i32>} : memref<80x128xf32, #tpu.memory_space<vmem>>, vector<80x128xf32>,
    } else {
    }
    %gt3A = arith.constant 0 : i32
    %gt3A_191 = arith.cmpi sgt, %arg0, %gt3A : i32
    %convert_element_type3A_192 = arith.extui %gt3A_191 : i1 to i32
    %cond3A_193 = arith.constant 0 : i32
    %cond3A_194 = arith.cmpi ne, %convert_element_type3A_192, %cond3A_193 : i32
    scf.if %cond3A_194 {
      %get3A_195 = arith.constant 0 : index
      %get3A_196 = arith.constant 0 : index
      %get3A_197 = vector.load %arg2[%get3A_195, %get3A_196] : memref<80x128xf32, #tpu.memory_space<vmem>>, vector<80x128xf32>
      %add3A_198 = arith.addf %get3A_197, %add3A_186 : vector<80x128xf32>
      %swap3A = arith.constant 0 : index
      %swap3A_199 = arith.constant 0 : index
      %swap3A_200 = vector.load %arg2[%swap3A, %swap3A_199] : memref<80x128xf32, #tpu.memory_space<vmem>>, vector<80x128xf32>
      tpu.vector_store %arg2[%swap3A, %swap3A_199], %add3A_198 {strides = array<i32>} : memref<80x128xf32, #tpu.memory_space<vmem>>, vector<80x128xf32>,
    } else {
    }
    return
  }
  func.func @transform_0(%arg0: i32) -> (i32, i32) {
    %c0_i32 = arith.constant 0 : i32
    %c0_i32_0 = arith.constant 0 : i32
    return %arg0, %c0_i32 : i32, i32
  }
  func.func @transform_1(%arg0: i32) -> (i32, i32) {
    %c0_i32 = arith.constant 0 : i32
    %c0_i32_0 = arith.constant 0 : i32
    %c0_i32_1 = arith.constant 0 : i32
    return %c0_i32, %c0_i32_0 : i32, i32
  }
}

module attributes {stable_mosaic.version = 14 : i64} {
  func.func @_tc_b_body(%arg0: i32, %arg1: memref<1000x128xf32, #tpu.memory_space<vmem>>, %arg2: memref<128x128xf32, #tpu.memory_space<vmem>>, %arg3: memref<1000x1xf32, #tpu.memory_space<vmem>>, %arg4: memref<1000x128xf32, #tpu.memory_space<vmem>>, %arg5: memref<1000x128xf32, #tpu.memory_space<vmem>>) attributes {dimension_semantics = [#tpu.dimension_semantics<arbitrary>], iteration_bounds = array<i64: 10>, scalar_prefetch = 0 : i64, scratch_operands = 0 : i64, tpu.core_type = #tpu.core_type<tc>, window_params = [{transform_indices = @transform_0, window_bounds = array<i64: 1000, 128>}, {pipeline_mode = #tpu.pipeline_mode<synchronous>, transform_indices = @transform_1, window_bounds = array<i64: 128, 128>}, {transform_indices = @transform_2, window_bounds = array<i64: 1000, 1>}, {transform_indices = @transform_3, window_bounds = array<i64: 1000, 128>}, {transform_indices = @transform_4, window_bounds = array<i64: 1000, 128>}]} {
    %get3A = arith.constant 0 : index
    %get3A_0 = arith.constant 0 : index
    %get3A_1 = vector.load %arg1[%get3A, %get3A_0] : memref<1000x128xf32, #tpu.memory_space<vmem>>, vector<1000x128xf32>
    %mul3A = arith.mulf %get3A_1, %get3A_1 : vector<1000x128xf32>
    %reduce_sum3A = arith.constant dense<0.000000e+00> : vector<1000xf32>
    %reduce_sum3A_2 = vector.multi_reduction <add>, %mul3A, %reduce_sum3A [1] : vector<1000x128xf32> to vector<1000xf32>
    %broadcast_in_dim3A = vector.shape_cast %reduce_sum3A_2 : vector<1000xf32> to vector<1000x1xf32>
    %sqrt3A = math.sqrt %broadcast_in_dim3A : vector<1000x1xf32>
    %add3A = arith.constant 1.000000e-07 : f32
    %add3A_3 = vector.broadcast %add3A : f32 to vector<1000x1xf32>
    %add3A_4 = arith.addf %sqrt3A, %add3A_3 : vector<1000x1xf32>
    %div3A = arith.constant 1.000000e+00 : f32
    %div3A_5 = vector.broadcast %div3A : f32 to vector<1000x1xf32>
    %div3A_6 = arith.divf %div3A_5, %add3A_4 : vector<1000x1xf32>
    %min3A = arith.constant 1.000000e+00 : f32
    %min3A_7 = vector.broadcast %min3A : f32 to vector<1000x1xf32>
    %min3A_8 = arith.minimumf %min3A_7, %div3A_6 : vector<1000x1xf32>
    %mul3A_9 = vector.broadcast %min3A_8 : vector<1000x1xf32> to vector<1000x128xf32>
    %mul3A_10 = arith.mulf %get3A_1, %mul3A_9 : vector<1000x128xf32>
    %get3A_11 = arith.constant 0 : index
    %get3A_12 = arith.constant 0 : index
    %get3A_13 = vector.load %arg3[%get3A_11, %get3A_12] : memref<1000x1xf32, #tpu.memory_space<vmem>>, vector<1000x1xf32>
    %add3A_14 = arith.constant 1.000000e+00 : f32
    %add3A_15 = vector.broadcast %add3A_14 : f32 to vector<1000x1xf32>
    %add3A_16 = arith.addf %get3A_13, %add3A_15 : vector<1000x1xf32>
    %rsqrt3A = math.rsqrt %add3A_16 : vector<1000x1xf32>
    %get3A_17 = arith.constant 0 : index
    %get3A_18 = arith.constant 0 : index
    %get3A_19 = vector.load %arg2[%get3A_17, %get3A_18] : memref<128x128xf32, #tpu.memory_space<vmem>>, vector<128x128xf32>
    %dot_general3A = arith.constant dense<0.000000e+00> : vector<1000x128xf32>
    %dot_general3A_20 = tpu.matmul %mul3A_10, %get3A_19, %dot_general3A {dimension_numbers = #tpu.dot_dimension_numbers<[1], [0], [0], [1], [0, 0, 1, 1], [], []>, transpose_lhs_hint = false} : vector<1000x128xf32>, vector<128x128xf32>, vector<1000x128xf32> -> vector<1000x128xf32>
    %mul3A_21 = vector.broadcast %rsqrt3A : vector<1000x1xf32> to vector<1000x128xf32>
    %mul3A_22 = arith.mulf %dot_general3A_20, %mul3A_21 : vector<1000x128xf32>
    %swap3A = arith.constant 0 : index
    %swap3A_23 = arith.constant 0 : index
    %swap3A_24 = vector.load %arg4[%swap3A, %swap3A_23] : memref<1000x128xf32, #tpu.memory_space<vmem>>, vector<1000x128xf32>
    tpu.vector_store %arg4[%swap3A, %swap3A_23], %mul3A_22 {strides = array<i32>} : memref<1000x128xf32, #tpu.memory_space<vmem>>, vector<1000x128xf32>,
    %broadcast_in_dim3A_25 = vector.shape_cast %rsqrt3A : vector<1000x1xf32> to vector<1000x1xf32>
    %broadcast_in_dim3A_26 = vector.broadcast %broadcast_in_dim3A_25 : vector<1000x1xf32> to vector<1000x128xf32>
    %swap3A_27 = arith.constant 0 : index
    %swap3A_28 = arith.constant 0 : index
    %swap3A_29 = vector.load %arg5[%swap3A_27, %swap3A_28] : memref<1000x128xf32, #tpu.memory_space<vmem>>, vector<1000x128xf32>
    tpu.vector_store %arg5[%swap3A_27, %swap3A_28], %broadcast_in_dim3A_26 {strides = array<i32>} : memref<1000x128xf32, #tpu.memory_space<vmem>>, vector<1000x128xf32>,
    return
  }
  func.func @transform_0(%arg0: i32) -> (i32, i32) {
    %c0_i32 = arith.constant 0 : i32
    %c0_i32_0 = arith.constant 0 : i32
    return %arg0, %c0_i32 : i32, i32
  }
  func.func @transform_1(%arg0: i32) -> (i32, i32) {
    %c0_i32 = arith.constant 0 : i32
    %c0_i32_0 = arith.constant 0 : i32
    %c0_i32_1 = arith.constant 0 : i32
    return %c0_i32, %c0_i32_0 : i32, i32
  }
  func.func @transform_2(%arg0: i32) -> (i32, i32) {
    %c0_i32 = arith.constant 0 : i32
    %c0_i32_0 = arith.constant 0 : i32
    return %arg0, %c0_i32 : i32, i32
  }
  func.func @transform_3(%arg0: i32) -> (i32, i32) {
    %c0_i32 = arith.constant 0 : i32
    %c0_i32_0 = arith.constant 0 : i32
    return %arg0, %c0_i32 : i32, i32
  }
  func.func @transform_4(%arg0: i32) -> (i32, i32) {
    %c0_i32 = arith.constant 0 : i32
    %c0_i32_0 = arith.constant 0 : i32
    return %arg0, %c0_i32 : i32, i32
  }
}

module attributes {stable_mosaic.version = 14 : i64} {
  func.func @_tc_d_body(%arg0: i32, %arg1: memref<1000x128xf32, #tpu.memory_space<vmem>>, %arg2: memref<1000x128xf32, #tpu.memory_space<vmem>>, %arg3: memref<1000x128xf32, #tpu.memory_space<vmem>>, %arg4: memref<1x128xf32, #tpu.memory_space<vmem>>, %arg5: memref<128x128xf32, #tpu.memory_space<vmem>>, %arg6: memref<1000x128xf32, #tpu.memory_space<vmem>>) attributes {dimension_semantics = [#tpu.dimension_semantics<arbitrary>], iteration_bounds = array<i64: 10>, scalar_prefetch = 0 : i64, scratch_operands = 0 : i64, tpu.core_type = #tpu.core_type<tc>, window_params = [{transform_indices = @transform_0, window_bounds = array<i64: 1000, 128>}, {transform_indices = @transform_1, window_bounds = array<i64: 1000, 128>}, {transform_indices = @transform_2, window_bounds = array<i64: 1000, 128>}, {pipeline_mode = #tpu.pipeline_mode<synchronous>, transform_indices = @transform_3, window_bounds = array<i64: 1, 128>}, {pipeline_mode = #tpu.pipeline_mode<synchronous>, transform_indices = @transform_4, window_bounds = array<i64: 128, 128>}, {transform_indices = @transform_5, window_bounds = array<i64: 1000, 128>}]} {
    %get3A = arith.constant 0 : index
    %get3A_0 = arith.constant 0 : index
    %get3A_1 = vector.load %arg3[%get3A, %get3A_0] : memref<1000x128xf32, #tpu.memory_space<vmem>>, vector<1000x128xf32>
    %get3A_2 = arith.constant 0 : index
    %get3A_3 = arith.constant 0 : index
    %get3A_4 = vector.load %arg1[%get3A_2, %get3A_3] : memref<1000x128xf32, #tpu.memory_space<vmem>>, vector<1000x128xf32>
    %get3A_5 = arith.constant 0 : index
    %get3A_6 = arith.constant 0 : index
    %get3A_7 = vector.load %arg2[%get3A_5, %get3A_6] : memref<1000x128xf32, #tpu.memory_space<vmem>>, vector<1000x128xf32>
    %add3A = arith.addf %get3A_4, %get3A_7 : vector<1000x128xf32>
    %mul3A = arith.mulf %get3A_1, %add3A : vector<1000x128xf32>
    %get3A_8 = arith.constant 0 : index
    %get3A_9 = arith.constant 0 : index
    %get3A_10 = vector.load %arg4[%get3A_8, %get3A_9] : memref<1x128xf32, #tpu.memory_space<vmem>>, vector<1x128xf32>
    %add3A_11 = vector.broadcast %get3A_10 : vector<1x128xf32> to vector<1000x128xf32>
    %add3A_12 = arith.addf %mul3A, %add3A_11 : vector<1000x128xf32>
    %max3A = arith.constant 0.000000e+00 : f32
    %max3A_13 = vector.broadcast %max3A : f32 to vector<1000x128xf32>
    %max3A_14 = arith.maximumf %add3A_12, %max3A_13 : vector<1000x128xf32>
    %get3A_15 = arith.constant 0 : index
    %get3A_16 = arith.constant 0 : index
    %get3A_17 = vector.load %arg5[%get3A_15, %get3A_16] : memref<128x128xf32, #tpu.memory_space<vmem>>, vector<128x128xf32>
    %dot_general3A = arith.constant dense<0.000000e+00> : vector<1000x128xf32>
    %dot_general3A_18 = tpu.matmul %max3A_14, %get3A_17, %dot_general3A {dimension_numbers = #tpu.dot_dimension_numbers<[1], [0], [0], [1], [0, 0, 1, 1], [], []>, transpose_lhs_hint = false} : vector<1000x128xf32>, vector<128x128xf32>, vector<1000x128xf32> -> vector<1000x128xf32>
    %get3A_19 = arith.constant 0 : index
    %get3A_20 = arith.constant 0 : index
    %get3A_21 = vector.load %arg3[%get3A_19, %get3A_20] : memref<1000x128xf32, #tpu.memory_space<vmem>>, vector<1000x128xf32>
    %mul3A_22 = arith.mulf %dot_general3A_18, %get3A_21 : vector<1000x128xf32>
    %swap3A = arith.constant 0 : index
    %swap3A_23 = arith.constant 0 : index
    %swap3A_24 = vector.load %arg6[%swap3A, %swap3A_23] : memref<1000x128xf32, #tpu.memory_space<vmem>>, vector<1000x128xf32>
    tpu.vector_store %arg6[%swap3A, %swap3A_23], %mul3A_22 {strides = array<i32>} : memref<1000x128xf32, #tpu.memory_space<vmem>>, vector<1000x128xf32>,
    return
  }
  func.func @transform_0(%arg0: i32) -> (i32, i32) {
    %c0_i32 = arith.constant 0 : i32
    %c0_i32_0 = arith.constant 0 : i32
    return %arg0, %c0_i32 : i32, i32
  }
  func.func @transform_1(%arg0: i32) -> (i32, i32) {
    %c0_i32 = arith.constant 0 : i32
    %c0_i32_0 = arith.constant 0 : i32
    return %arg0, %c0_i32 : i32, i32
  }
  func.func @transform_2(%arg0: i32) -> (i32, i32) {
    %c0_i32 = arith.constant 0 : i32
    %c0_i32_0 = arith.constant 0 : i32
    return %arg0, %c0_i32 : i32, i32
  }
  func.func @transform_3(%arg0: i32) -> (i32, i32) {
    %c0_i32 = arith.constant 0 : i32
    %c0_i32_0 = arith.constant 0 : i32
    %c0_i32_1 = arith.constant 0 : i32
    return %c0_i32, %c0_i32_0 : i32, i32
  }
  func.func @transform_4(%arg0: i32) -> (i32, i32) {
    %c0_i32 = arith.constant 0 : i32
    %c0_i32_0 = arith.constant 0 : i32
    %c0_i32_1 = arith.constant 0 : i32
    return %c0_i32, %c0_i32_0 : i32, i32
  }
  func.func @transform_5(%arg0: i32) -> (i32, i32) {
    %c0_i32 = arith.constant 0 : i32
    %c0_i32_0 = arith.constant 0 : i32
    return %arg0, %c0_i32 : i32, i32
  }
}

module attributes {stable_mosaic.version = 14 : i64} {
  func.func @_tc_f_body(%arg0: i32, %arg1: memref<512x128xf32, #tpu.memory_space<vmem>>, %arg2: memref<512x128xf32, #tpu.memory_space<vmem>>, %arg3: memref<512x128xf32, #tpu.memory_space<vmem>>, %arg4: memref<512x128xf32, #tpu.memory_space<vmem>>, %arg5: memref<1x128xf32, #tpu.memory_space<vmem>>, %arg6: memref<512x1xf32, #tpu.memory_space<vmem>>) attributes {dimension_semantics = [#tpu.dimension_semantics<arbitrary>], iteration_bounds = array<i64: 8>, scalar_prefetch = 0 : i64, scratch_operands = 0 : i64, tpu.core_type = #tpu.core_type<tc>, window_params = [{transform_indices = @transform_0, window_bounds = array<i64: 512, 128>}, {transform_indices = @transform_1, window_bounds = array<i64: 512, 128>}, {transform_indices = @transform_2, window_bounds = array<i64: 512, 128>}, {transform_indices = @transform_3, window_bounds = array<i64: 512, 128>}, {pipeline_mode = #tpu.pipeline_mode<synchronous>, transform_indices = @transform_4, window_bounds = array<i64: 1, 128>}, {transform_indices = @transform_5, window_bounds = array<i64: 512, 1>}]} {
    %get3A = arith.constant 0 : index
    %get3A_0 = arith.constant 0 : index
    %get3A_1 = vector.load %arg1[%get3A, %get3A_0] : memref<512x128xf32, #tpu.memory_space<vmem>>, vector<512x128xf32>
    %mul3A = arith.mulf %get3A_1, %get3A_1 : vector<512x128xf32>
    %reduce_sum3A = arith.constant dense<0.000000e+00> : vector<512xf32>
    %reduce_sum3A_2 = vector.multi_reduction <add>, %mul3A, %reduce_sum3A [1] : vector<512x128xf32> to vector<512xf32>
    %broadcast_in_dim3A = vector.shape_cast %reduce_sum3A_2 : vector<512xf32> to vector<512x1xf32>
    %sqrt3A = math.sqrt %broadcast_in_dim3A : vector<512x1xf32>
    %add3A = arith.constant 1.000000e-07 : f32
    %add3A_3 = vector.broadcast %add3A : f32 to vector<512x1xf32>
    %add3A_4 = arith.addf %sqrt3A, %add3A_3 : vector<512x1xf32>
    %div3A = arith.constant 1.000000e+00 : f32
    %div3A_5 = vector.broadcast %div3A : f32 to vector<512x1xf32>
    %div3A_6 = arith.divf %div3A_5, %add3A_4 : vector<512x1xf32>
    %min3A = arith.constant 1.000000e+00 : f32
    %min3A_7 = vector.broadcast %min3A : f32 to vector<512x1xf32>
    %min3A_8 = arith.minimumf %min3A_7, %div3A_6 : vector<512x1xf32>
    %mul3A_9 = vector.broadcast %min3A_8 : vector<512x1xf32> to vector<512x128xf32>
    %mul3A_10 = arith.mulf %get3A_1, %mul3A_9 : vector<512x128xf32>
    %get3A_11 = arith.constant 0 : index
    %get3A_12 = arith.constant 0 : index
    %get3A_13 = vector.load %arg4[%get3A_11, %get3A_12] : memref<512x128xf32, #tpu.memory_space<vmem>>, vector<512x128xf32>
    %get3A_14 = arith.constant 0 : index
    %get3A_15 = arith.constant 0 : index
    %get3A_16 = vector.load %arg2[%get3A_14, %get3A_15] : memref<512x128xf32, #tpu.memory_space<vmem>>, vector<512x128xf32>
    %get3A_17 = arith.constant 0 : index
    %get3A_18 = arith.constant 0 : index
    %get3A_19 = vector.load %arg3[%get3A_17, %get3A_18] : memref<512x128xf32, #tpu.memory_space<vmem>>, vector<512x128xf32>
    %add3A_20 = arith.addf %get3A_16, %get3A_19 : vector<512x128xf32>
    %mul3A_21 = arith.mulf %get3A_13, %add3A_20 : vector<512x128xf32>
    %get3A_22 = arith.constant 0 : index
    %get3A_23 = arith.constant 0 : index
    %get3A_24 = vector.load %arg5[%get3A_22, %get3A_23] : memref<1x128xf32, #tpu.memory_space<vmem>>, vector<1x128xf32>
    %add3A_25 = vector.broadcast %get3A_24 : vector<1x128xf32> to vector<512x128xf32>
    %add3A_26 = arith.addf %mul3A_21, %add3A_25 : vector<512x128xf32>
    %mul3A_27 = arith.mulf %mul3A_10, %add3A_26 : vector<512x128xf32>
    %reduce_sum3A_28 = arith.constant dense<0.000000e+00> : vector<512xf32>
    %reduce_sum3A_29 = vector.multi_reduction <add>, %mul3A_27, %reduce_sum3A_28 [1] : vector<512x128xf32> to vector<512xf32>
    %broadcast_in_dim3A_30 = vector.shape_cast %reduce_sum3A_29 : vector<512xf32> to vector<512x1xf32>
    %logistic3A = arith.negf %broadcast_in_dim3A_30 : vector<512x1xf32>
    %logistic3A_31 = math.exp %logistic3A : vector<512x1xf32>
    %logistic3A_32 = arith.constant 1.000000e+00 : f32
    %logistic3A_33 = vector.broadcast %logistic3A_32 : f32 to vector<512x1xf32>
    %logistic3A_34 = arith.addf %logistic3A_33, %logistic3A_31 : vector<512x1xf32>
    %logistic3A_35 = arith.divf %logistic3A_33, %logistic3A_34 : vector<512x1xf32>
    %swap3A = arith.constant 0 : index
    %swap3A_36 = arith.constant 0 : index
    %swap3A_37 = vector.load %arg6[%swap3A, %swap3A_36] : memref<512x1xf32, #tpu.memory_space<vmem>>, vector<512x1xf32>
    tpu.vector_store %arg6[%swap3A, %swap3A_36], %logistic3A_35 {strides = array<i32>} : memref<512x1xf32, #tpu.memory_space<vmem>>, vector<512x1xf32>,
    return
  }
  func.func @transform_0(%arg0: i32) -> (i32, i32) {
    %c0_i32 = arith.constant 0 : i32
    %c0_i32_0 = arith.constant 0 : i32
    return %arg0, %c0_i32 : i32, i32
  }
  func.func @transform_1(%arg0: i32) -> (i32, i32) {
    %c0_i32 = arith.constant 0 : i32
    %c0_i32_0 = arith.constant 0 : i32
    return %arg0, %c0_i32 : i32, i32
  }
  func.func @transform_2(%arg0: i32) -> (i32, i32) {
    %c0_i32 = arith.constant 0 : i32
    %c0_i32_0 = arith.constant 0 : i32
    return %arg0, %c0_i32 : i32, i32
  }
  func.func @transform_3(%arg0: i32) -> (i32, i32) {
    %c0_i32 = arith.constant 0 : i32
    %c0_i32_0 = arith.constant 0 : i32
    return %arg0, %c0_i32 : i32, i32
  }
  func.func @transform_4(%arg0: i32) -> (i32, i32) {
    %c0_i32 = arith.constant 0 : i32
    %c0_i32_0 = arith.constant 0 : i32
    %c0_i32_1 = arith.constant 0 : i32
    return %c0_i32, %c0_i32_0 : i32, i32
  }
  func.func @transform_5(%arg0: i32) -> (i32, i32) {
    %c0_i32 = arith.constant 0 : i32
    %c0_i32_0 = arith.constant 0 : i32
    return %arg0, %c0_i32 : i32, i32
  }
}

</mosaic_0001>

<sc_bundles>
// kernel: kernel.12.cloned.1.call-start
scs
__scs_entry_jumppad:
0x0: {  	(pc) =	sbr.rel $0x88, $3  }
0x1: {  	(tag) =	ssettag $0x0;
	lr =	simm.s32 $0x1  }
0x2: {  	[smem:$0x3F98] =	sst lr;
	_ =	strace $0xD0000000  }
0x3: {  	_ = 	snop  }
0x4: {  	_ = 	snop  }
0x5: {  	_ = 	snop  }
0x6: {  	_ = 	snop  }
0x7: {  	_ = 	snop  }
__scs_overlays_trampoline_lowered:
0x8: {  	[smem:$0x3FA7] =	sst s0  }
0x9: {  	[smem:$0x3FA8] =	sst s1  }
0xa: {  	[smem:$0x3FA9] =	sst s2  }
0xb: {  	[smem:$0x3FAA] =	sst s3  }
0xc: {  	[smem:$0x3FAB] =	sst s4  }
0xd: {  	[smem:$0x3FAC] =	sst s5  }
0xe: {  	[smem:$0x3FAD] =	sst s6  }
0xf: {  	[smem:$0x3FAE] =	sst s7  }
0x10: {  	[smem:$0x3FAF] =	sst s8  }
0x11: {  	[smem:$0x3FB0] =	sst s9;
	s0 =	simm.s32 @!p0 $0x0  }
0x12: {  	s1 =	sld [smem:$0x3F96];
	s0 =	simm.s32 @p0 $0x1  }
0x13: {  	[smem:$0x3FB1] =	sst s0;
	s0 =	simm.s32 @!p1 $0x0  }
0x14: {  	s2 =	sld [smem:$0x3F95];
	s0 =	simm.s32 @p1 $0x1  }
0x15: {  	[smem:$0x3FB2] =	sst s0;
	s0 =	simm.s32 @!p2 $0x0  }
0x16: {  	s3 =	sld [smem:$0x3FDB];
	s0 =	simm.s32 @p2 $0x1  }
0x17: {  	s4 =	simm.s32 $0x1BF5;
	[smem:$0x3FB4] =	sst s0  }
0x18: {  	s0 =	sld [smem:$0x3F97];
	_ =	swait.ge [sflag:s4], $0x0  }
0x19: {  	s7 =	sld [smem:$0x3F98]  }
0x1a: {  	s8 =	sadd.s32 $0xFFFFE003, lr  }
0x1b: {  	s9 =	sadd.s32 $0xFFFFFEF7, lr;
	s5 =	simm.s32 $0xFFFFFFFF;
	p2 =	slt.u32 s8, $0xFFFFF086  }
0x1c: {  	p1 =	slt.u32 s9, $0xF7A;
	s5 =	simm.s32 @!p2 $0x0  }
0x1d: {  	s5 =	simm.s32 @p1 $0x1;
	p0 =	seq.s32 s7, s2  }
0x1e: {  	s7 =	smul.u32 @!p0 $0xF7A, s2;
	p2 =	seq.s32 @!p0 s5, $0x0  }
0x1f: {  	s9 =	smul.u32 $0xF7A, s1;
	s8 =	simm.s32 @!p0 $0x1BF5;
	p2 =	por !p2, p0  }
0x20: {  	[sflag:s8] =	ssyncset.s32 @!p0 $0xFFFFF086;
	s6 =	sadd.s32 @!p0 s3, s7;
	s7 =	simm.s32 @!p0 $0x108  }
0x21: {  	s3 =	sadd.s32 s3, s9;
	s6 =	sadd.s32 @!p0 $0x88, s6;
	s7 =	simm.s32 @p2 $0x1082  }
0x22: {  	[simem:s7], [sflag:s8] =	dma.local @!p0 [hbm:s6], $0xF7A  }
0x23: {  	s9 =	sor.u32 $0xD0000000, s2;
	s6 =	simm.s32 $0x108;
	_ =	swait.ge @!p0 [sflag:s8], $0x0  }
0x24: {  	s3 =	sadd.s32 $0x88, s3;
	s6 =	simm.s32 @!p1 $0x1082;
	[sflag:s4] =	ssyncset.s32 $0xFFFFF086  }
0x25: {  	[simem:s6], [sflag:s4] =	dma.local [hbm:s3], $0xF7A  }
0x26: {  	[smem:$0x3F98] =	sst s1;
	(tag) =	ssettag s2;
	_ =	strace s9  }
0x27: {  	s1 =	sld [smem:$0x3FA8]  }
0x28: {  	s2 =	sld [smem:$0x3FA9]  }
0x29: {  	s4 =	sld [smem:$0x3FAB]  }
0x2a: {  	p0 =	seq.s32 s5, $0x0;
	s5 =	sld [smem:$0x3FAC]  }
0x2b: {  	s6 =	sld [smem:$0x3FAD]  }
0x2c: {  	s7 =	sld [smem:$0x3FAE]  }
0x2d: {  	s3 =	simm.s32 $0x108;
	s8 =	sld [smem:$0x3FAF]  }
0x2e: {  	s3 =	simm.s32 @!p0 $0x1082;
	s9 =	sld [smem:$0x3FB0]  }
0x2f: {  	lr =	sadd.s32 s0, s3;
	s0 =	sld [smem:$0x3FA7]  }
0x30: {  	s3 =	sld [smem:$0x3FAA]  }
0x31: {  	[smem:$0x3FB3] =	sst s10  }
0x32: {  	s10 =	sld [smem:$0x3FB1];
	_ =	sdelay $0x3  }
0x33: {  	p0 =	seq.s32 s10, $0x1;
	s10 =	sld [smem:$0x3FB3];
	_ =	sdelay $0x3  }
0x34: {  	[smem:$0x3FB3] =	sst s10  }
0x35: {  	s10 =	sld [smem:$0x3FB2];
	_ =	sdelay $0x3  }
0x36: {  	p1 =	seq.s32 s10, $0x1;
	s10 =	sld [smem:$0x3FB3];
	_ =	sdelay $0x3  }
0x37: {  	[smem:$0x3FB3] =	sst s10  }
0x38: {  	s10 =	sld [smem:$0x3FB4]  }
0x39: {  	_ = 	snop;
	(pc) =	sbr.ind lr, $3  }
0x3a: {  	_ = 	snop  }
0x3b: {  	_ = 	snop  }
0x3c: {  	p2 =	seq.s32 s10, $0x1;
	s10 =	sld [smem:$0x3FB3]  }
0x3d: {  	_ =	shalt  }
0x3e: {  	_ =	shalt  }
0x3f: {  	_ =	shalt  }
0x40: {  	_ =	shalt  }
0x41: {  	_ =	shalt  }
0x42: {  	_ =	shalt  }
0x43: {  	_ =	shalt  }
0x44: {  	_ =	shalt  }
0x45: {  	_ =	shalt  }
0x46: {  	_ =	shalt  }
0x47: {  	_ =	shalt  }
0x48: {  	_ =	shalt  }
0x49: {  	_ =	shalt  }
0x4a: {  	_ =	shalt  }
0x4b: {  	_ =	shalt  }
0x4c: {  	_ =	shalt  }
0x4d: {  	_ =	shalt  }
0x4e: {  	_ =	shalt  }
0x4f: {  	_ =	shalt  }
0x50: {  	_ =	shalt  }
0x51: {  	_ =	shalt  }
0x52: {  	_ =	shalt  }
0x53: {  	_ =	shalt  }
0x54: {  	_ =	shalt  }
0x55: {  	_ =	shalt  }
0x56: {  	_ =	shalt  }
0x57: {  	_ =	shalt  }
0x58: {  	_ =	shalt  }
0x59: {  	_ =	shalt  }
0x5a: {  	_ =	shalt  }
0x5b: {  	_ =	shalt  }
0x5c: {  	_ =	shalt  }
0x5d: {  	_ =	shalt  }
0x5e: {  	_ =	shalt  }
0x5f: {  	_ =	shalt  }
0x60: {  	_ =	shalt  }
0x61: {  	_ =	shalt  }
0x62: {  	_ =	shalt  }
0x63: {  	_ =	shalt  }
0x64: {  	_ =	shalt  }
0x65: {  	_ =	shalt  }
0x66: {  	_ =	shalt  }
0x67: {  	_ =	shalt  }
0x68: {  	_ =	shalt  }
0x69: {  	_ =	shalt  }
0x6a: {  	_ =	shalt  }
0x6b: {  	_ =	shalt  }
0x6c: {  	_ =	shalt  }
0x6d: {  	_ =	shalt  }
0x6e: {  	_ =	shalt  }
0x6f: {  	_ =	shalt  }
0x70: {  	_ =	shalt  }
0x71: {  	_ =	shalt  }
0x72: {  	_ =	shalt  }
0x73: {  	_ =	shalt  }
0x74: {  	_ =	shalt  }
0x75: {  	_ =	shalt  }
0x76: {  	_ =	shalt  }
0x77: {  	_ =	shalt  }
0x78: {  	_ =	shalt  }
0x79: {  	_ =	shalt  }
0x7a: {  	_ =	shalt  }
0x7b: {  	_ =	shalt  }
0x7c: {  	_ =	shalt  }
0x7d: {  	_ =	shalt  }
0x7e: {  	_ =	shalt  }
0x7f: {  	_ =	shalt  }
0x80: {  	_ =	shalt  }
0x81: {  	_ =	shalt  }
0x82: {  	_ =	shalt  }
0x83: {  	_ =	shalt  }
0x84: {  	_ =	shalt  }
0x85: {  	_ =	shalt  }
0x86: {  	_ =	shalt  }
0x87: {  	_ =	shalt  }
.Lfunc_end0:
.L_simem_size_0:
called_computation.1_lowered:
.L_overlay_start_0:
0x88: {  	s2 =	sld [smem:$0x3FD9]  }
0x89: {  	s3 =	sld [smem:$0x3FFE];
	_ =	sdelay $0x1  }
0x8a: {  	s1 =	srdreg.scid  }
0x8b: {  	s0 =	sand.u32 $0x1, s1  }
0x8c: {  	s16 =	sshll.u32 s0, $0xA;
	s2 =	sadd.s32 s3, s2  }
0x8d: {  	s2 =	sadd.s32 s2, s16  }
0x8e: {  	[smem:$0x3FBF] =	sst s2  }
0x8f: {  	_ = 	snop  }
0x90: {  	(tm) =	ssettm $0x1  }
0x91: {  	s17 =	sld [smem:$0x3FFB];
	_ =	sdelay $0x3  }
0x92: {  	_ =	strace s17  }
0x93: {  	s2 =	sld [smem:$0x3FFC];
	_ =	sdelay $0x3  }
0x94: {  	_ =	strace s2  }
0x95: {  	s2 =	sld [smem:$0x3FFD];
	_ =	sdelay $0x3  }
0x96: {  	_ =	strace s2  }
0x97: {  	_ =	strace $0x8FFFFFFF  }
0x98: {  	s18 =	sld [smem:$0x3FDB];
	_ =	sdelay $0x1  }
0x99: {  	s19 =	simm.s32 $_scs_section_size  }
0x9a: {  	s4 =	simm.s32 $_size__tile_overlayer_lowered;
	s5 =	simm.s32 $_tile_overlayer_lowered  }
0x9b: {  	s22 =	simm.s32 $0x1BFF;
	s21 =	sshll.u32 s5, $0x1;
	s2 =	sadd.s32 s19, s18  }
0x9c: {  	s6 =	simm.s32 $0x0;
	s20 =	sshll.u32 s4, $0x1;
	s4 =	sadd.s32 s21, s2  }
0x9d: {  	[timem:s6], [sflag:s22] =	dma.local [hbm:s4], s20  }
0x9e: {  	_ =	swait.ge [sflag:s22], s20  }
0x9f: {  	s3 =	ssub.s32 $0x0, s20;
	[sflag:s22] =	ssyncset.done $0x0  }
0xa0: {  	[sflag:s22] =	ssyncadd.s32 s3;
	_ =	sdelay $0x1  }
0xa1: {  	s23 =	simm.s32 $0x1B8B  }
0xa2: {  	_ =	swait.ge [sflag:s23], $0x1  }
0xa3: {  	[sflag:s23] =	ssyncset.done $0x0  }
0xa4: {  	s25 =	simm.s32 $0x1B8E;
	s24 =	sld [smem:$0x3FFE];
	[sflag:s23] =	ssyncadd.s32 $0xFFFFFFFF  }
0xa5: {  	s26 =	simm.s32 $execute0_lowered;
	[smem:$0x3FD2] =	sst s25  }
0xa6: {  	s4 =	sshll.u32 s26, $0x1;
	_ =	strace $0x80000049;
	[dreg:$0x1] =	wrdreg $0xFFFFFFFF  }
0xa7: {  	s28 =	simm.s32 $_size_execute0_lowered;
	s2 =	sadd.s32 s2, s4;
	[dreg:$0x0] =	wrdreg $0x0  }
0xa8: {  	s4 =	sshll.u32 s28, $0x1;
	[dreg:$0x2] =	wrdreg s2  }
0xa9: {  	[dreg:$0x3] =	wrdreg s4  }
0xaa: {  	[dreg:$0x4] =	wrdreg $0xC0  }
0xab: {  	_ =	task [dreg:s6], $0x5FFFF  }
0xac: {  	[dreg:$0x1] =	wrdreg $0xFFFFFFFF  }
0xad: {  	[dreg:$0x0] =	wrdreg $0x60  }
0xae: {  	[dreg:$0x2] =	wrdreg s24  }
0xaf: {  	[dreg:$0x3] =	wrdreg $0x0  }
0xb0: {  	[dreg:$0x4] =	wrdreg $0x9  }
0xb1: {  	_ =	task.clear_ibuf [dreg:s6], $0x5FFFF;
	_ =	strace $0x90000049  }
0xb2: {  	s29 =	simm.s32 $0x9;
	_ =	strace $0x8000004B  }
0xb3: {  	_ =	swait.ge [sflag:s29], $0x1  }
0xb4: {  	[sflag:s29] =	ssyncadd.s32 $0xFFFFFFFF  }
0xb5: {  	_ =	strace $0x9000004B  }
0xb6: {  	_ =	sfence  }
0xb7: {  	s30 =	sld [smem:$0x0];
	_ =	sdelay $0x2  }
0xb8: {  	s31 =	sshll.u32 s1, $0xD;
	s1 =	sshrl.u32 s1, $0x2  }
0xb9: {  	s3 =	sand.u32 $0x4000, s31;
	s1 =	sadd.s32 s1, s30  }
0xba: {  	s0 =	sor.u32 s3, s0;
	s1 =	sshll.u32 s1, $0x11  }
0xbb: {  	s0 =	sor.u32 s1, s0  }
0xbc: {  	s0 =	sadd.s32 $0x8F2B, s0  }
0xbd: {  	[sflag:s0] =	ssyncadd.remote.s32 $0x1  }
0xbe: {  	_ =	sfence.sel $0xFFFF  }
0xbf: {  	[dreg:$0x0] =	wrdreg $0xFFFFFFFF;
	(pc) =	sbr.abs _section_cstart, $3  }
0xc0: {  	[dreg:$0x1] =	wrdreg $0xFFFFFFFF  }
0xc1: {  	_ =	task.clear_ibuf [dreg:s6], $0x2FFFF;
	_ =	strace $0x9FFFFFFF  }
0xc2: {  	(tm) =	ssettm $0x7FFFFFFF  }
0xc3: {  	_ =	shalt  }
tec
execute0_lowered:
.L_overlay_start_1:
0x0: {  	(tag) =	ssettag $0x1  }
0x1: {  	s0 =	rddreg [dreg:$0x0]  }
0x2: {  	s1 =	rddreg [dreg:$0x1];
	s3 =	simm.s32 $0x0  }
0x3: {  	s2 =	stileid.u32;
	s7 =	srdreg.scid;
	s28 =	simm.s32 $0x50  }
0x4: {  	s29 =	simm.s32 $0x13C80;
	s30 =	simm.s32 $0x1;
	s31 =	simm.s32 $0x5  }
0x5: {  	[smem:$0x7FF] =	sst s3;
	s4 =	sadd.s32 $0x2600, s0;
	s8 =	smul.u32 $0x2700, s2  }
0x6: {  	s5 =	sadd.s32 $0xC400, s0;
	s6 =	sadd.s32 $0x16200, s0;
	s9 =	smul.u32 $0x4E000, s2  }
0x7: {  	s10 =	sand.u32 $0x1, s7;
	s12 =	sadd.s32 $0x8B800, s0;
	s19 =	smul.u32 $0x13800, s2  }
0x8: {  	s26 =	sadd.s32 $0x3AB00, s0;
	s22 =	smul.u32 $0x2710, s2;
	_ =	strace $0x8000004A  }
0x9: {  	s7 =	ssub.s32 $0x2, s10;
	s14 =	sshll.u32 s10, $0x4;
	s17 =	smul.u32 $0x138800, s10  }
0xa: {  	p3 =	seq.s32 s10, $0x1;
	[dreg:$0x4] =	wrdreg s26;
	s10 =	smul.u32 $0x27100, s10  }
0xb: {  	s11 =	sadd.s32 s8, s0;
	s13 =	sshrl.u32 s7, $0x1;
	s25 =	sor.u32 s2, s14  }
0xc: {  	s9 =	sshrl.u32 s9, $0x2;
	s8 =	sadd.s32 s6, s8;
	s0 =	sadd.s32 $0x88F00, s0  }
0xd: {  	p1 =	seq.s32 @p3 s2, $0xF;
	p4 =	seq.s32 @!p3 s2, $0xF;
	s13 =	ssub.s32 s7, s13  }
0xe: {  	s14 =	smul.u32 $0x2710, s25;
	s7 =	sadd.s32 s9, s1;
	[dreg:$0x3] =	wrdreg s8  }
0xf: {  	s9 =	sadd.s32 $0x124800, s1;
	s15 =	sadd.s32 $0x64600, s11;
	[dreg:$0x6] =	wrdreg s0  }
0x10: {  	s21 =	sadd.s32 s19, s17;
	s11 =	sshrl.u32 s17, $0x3;
	s26 =	sadd.s32 s22, s10  }
0x11: {  	p0 =	por !p1, !p3;
	p1 =	por p1, !p3;
	p2 =	por !p4, p3  }
0x12: {  	p3 =	por p4, p3;
	s22 =	simm.s32 $0x13880;
	p4 =	seq.s32 s2, $0xF  }
0x13: {  	s10 =	simm.s32 $0x8;
	[dreg:$0x5] =	wrdreg s15;
	s11 =	sadd.s32 s12, s11  }
0x14: {  	s25 =	smax.u32 s13, $0x1;
	s16 =	sshrl.u32 s14, $0x3;
	s24 =	sadd.s32 $0x24900, s11  }
0x15: {  	[dreg:$0xd] =	wrdreg s25;
	s25 =	simm.s32 $0x6;
	s11 =	simm.s32 $0x0  }
0x16: {  	s18 =	sadd.s32 $0xA, s16;
	s15 =	sadd.s32 s4, s16;
	[dreg:$0xc] =	wrdreg s24  }
0x17: {  	s8 =	sadd.s32 s5, s16;
	s24 =	simm.s32 $0x2;
	[dreg:$0x7] =	wrdreg s15  }
0x18: {  	s20 =	sadd.s32 s4, s18;
	[dreg:$0x9] =	wrdreg s8;
	s8 =	sshrl.u32 s21, $0x3  }
0x19: {  	s0 =	sadd.s32 s5, s18;
	s21 =	sshrl.u32 @!p0 s9, $0x3;
	[dreg:$0x8] =	wrdreg s20  }
0x1a: {  	[dreg:$0xa] =	wrdreg s0;
	s23 =	sadd.s32 s12, s8;
	s0 =	sadd.s32 $0xF0, s26  }
0x1b: {  	s26 =	simm.s32 $0x3;
	s8 =	simm.s32 $0x7;
	[dreg:$0xb] =	wrdreg s23  }
0x1c: {  	[dreg:$0xe] =	wrdreg s0;
	s0 =	simm.s32 $0x4;
	s23 =	simm.s32 $0x16480  }
.LBB2_1:
0x1d: {  	s12 =	simm.s32 @!p0 $0x1FC9;
	s13 =	rddreg [dreg:$0x6]  }
0x1e: {  	[spmem:s21], [sflag:s12] =	dma.local @!p0 [hbm:s13], $0x2800  }
0x1f: {  	s12 =	simm.s32 @!p0 $0x9  }
0x20: {  	_ =	swait.ge @!p0 [sflag:s12], $0x2800  }
0x21: {  	s14 =	sshll.u32 @!p1 s2, $0x6;
	[sflag:s12] =	ssyncset.done @!p0 $0x0;
	s13 =	rddreg [dreg:$0x5]  }
0x22: {  	[sflag:s12] =	ssyncadd.s32 @!p0 $0xFFFFD800;
	s12 =	sor.u32 @!p1 $0x1C09, s14;
	s14 =	sshrl.u32 @!p1 s7, $0x3  }
0x23: {  	[spmem:s14], [sflag:s12] =	dma.local @!p1 [hbm:s13], $0x2700  }
0x24: {  	s12 =	simm.s32 @!p1 $0x9  }
0x25: {  	_ =	swait.ge @!p1 [sflag:s12], $0x2700  }
0x26: {  	s14 =	simm.s32 @!p2 $0x1FC9;
	[sflag:s12] =	ssyncset.done @!p1 $0x0  }
0x27: {  	s13 =	rddreg [dreg:$0x4];
	[sflag:s12] =	ssyncadd.s32 @!p1 $0xFFFFD900;
	s12 =	sshrl.u32 @!p2 s9, $0x3  }
0x28: {  	[spmem:s12], [sflag:s14] =	dma.local @!p2 [hbm:s13], $0x2800  }
0x29: {  	s12 =	simm.s32 @!p2 $0x9  }
0x2a: {  	_ =	swait.ge @!p2 [sflag:s12], $0x2800  }
0x2b: {  	s14 =	sshll.u32 @!p3 s2, $0x6;
	[sflag:s12] =	ssyncset.done @!p2 $0x0;
	s13 =	rddreg [dreg:$0x3]  }
0x2c: {  	[sflag:s12] =	ssyncadd.s32 @!p2 $0xFFFFD800;
	s12 =	sor.u32 @!p3 $0x1C09, s14;
	s14 =	sshrl.u32 @!p3 s7, $0x3  }
0x2d: {  	[spmem:s14], [sflag:s12] =	dma.local @!p3 [hbm:s13], $0x2700  }
0x2e: {  	s12 =	simm.s32 @!p3 $0x9  }
0x2f: {  	_ =	swait.ge @!p3 [sflag:s12], $0x2700  }
0x30: {  	[sflag:s12] =	ssyncset.done @!p3 $0x0  }
0x31: {  	[sflag:s12] =	ssyncadd.s32 @!p3 $0xFFFFD900  }
0x32: {  	[bflag:$0x0] =	sbarrier.arrive $0xFFFF  }
0x33: {  	s14 =	rddreg [dreg:$0x7]  }
0x34: {  	[tilespmem:s22], [sflag:$0x3] =	stream.linear.gather [hbm4b:s14+s3], $0x50, $0x38;
	[tilespmem:$0x18C80] =	vst v63  }
0x35: {  	s16 =	simm.s32 $0x13980;
	s15 =	rddreg [dreg:$0x8]  }
0x36: {  	[tilespmem:s16], [sflag:$0x4] =	stream.linear.gather [hbm4b:s15+s3], $0x50, $0x38;
	[tilespmem:$0x18C80] =	vst v63  }
0x37: {  	s18 =	simm.s32 $0x13A80;
	s17 =	rddreg [dreg:$0x9]  }
0x38: {  	[tilespmem:s18], [sflag:$0x5] =	stream.linear.gather [hbm4b:s17+s3], $0x50, $0x38;
	[tilespmem:$0x18C80] =	vst v63  }
0x39: {  	s20 =	simm.s32 $0x13B80;
	s19 =	rddreg [dreg:$0xa]  }
0x3a: {  	[tilespmem:s20], [sflag:$0x6] =	stream.linear.gather [hbm4b:s19+s3], $0x50, $0x38;
	[tilespmem:$0x18C80] =	vst v63  }
.Ltmp0:
0x3b: {  	_ = 	snop;
	(pc) =	sbr.rel .LBB2_2-.Ltmp0, $4  }
0x3c: {  	_ =	swait.ge [sflag:s26], $0x50  }
0x3d: {  	s12 =	simm.s32 $0x0;
	[sflag:s26] =	ssyncset.done $0x0  }
0x3e: {  	s14 =	simm.s32 $0x0;
	s20 =	rddreg [dreg:$0xe];
	[sflag:s26] =	ssyncadd.s32 $0xFFFFFFB0  }
0x3f: {  	[tilespmem:s29], [sflag:$0x1] =	stream.indirect.gather [hbm4b:s6+s28], $0x80, s22, s28, $0xb8;
	[tilespmem:$0x18C80] =	vst v63  }
.LBB2_3:
0x40: {  	s13 =	sshrl.u32 s20, $0x3  }
0x41: {  	s17 =	sadd.s32 $0x13980, s16;
	p5 =	seq.s32 s14, $0x0;
	s18 =	sadd.s32 s4, s13  }
0x42: {  	[tilespmem:s17], [sflag:$0x4] =	stream.linear.gather [hbm4b:s18+s3], $0x50, $0x38;
	[tilespmem:$0x18C80] =	vst v63  }
0x43: {  	s17 =	simm.s32 @!p5 $0x8  }
0x44: {  	_ =	swait.ge @!p5 [sflag:s17], $0x2800  }
0x45: {  	[sflag:s17] =	ssyncset.done @!p5 $0x0  }
0x46: {  	s19 =	sadd.s32 $0x13B80, s16;
	s13 =	sadd.s32 s5, s13;
	[sflag:s17] =	ssyncadd.s32 @!p5 $0xFFFFD800  }
0x47: {  	[tilespmem:s19], [sflag:$0x6] =	stream.linear.gather [hbm4b:s13+s3], $0x50, $0x38;
	[tilespmem:$0x18C80] =	vst v63  }
.LBB2_5:
0x48: {  	_ =	swait.ge [sflag:s0], $0x50  }
0x49: {  	[sflag:s0] =	ssyncset.done $0x0  }
0x4a: {  	s13 =	sadd.s32 $0x13980, s15;
	[sflag:s0] =	ssyncadd.s32 $0xFFFFFFB0  }
0x4b: {  	[tilespmem:s23], [sflag:$0x2] =	stream.indirect.gather [hbm4b:s6+s28], $0x80, s13, s28, $0xb8;
	[tilespmem:$0x18C80] =	vst v63  }
0x4c: {  	_ =	swait.ge [sflag:s24], $0x2800  }
0x4d: {  	[sflag:s24] =	ssyncset.done $0x0  }
0x4e: {  	[sflag:s24] =	ssyncadd.s32 $0xFFFFD800  }
0x4f: {  	_ =	swait.ge [sflag:s25], $0x50  }
0x50: {  	[sflag:s25] =	ssyncset.done $0x0  }
0x51: {  	s19 =	sadd.s32 $0x13B80, s15;
	[sflag:s25] =	ssyncadd.s32 $0xFFFFFFB0  }
0x52: {  	[spmem:s1] =	stream.indirect.scatter.add.f32 [tilespmem:s23], [sflag:$0x8], $0x80, s19, s28, $0xb8;
	[tilespmem:$0x18C80] =	vst v63  }
.LBB2_7:
0x53: {  	_ =	swait.ge [sflag:s8], $0x2800  }
0x54: {  	[sflag:s8] =	ssyncset.done $0x0  }
0x55: {  	[sflag:s8] =	ssyncadd.s32 $0xFFFFD800  }
0x56: {  	s13 =	sxor.u32 $0x80, s15;
	_ =	swait.ge [sflag:s26], $0x50  }
0x57: {  	s14 =	sadd.s32 $0x1, s14;
	s20 =	sadd.s32 $0xA0, s20;
	[sflag:s26] =	ssyncset.done $0x0  }
0x58: {  	s12 =	sadd.s32 $0x80, s12;
	s13 =	sadd.s32 $0x13880, s13;
	[sflag:s26] =	ssyncadd.s32 $0xFFFFFFB0  }
0x59: {  	[tilespmem:s29], [sflag:$0x1] =	stream.indirect.gather [hbm4b:s6+s28], $0x80, s13, s28, $0xb8;
	[tilespmem:$0x18C80] =	vst v63  }
.LBB2_2:
0x5a: {  	_ =	swait.ge [sflag:s30], $0x2800  }
0x5b: {  	[sflag:s30] =	ssyncset.done $0x0  }
0x5c: {  	[sflag:s30] =	ssyncadd.s32 $0xFFFFD800  }
0x5d: {  	s15 =	sand.u32 $0x80, s12;
	p5 =	seq.s32 s14, $0x3E;
	_ =	swait.ge [sflag:s31], $0x50  }
0x5e: {  	s16 =	sadd.s32 $0x13A80, s15;
	p6 =	sgt.u32 @!p5 s14, $0x3C;
	[sflag:s31] =	ssyncset.done $0x0  }
0x5f: {  	s17 =	sadd.s32 @!p5 $0xFFFFFFB0, s20;
	p6 =	por p5, p6;
	[sflag:s31] =	ssyncadd.s32 $0xFFFFFFB0  }
0x60: {  	[spmem:s1] =	stream.indirect.scatter.add.f32 [tilespmem:s29], [sflag:$0x7], $0x80, s16, s28, $0xb8;
	[tilespmem:$0x18C80] =	vst v63  }
.Ltmp1:
0x61: {  	s17 =	sshrl.u32 @!p5 s17, $0x3;
	s16 =	sxor.u32 @!p5 $0x80, s15;
	(pc) =	sbr.rel @!p6 .LBB2_3-.Ltmp1, $4  }
0x62: {  	s13 =	simm.s32 @!p5 $0x0;
	s19 =	sadd.s32 @!p5 s4, s17;
	s18 =	sadd.s32 @!p5 $0x13880, s16  }
0x63: {  	[tilespmem:s18], [sflag:$0x3] =	stream.linear.gather @!p5 [hbm4b:s19+s13], $0x50, $0x38;
	[tilespmem:$0x18C80] =	vst v63  }
0x64: {  	s17 =	sadd.s32 @!p5 s5, s17;
	s18 =	sadd.s32 @!p5 $0x13A80, s16  }
0x65: {  	[tilespmem:s18], [sflag:$0x5] =	stream.linear.gather @!p5 [hbm4b:s17+s13], $0x50, $0x38;
	[tilespmem:$0x18C80] =	vst v63  }
0x66: {  	p6 =	sgt.u32 s14, $0x3D  }
.Ltmp2:
0x67: {  	_ = 	snop;
	(pc) =	sbr.rel @!p6 .LBB2_5-.Ltmp2, $4  }
0x68: {  	_ = 	snop  }
0x69: {  	_ =	swait.ge [sflag:s10], $0x2800  }
0x6a: {  	[sflag:s10] =	ssyncset.done $0x0  }
0x6b: {  	[sflag:s10] =	ssyncadd.s32 $0xFFFFD800  }
.Ltmp3:
0x6c: {  	(pc) =	sbr.rel @!p5 .LBB2_7-.Ltmp3, $1  }
0x6d: {  	_ =	sdelay $0x3  }
0x6e: {  	_ =	swait.ge [sflag:s8], $0x2800  }
0x6f: {  	[sflag:s8] =	ssyncset.done $0x0  }
0x70: {  	[sflag:s8] =	ssyncadd.s32 $0xFFFFD800  }
0x71: {  	[bflag:$0x0] =	sbarrier.arrive $0xFFFF  }
0x72: {  	s12 =	sshrl.u32 @p4 s9, $0x3;
	s13 =	simm.s32 @p4 $0x1FC9;
	s14 =	rddreg [dreg:$0xc]  }
0x73: {  	[hbm:s14], [sflag:s13] =	dma.local @p4 [spmem:s12], $0x2800  }
0x74: {  	s12 =	simm.s32 @p4 $0x9  }
0x75: {  	_ =	swait.ge @p4 [sflag:s12], $0x2800  }
0x76: {  	s13 =	sshll.u32 @!p4 s2, $0x6;
	[sflag:s12] =	ssyncset.done @p4 $0x0;
	s14 =	rddreg [dreg:$0xb]  }
0x77: {  	[sflag:s12] =	ssyncadd.s32 @p4 $0xFFFFD800;
	s12 =	sor.u32 @!p4 $0x1C09, s13;
	s13 =	sshrl.u32 @!p4 s7, $0x3  }
0x78: {  	[hbm:s14], [sflag:s12] =	dma.local @!p4 [spmem:s13], $0x2700  }
0x79: {  	s12 =	simm.s32 @!p4 $0x9  }
0x7a: {  	_ =	swait.ge @!p4 [sflag:s12], $0x2700  }
0x7b: {  	s11 =	sadd.s32 $0x1, s11;
	s20 =	rddreg [dreg:$0xd]  }
0x7c: {  	p5 =	sne.s32 s11, s20  }
.Ltmp4:
0x7d: {  	_ = 	snop;
	(pc) =	sbr.rel @p5 .LBB2_1-.Ltmp4, $3  }
0x7e: {  	_ =	sdelay $0x1  }
0x7f: {  	[sflag:s12] =	ssyncset.done @!p4 $0x0  }
0x80: {  	[sflag:s12] =	ssyncadd.s32 @!p4 $0xFFFFD900  }
0x81: {  	_ =	sfence.sel $0x180000  }
0x82: {  	[bflag:$0x0] =	sbarrier.arrive $0xFFFF  }
0x83: {  	_ =	strace $0x9000004A  }
0x84: {  	[bflag:$0x2] =	sbarrier.arrive $0xFFFF  }
0x85: {  	p0 =	sne.s32 s2, $0x0;
	s0 =	rddreg [dreg:$0x2]  }
0x86: {  	s0 =	sadd.s32 @!p0 $0x100000, s0  }
0x87: {  	[sflag:s0] =	ssyncadd.tile.s32 @!p0 $0x1;
	_ =	shalt  }
.Lfunc_end2:
_tile_overlayer_lowered:
.L_overlay_start_2:
0x88: {  	(tag) =	ssettag $0x2  }
0x89: {  	s0 =	rddreg [dreg:$0x0];
	s2 =	stileid.u32  }
0x8a: {  	s1 =	rddreg [dreg:$0x1];
	p0 =	sne.s32 s2, $0x0  }
0x8b: {  	s3 =	rddreg [dreg:$0x2];
	[bflag:$0x3] =	sbarrier.arrive $0xFFFF;
	s2 =	simm.s32 @!p0 $0x1C09  }
0x8c: {  	[timem:s3], [sflag:s2] =	dma.local @!p0 [hbm:s0], s1  }
0x8d: {  	s0 =	simm.s32 @!p0 $0x9  }
0x8e: {  	_ =	swait.ge @!p0 [sflag:s0], s1  }
0x8f: {  	s1 =	ssub.s32 @!p0 $0x0, s1;
	[sflag:s0] =	ssyncset.done @!p0 $0x0  }
0x90: {  	[sflag:s0] =	ssyncadd.s32 @!p0 s1  }
0x91: {  	[bflag:$0x3] =	sbarrier.arrive $0xFFFF  }
0x92: {  	_ =	shalt  }

// kernel: kernel.15.cloned.1.call-start
scs
__scs_entry_jumppad:
0x0: {  	(pc) =	sbr.rel $0x88, $3  }
0x1: {  	(tag) =	ssettag $0x0;
	lr =	simm.s32 $0x1  }
0x2: {  	[smem:$0x3F98] =	sst lr;
	_ =	strace $0xD0000000  }
0x3: {  	_ = 	snop  }
0x4: {  	_ = 	snop  }
0x5: {  	_ = 	snop  }
0x6: {  	_ = 	snop  }
0x7: {  	_ = 	snop  }
__scs_overlays_trampoline_lowered:
0x8: {  	[smem:$0x3FA7] =	sst s0  }
0x9: {  	[smem:$0x3FA8] =	sst s1  }
0xa: {  	[smem:$0x3FA9] =	sst s2  }
0xb: {  	[smem:$0x3FAA] =	sst s3  }
0xc: {  	[smem:$0x3FAB] =	sst s4  }
0xd: {  	[smem:$0x3FAC] =	sst s5  }
0xe: {  	[smem:$0x3FAD] =	sst s6  }
0xf: {  	[smem:$0x3FAE] =	sst s7  }
0x10: {  	[smem:$0x3FAF] =	sst s8  }
0x11: {  	[smem:$0x3FB0] =	sst s9;
	s0 =	simm.s32 @!p0 $0x0  }
0x12: {  	s1 =	sld [smem:$0x3F96];
	s0 =	simm.s32 @p0 $0x1  }
0x13: {  	[smem:$0x3FB1] =	sst s0;
	s0 =	simm.s32 @!p1 $0x0  }
0x14: {  	s2 =	sld [smem:$0x3F95];
	s0 =	simm.s32 @p1 $0x1  }
0x15: {  	[smem:$0x3FB2] =	sst s0;
	s0 =	simm.s32 @!p2 $0x0  }
0x16: {  	s3 =	sld [smem:$0x3FDB];
	s0 =	simm.s32 @p2 $0x1  }
0x17: {  	s4 =	simm.s32 $0x1BF5;
	[smem:$0x3FB4] =	sst s0  }
0x18: {  	s0 =	sld [smem:$0x3F97];
	_ =	swait.ge [sflag:s4], $0x0  }
0x19: {  	s7 =	sld [smem:$0x3F98]  }
0x1a: {  	s8 =	sadd.s32 $0xFFFFE003, lr  }
0x1b: {  	s9 =	sadd.s32 $0xFFFFFEF7, lr;
	s5 =	simm.s32 $0xFFFFFFFF;
	p2 =	slt.u32 s8, $0xFFFFF086  }
0x1c: {  	p1 =	slt.u32 s9, $0xF7A;
	s5 =	simm.s32 @!p2 $0x0  }
0x1d: {  	s5 =	simm.s32 @p1 $0x1;
	p0 =	seq.s32 s7, s2  }
0x1e: {  	s7 =	smul.u32 @!p0 $0xF7A, s2;
	p2 =	seq.s32 @!p0 s5, $0x0  }
0x1f: {  	s9 =	smul.u32 $0xF7A, s1;
	s8 =	simm.s32 @!p0 $0x1BF5;
	p2 =	por !p2, p0  }
0x20: {  	[sflag:s8] =	ssyncset.s32 @!p0 $0xFFFFF086;
	s6 =	sadd.s32 @!p0 s3, s7;
	s7 =	simm.s32 @!p0 $0x108  }
0x21: {  	s3 =	sadd.s32 s3, s9;
	s6 =	sadd.s32 @!p0 $0x88, s6;
	s7 =	simm.s32 @p2 $0x1082  }
0x22: {  	[simem:s7], [sflag:s8] =	dma.local @!p0 [hbm:s6], $0xF7A  }
0x23: {  	s9 =	sor.u32 $0xD0000000, s2;
	s6 =	simm.s32 $0x108;
	_ =	swait.ge @!p0 [sflag:s8], $0x0  }
0x24: {  	s3 =	sadd.s32 $0x88, s3;
	s6 =	simm.s32 @!p1 $0x1082;
	[sflag:s4] =	ssyncset.s32 $0xFFFFF086  }
0x25: {  	[simem:s6], [sflag:s4] =	dma.local [hbm:s3], $0xF7A  }
0x26: {  	[smem:$0x3F98] =	sst s1;
	(tag) =	ssettag s2;
	_ =	strace s9  }
0x27: {  	s1 =	sld [smem:$0x3FA8]  }
0x28: {  	s2 =	sld [smem:$0x3FA9]  }
0x29: {  	s4 =	sld [smem:$0x3FAB]  }
0x2a: {  	p0 =	seq.s32 s5, $0x0;
	s5 =	sld [smem:$0x3FAC]  }
0x2b: {  	s6 =	sld [smem:$0x3FAD]  }
0x2c: {  	s7 =	sld [smem:$0x3FAE]  }
0x2d: {  	s3 =	simm.s32 $0x108;
	s8 =	sld [smem:$0x3FAF]  }
0x2e: {  	s3 =	simm.s32 @!p0 $0x1082;
	s9 =	sld [smem:$0x3FB0]  }
0x2f: {  	lr =	sadd.s32 s0, s3;
	s0 =	sld [smem:$0x3FA7]  }
0x30: {  	s3 =	sld [smem:$0x3FAA]  }
0x31: {  	[smem:$0x3FB3] =	sst s10  }
0x32: {  	s10 =	sld [smem:$0x3FB1];
	_ =	sdelay $0x3  }
0x33: {  	p0 =	seq.s32 s10, $0x1;
	s10 =	sld [smem:$0x3FB3];
	_ =	sdelay $0x3  }
0x34: {  	[smem:$0x3FB3] =	sst s10  }
0x35: {  	s10 =	sld [smem:$0x3FB2];
	_ =	sdelay $0x3  }
0x36: {  	p1 =	seq.s32 s10, $0x1;
	s10 =	sld [smem:$0x3FB3];
	_ =	sdelay $0x3  }
0x37: {  	[smem:$0x3FB3] =	sst s10  }
0x38: {  	s10 =	sld [smem:$0x3FB4]  }
0x39: {  	_ = 	snop;
	(pc) =	sbr.ind lr, $3  }
0x3a: {  	_ = 	snop  }
0x3b: {  	_ = 	snop  }
0x3c: {  	p2 =	seq.s32 s10, $0x1;
	s10 =	sld [smem:$0x3FB3]  }
0x3d: {  	_ =	shalt  }
0x3e: {  	_ =	shalt  }
0x3f: {  	_ =	shalt  }
0x40: {  	_ =	shalt  }
0x41: {  	_ =	shalt  }
0x42: {  	_ =	shalt  }
0x43: {  	_ =	shalt  }
0x44: {  	_ =	shalt  }
0x45: {  	_ =	shalt  }
0x46: {  	_ =	shalt  }
0x47: {  	_ =	shalt  }
0x48: {  	_ =	shalt  }
0x49: {  	_ =	shalt  }
0x4a: {  	_ =	shalt  }
0x4b: {  	_ =	shalt  }
0x4c: {  	_ =	shalt  }
0x4d: {  	_ =	shalt  }
0x4e: {  	_ =	shalt  }
0x4f: {  	_ =	shalt  }
0x50: {  	_ =	shalt  }
0x51: {  	_ =	shalt  }
0x52: {  	_ =	shalt  }
0x53: {  	_ =	shalt  }
0x54: {  	_ =	shalt  }
0x55: {  	_ =	shalt  }
0x56: {  	_ =	shalt  }
0x57: {  	_ =	shalt  }
0x58: {  	_ =	shalt  }
0x59: {  	_ =	shalt  }
0x5a: {  	_ =	shalt  }
0x5b: {  	_ =	shalt  }
0x5c: {  	_ =	shalt  }
0x5d: {  	_ =	shalt  }
0x5e: {  	_ =	shalt  }
0x5f: {  	_ =	shalt  }
0x60: {  	_ =	shalt  }
0x61: {  	_ =	shalt  }
0x62: {  	_ =	shalt  }
0x63: {  	_ =	shalt  }
0x64: {  	_ =	shalt  }
0x65: {  	_ =	shalt  }
0x66: {  	_ =	shalt  }
0x67: {  	_ =	shalt  }
0x68: {  	_ =	shalt  }
0x69: {  	_ =	shalt  }
0x6a: {  	_ =	shalt  }
0x6b: {  	_ =	shalt  }
0x6c: {  	_ =	shalt  }
0x6d: {  	_ =	shalt  }
0x6e: {  	_ =	shalt  }
0x6f: {  	_ =	shalt  }
0x70: {  	_ =	shalt  }
0x71: {  	_ =	shalt  }
0x72: {  	_ =	shalt  }
0x73: {  	_ =	shalt  }
0x74: {  	_ =	shalt  }
0x75: {  	_ =	shalt  }
0x76: {  	_ =	shalt  }
0x77: {  	_ =	shalt  }
0x78: {  	_ =	shalt  }
0x79: {  	_ =	shalt  }
0x7a: {  	_ =	shalt  }
0x7b: {  	_ =	shalt  }
0x7c: {  	_ =	shalt  }
0x7d: {  	_ =	shalt  }
0x7e: {  	_ =	shalt  }
0x7f: {  	_ =	shalt  }
0x80: {  	_ =	shalt  }
0x81: {  	_ =	shalt  }
0x82: {  	_ =	shalt  }
0x83: {  	_ =	shalt  }
0x84: {  	_ =	shalt  }
0x85: {  	_ =	shalt  }
0x86: {  	_ =	shalt  }
0x87: {  	_ =	shalt  }
.Lfunc_end0:
.L_simem_size_0:
called_computation.2_lowered:
.L_overlay_start_0:
0x88: {  	s2 =	sld [smem:$0x3FD9]  }
0x89: {  	s3 =	sld [smem:$0x3FFE];
	_ =	sdelay $0x1  }
0x8a: {  	s1 =	srdreg.scid  }
0x8b: {  	s0 =	sand.u32 $0x1, s1  }
0x8c: {  	s17 =	sshll.u32 s0, $0xA;
	s2 =	sadd.s32 s3, s2  }
0x8d: {  	s2 =	sadd.s32 s2, s17  }
0x8e: {  	[smem:$0x3FBF] =	sst s2  }
0x8f: {  	_ = 	snop  }
0x90: {  	s2 =	sld [smem:$0x3FC9]  }
0x91: {  	s18 =	sld [smem:$0x3FC8]  }
0x92: {  	s4 =	sld [smem:$0x3FC5];
	(tm) =	ssettm $0x1  }
0x93: {  	s5 =	sld [smem:$0x3FFB];
	_ =	sdelay $0x3  }
0x94: {  	_ =	strace s5  }
0x95: {  	s5 =	sld [smem:$0x3FFC];
	_ =	sdelay $0x3  }
0x96: {  	_ =	strace s5  }
0x97: {  	s5 =	sld [smem:$0x3FFD];
	_ =	sdelay $0x3  }
0x98: {  	_ =	strace s5  }
0x99: {  	_ =	strace $0x8FFFFFFF  }
0x9a: {  	s19 =	sld [smem:$0x3FDB];
	_ =	sdelay $0x1  }
0x9b: {  	s6 =	simm.s32 $_scs_section_size  }
0x9c: {  	s7 =	simm.s32 $_size__tile_overlayer_lowered;
	s8 =	simm.s32 $_tile_overlayer_lowered  }
0x9d: {  	s22 =	simm.s32 $0x1BFF;
	s21 =	sshll.u32 s8, $0x1;
	s5 =	sadd.s32 s6, s19  }
0x9e: {  	s9 =	simm.s32 $0x0;
	s20 =	sshll.u32 s7, $0x1;
	s7 =	sadd.s32 s21, s5  }
0x9f: {  	[timem:s9], [sflag:s22] =	dma.local [hbm:s7], s20  }
0xa0: {  	_ =	swait.ge [sflag:s22], s20  }
0xa1: {  	s6 =	ssub.s32 $0x0, s20;
	[sflag:s22] =	ssyncset.done $0x0  }
0xa2: {  	[sflag:s22] =	ssyncadd.s32 s6;
	_ =	sdelay $0x1  }
0xa3: {  	s23 =	simm.s32 $0x1B8B  }
0xa4: {  	_ =	swait.ge [sflag:s23], $0x1  }
0xa5: {  	[sflag:s23] =	ssyncset.done $0x0  }
0xa6: {  	s25 =	simm.s32 $0x1B8E;
	s24 =	sld [smem:$0x3FFE];
	[sflag:s23] =	ssyncadd.s32 $0xFFFFFFFF  }
0xa7: {  	s26 =	simm.s32 $execute0_lowered;
	[smem:$0x3FD2] =	sst s25  }
0xa8: {  	s7 =	sshll.u32 s26, $0x1;
	_ =	strace $0x8000004C;
	[dreg:$0x1] =	wrdreg $0xFFFFFFFF  }
0xa9: {  	s28 =	simm.s32 $_size_execute0_lowered;
	s5 =	sadd.s32 s5, s7;
	[dreg:$0x0] =	wrdreg $0x0  }
0xaa: {  	s7 =	sshll.u32 s28, $0x1;
	[dreg:$0x2] =	wrdreg s5  }
0xab: {  	[dreg:$0x3] =	wrdreg s7  }
0xac: {  	[dreg:$0x4] =	wrdreg $0xC0  }
0xad: {  	_ =	task [dreg:s9], $0x5FFFF  }
0xae: {  	[dreg:$0x1] =	wrdreg $0xFFFFFFFF  }
0xaf: {  	[dreg:$0x0] =	wrdreg $0x60  }
0xb0: {  	[dreg:$0x2] =	wrdreg s24  }
0xb1: {  	[dreg:$0x3] =	wrdreg s4  }
0xb2: {  	[dreg:$0x4] =	wrdreg s18  }
0xb3: {  	[dreg:$0x5] =	wrdreg s2  }
0xb4: {  	[dreg:$0x6] =	wrdreg $0x9  }
0xb5: {  	_ =	task.clear_ibuf [dreg:s9], $0x7FFFF;
	_ =	strace $0x9000004C  }
0xb6: {  	s29 =	simm.s32 $0x9;
	_ =	strace $0x8000004E  }
0xb7: {  	_ =	swait.ge [sflag:s29], $0x1  }
0xb8: {  	[sflag:s29] =	ssyncadd.s32 $0xFFFFFFFF  }
0xb9: {  	_ =	strace $0x9000004E  }
0xba: {  	_ =	sfence  }
0xbb: {  	s30 =	sld [smem:$0x0];
	_ =	sdelay $0x2  }
0xbc: {  	s31 =	sshll.u32 s1, $0xD;
	s1 =	sshrl.u32 s1, $0x2  }
0xbd: {  	s3 =	sand.u32 $0x4000, s31;
	s1 =	sadd.s32 s1, s30  }
0xbe: {  	s0 =	sor.u32 s3, s0;
	s1 =	sshll.u32 s1, $0x11  }
0xbf: {  	s0 =	sor.u32 s1, s0  }
0xc0: {  	s0 =	sadd.s32 $0x8F2B, s0  }
0xc1: {  	[sflag:s0] =	ssyncadd.remote.s32 $0x1  }
0xc2: {  	_ =	sfence.sel $0xFFFF  }
0xc3: {  	[dreg:$0x0] =	wrdreg $0xFFFFFFFF;
	(pc) =	sbr.abs _section_cstart, $3  }
0xc4: {  	[dreg:$0x1] =	wrdreg $0xFFFFFFFF  }
0xc5: {  	_ =	task.clear_ibuf [dreg:s9], $0x2FFFF;
	_ =	strace $0x9FFFFFFF  }
0xc6: {  	(tm) =	ssettm $0x7FFFFFFF  }
0xc7: {  	_ =	shalt  }
tec
execute0_lowered:
.L_overlay_start_1:
0x0: {  	(tag) =	ssettag $0x1  }
0x1: {  	s0 =	srdreg.scid  }
0x2: {  	s1 =	sand.u32 $0x1, s0  }
0x3: {  	s3 =	stileid.u32;
	[dreg:$0x6] =	wrdreg s1;
	s1 =	sshll.u32 s1, $0x4  }
0x4: {  	s26 =	rddreg [dreg:$0x0];
	s1 =	sor.u32 s3, s1  }
0x5: {  	s2 =	rddreg [dreg:$0x1];
	s5 =	sshll.u32 s3, $0x4;
	s4 =	sshll.u32 s1, $0x4  }
0x6: {  	s24 =	rddreg [dreg:$0x2];
	s5 =	sand.u32 $0x70, s5;
	s4 =	sand.u32 $0x180, s4  }
0x7: {  	s25 =	rddreg [dreg:$0x3];
	s3 =	simm.s32 $0x0;
	s28 =	sor.u32 s5, s4  }
0x8: {  	[smem:$0x7FF] =	sst s3;
	s0 =	sadd.s32 s24, s28  }
0x9: {  	_ =	strace $0x8000004D;
	[dreg:$0x5] =	wrdreg s0  }
0xa: {  	s4 =	simm.s32 $0x2;
	s0 =	rddreg [dreg:$0x5]  }
0xb: {  	[tilespmem:s3], [sflag:$0x2] =	stream.linear.gather [hbm4b:s0+s3], $0x80, $0x38;
	[tilespmem:$0x1080] =	vst v63  }
0xc: {  	_ =	swait.ge [sflag:s4], $0x80  }
0xd: {  	s6 =	simm.s32 $0x20;
	s7 =	simm.s32 $0x80;
	[sflag:s4] =	ssyncset.done $0x0  }
0xe: {  	s8 =	simm.s32 $0x1;
	s5 =	sadd.s32 $0x2600, s26;
	[sflag:s4] =	ssyncadd.s32 $0xFFFFFF80  }
0xf: {  	[tilespmem:s7], [sflag:$0x1] =	stream.indirect.gather [hbm4b:s5+s6], $0x80, s3, s6, $0xb8;
	[tilespmem:$0x1080] =	vst v63  }
0x10: {  	_ =	swait.ge [sflag:s8], $0x1000  }
0x11: {  	s22 =	sadd.s32 $0x8B800, s26;
	s29 =	sshll.u32 s1, $0xB;
	[sflag:s8] =	ssyncset.done $0x0  }
0x12: {  	s9 =	sadd.s32 s22, s29;
	[sflag:s8] =	ssyncadd.s32 $0xFFFFF000  }
0x13: {  	[hbm4b:s9+s3] =	stream.linear.scatter [tilespmem:s7], [sflag:$0x2], $0x1000, $0x38;
	[tilespmem:$0x1080] =	vst v63  }
0x14: {  	_ =	swait.ge [sflag:s4], $0x1000  }
0x15: {  	[sflag:s4] =	ssyncset.done $0x0  }
0x16: {  	s10 =	sadd.s32 $0x64600, s26;
	[sflag:s4] =	ssyncadd.s32 $0xFFFFF000  }
0x17: {  	[tilespmem:s7], [sflag:$0x1] =	stream.indirect.gather [hbm4b:s10+s6], $0x80, s3, s6, $0xb8;
	[tilespmem:$0x1080] =	vst v63  }
0x18: {  	_ =	swait.ge [sflag:s8], $0x1000  }
0x19: {  	[sflag:s8] =	ssyncset.done $0x0  }
0x1a: {  	s11 =	sadd.s32 $0x10000, s9;
	[sflag:s8] =	ssyncadd.s32 $0xFFFFF000  }
0x1b: {  	[hbm4b:s11+s3] =	stream.linear.scatter [tilespmem:s7], [sflag:$0x2], $0x1000, $0x38;
	[tilespmem:$0x1080] =	vst v63  }
0x1c: {  	_ =	swait.ge [sflag:s4], $0x1000  }
0x1d: {  	[sflag:s4] =	ssyncset.done $0x0  }
0x1e: {  	s12 =	sadd.s32 $0x3D400, s26;
	[sflag:s4] =	ssyncadd.s32 $0xFFFFF000  }
0x1f: {  	[tilespmem:s7], [sflag:$0x1] =	stream.indirect.gather [hbm4b:s12+s6], $0x80, s3, s6, $0xb8;
	[tilespmem:$0x1080] =	vst v63  }
0x20: {  	_ =	swait.ge [sflag:s8], $0x1000  }
0x21: {  	s24 =	sadd.s32 $0x29800, s26;
	[sflag:s8] =	ssyncset.done $0x0  }
0x22: {  	s13 =	sadd.s32 s24, s29;
	[sflag:s8] =	ssyncadd.s32 $0xFFFFF000  }
0x23: {  	[hbm4b:s13+s3] =	stream.linear.scatter [tilespmem:s7], [sflag:$0x2], $0x1000, $0x38;
	[tilespmem:$0x1080] =	vst v63  }
0x24: {  	_ =	swait.ge [sflag:s4], $0x1000  }
0x25: {  	[sflag:s4] =	ssyncset.done $0x0  }
0x26: {  	[sflag:s4] =	ssyncadd.s32 $0xFFFFF000  }
0x27: {  	[tilespmem:s7], [sflag:$0x1] =	stream.indirect.gather [hbm4b:s5+s6], $0x80, s6, s6, $0xb8;
	[tilespmem:$0x1080] =	vst v63  }
0x28: {  	_ =	swait.ge [sflag:s8], $0x1000  }
0x29: {  	s31 =	sor.u32 $0x200, s29;
	[sflag:s8] =	ssyncset.done $0x0  }
0x2a: {  	s14 =	sadd.s32 s22, s31;
	[sflag:s8] =	ssyncadd.s32 $0xFFFFF000  }
0x2b: {  	[hbm4b:s14+s3] =	stream.linear.scatter [tilespmem:s7], [sflag:$0x2], $0x1000, $0x38;
	[tilespmem:$0x1080] =	vst v63  }
0x2c: {  	_ =	swait.ge [sflag:s4], $0x1000  }
0x2d: {  	[sflag:s4] =	ssyncset.done $0x0  }
0x2e: {  	[sflag:s4] =	ssyncadd.s32 $0xFFFFF000  }
0x2f: {  	[tilespmem:s7], [sflag:$0x1] =	stream.indirect.gather [hbm4b:s10+s6], $0x80, s6, s6, $0xb8;
	[tilespmem:$0x1080] =	vst v63  }
0x30: {  	_ =	swait.ge [sflag:s8], $0x1000  }
0x31: {  	[sflag:s8] =	ssyncset.done $0x0  }
0x32: {  	s15 =	sadd.s32 $0x10200, s9;
	[sflag:s8] =	ssyncadd.s32 $0xFFFFF000  }
0x33: {  	[hbm4b:s15+s3] =	stream.linear.scatter [tilespmem:s7], [sflag:$0x2], $0x1000, $0x38;
	[tilespmem:$0x1080] =	vst v63  }
0x34: {  	_ =	swait.ge [sflag:s4], $0x1000  }
0x35: {  	[sflag:s4] =	ssyncset.done $0x0  }
0x36: {  	[sflag:s4] =	ssyncadd.s32 $0xFFFFF000  }
0x37: {  	[tilespmem:s7], [sflag:$0x1] =	stream.indirect.gather [hbm4b:s12+s6], $0x80, s6, s6, $0xb8;
	[tilespmem:$0x1080] =	vst v63  }
0x38: {  	_ =	swait.ge [sflag:s8], $0x1000  }
0x39: {  	[sflag:s8] =	ssyncset.done $0x0  }
0x3a: {  	s16 =	sadd.s32 s24, s31;
	[sflag:s8] =	ssyncadd.s32 $0xFFFFF000  }
0x3b: {  	[hbm4b:s16+s3] =	stream.linear.scatter [tilespmem:s7], [sflag:$0x2], $0x1000, $0x38;
	[tilespmem:$0x1080] =	vst v63  }
0x3c: {  	_ =	swait.ge [sflag:s4], $0x1000  }
0x3d: {  	[sflag:s4] =	ssyncset.done $0x0  }
0x3e: {  	s17 =	simm.s32 $0x40;
	[sflag:s4] =	ssyncadd.s32 $0xFFFFF000  }
0x3f: {  	[tilespmem:s7], [sflag:$0x1] =	stream.indirect.gather [hbm4b:s5+s6], $0x80, s17, s6, $0xb8;
	[tilespmem:$0x1080] =	vst v63  }
0x40: {  	_ =	swait.ge [sflag:s8], $0x1000  }
0x41: {  	s30 =	sor.u32 $0x400, s29;
	[sflag:s8] =	ssyncset.done $0x0  }
0x42: {  	s18 =	sadd.s32 s22, s30;
	[sflag:s8] =	ssyncadd.s32 $0xFFFFF000  }
0x43: {  	[hbm4b:s18+s3] =	stream.linear.scatter [tilespmem:s7], [sflag:$0x2], $0x1000, $0x38;
	[tilespmem:$0x1080] =	vst v63  }
0x44: {  	_ =	swait.ge [sflag:s4], $0x1000  }
0x45: {  	[sflag:s4] =	ssyncset.done $0x0  }
0x46: {  	[sflag:s4] =	ssyncadd.s32 $0xFFFFF000  }
0x47: {  	[tilespmem:s7], [sflag:$0x1] =	stream.indirect.gather [hbm4b:s10+s6], $0x80, s17, s6, $0xb8;
	[tilespmem:$0x1080] =	vst v63  }
0x48: {  	_ =	swait.ge [sflag:s8], $0x1000  }
0x49: {  	[sflag:s8] =	ssyncset.done $0x0  }
0x4a: {  	s19 =	sadd.s32 $0x10400, s9;
	[sflag:s8] =	ssyncadd.s32 $0xFFFFF000  }
0x4b: {  	[hbm4b:s19+s3] =	stream.linear.scatter [tilespmem:s7], [sflag:$0x2], $0x1000, $0x38;
	[tilespmem:$0x1080] =	vst v63  }
0x4c: {  	_ =	swait.ge [sflag:s4], $0x1000  }
0x4d: {  	[sflag:s4] =	ssyncset.done $0x0  }
0x4e: {  	[sflag:s4] =	ssyncadd.s32 $0xFFFFF000  }
0x4f: {  	[tilespmem:s7], [sflag:$0x1] =	stream.indirect.gather [hbm4b:s12+s6], $0x80, s17, s6, $0xb8;
	[tilespmem:$0x1080] =	vst v63  }
0x50: {  	_ =	swait.ge [sflag:s8], $0x1000  }
0x51: {  	[sflag:s8] =	ssyncset.done $0x0  }
0x52: {  	s20 =	sadd.s32 s24, s30;
	[sflag:s8] =	ssyncadd.s32 $0xFFFFF000  }
0x53: {  	[hbm4b:s20+s3] =	stream.linear.scatter [tilespmem:s7], [sflag:$0x2], $0x1000, $0x38;
	[tilespmem:$0x1080] =	vst v63  }
0x54: {  	_ =	swait.ge [sflag:s4], $0x1000  }
0x55: {  	[sflag:s4] =	ssyncset.done $0x0  }
0x56: {  	s21 =	simm.s32 $0x60;
	[sflag:s4] =	ssyncadd.s32 $0xFFFFF000  }
0x57: {  	[tilespmem:s7], [sflag:$0x1] =	stream.indirect.gather [hbm4b:s5+s6], $0x80, s21, s6, $0xb8;
	[tilespmem:$0x1080] =	vst v63  }
0x58: {  	_ =	swait.ge [sflag:s8], $0x1000  }
0x59: {  	s1 =	sor.u32 $0x600, s29;
	[sflag:s8] =	ssyncset.done $0x0  }
0x5a: {  	s22 =	sadd.s32 s22, s1;
	[sflag:s8] =	ssyncadd.s32 $0xFFFFF000  }
0x5b: {  	[hbm4b:s22+s3] =	stream.linear.scatter [tilespmem:s7], [sflag:$0x2], $0x1000, $0x38;
	[tilespmem:$0x1080] =	vst v63  }
0x5c: {  	_ =	swait.ge [sflag:s4], $0x1000  }
0x5d: {  	[sflag:s4] =	ssyncset.done $0x0  }
0x5e: {  	[sflag:s4] =	ssyncadd.s32 $0xFFFFF000  }
0x5f: {  	[tilespmem:s7], [sflag:$0x1] =	stream.indirect.gather [hbm4b:s10+s6], $0x80, s21, s6, $0xb8;
	[tilespmem:$0x1080] =	vst v63  }
0x60: {  	_ =	swait.ge [sflag:s8], $0x1000  }
0x61: {  	[sflag:s8] =	ssyncset.done $0x0  }
0x62: {  	s23 =	sadd.s32 $0x10600, s9;
	[sflag:s8] =	ssyncadd.s32 $0xFFFFF000  }
0x63: {  	[hbm4b:s23+s3] =	stream.linear.scatter [tilespmem:s7], [sflag:$0x2], $0x1000, $0x38;
	[tilespmem:$0x1080] =	vst v63  }
0x64: {  	_ =	swait.ge [sflag:s4], $0x1000  }
0x65: {  	[sflag:s4] =	ssyncset.done $0x0  }
0x66: {  	[sflag:s4] =	ssyncadd.s32 $0xFFFFF000  }
0x67: {  	[tilespmem:s7], [sflag:$0x1] =	stream.indirect.gather [hbm4b:s12+s6], $0x80, s21, s6, $0xb8;
	[tilespmem:$0x1080] =	vst v63  }
0x68: {  	_ =	swait.ge [sflag:s8], $0x1000  }
0x69: {  	[sflag:s8] =	ssyncset.done $0x0  }
0x6a: {  	s24 =	sadd.s32 s24, s1;
	[sflag:s8] =	ssyncadd.s32 $0xFFFFF000  }
0x6b: {  	[hbm4b:s24+s3] =	stream.linear.scatter [tilespmem:s7], [sflag:$0x2], $0x1000, $0x38;
	[tilespmem:$0x1080] =	vst v63  }
0x6c: {  	_ =	swait.ge [sflag:s4], $0x1000  }
0x6d: {  	[sflag:s4] =	ssyncset.done $0x0  }
0x6e: {  	s25 =	sadd.s32 s25, s28;
	[sflag:s4] =	ssyncadd.s32 $0xFFFFF000  }
0x6f: {  	[tilespmem:s3], [sflag:$0x2] =	stream.linear.gather [hbm4b:s25+s3], $0x80, $0x38;
	[tilespmem:$0x1080] =	vst v63  }
0x70: {  	_ =	swait.ge [sflag:s4], $0x80  }
0x71: {  	[sflag:s4] =	ssyncset.done $0x0  }
0x72: {  	[sflag:s4] =	ssyncadd.s32 $0xFFFFFF80  }
0x73: {  	[tilespmem:s7], [sflag:$0x1] =	stream.indirect.gather [hbm4b:s2+s6], $0x80, s3, s6, $0xb8;
	[tilespmem:$0x1080] =	vst v63  }
0x74: {  	_ =	swait.ge [sflag:s8], $0x1000  }
0x75: {  	s0 =	sadd.s32 $0xAB800, s26;
	[sflag:s8] =	ssyncset.done $0x0  }
0x76: {  	s26 =	sadd.s32 s0, s29;
	[sflag:s8] =	ssyncadd.s32 $0xFFFFF000  }
0x77: {  	[hbm4b:s26+s3] =	stream.linear.scatter [tilespmem:s7], [sflag:$0x2], $0x1000, $0x38;
	[tilespmem:$0x1080] =	vst v63  }
0x78: {  	_ =	swait.ge [sflag:s4], $0x1000  }
0x79: {  	[sflag:s4] =	ssyncset.done $0x0  }
0x7a: {  	[sflag:s4] =	ssyncadd.s32 $0xFFFFF000  }
0x7b: {  	[tilespmem:s7], [sflag:$0x1] =	stream.indirect.gather [hbm4b:s2+s6], $0x80, s6, s6, $0xb8;
	[tilespmem:$0x1080] =	vst v63  }
0x7c: {  	_ =	swait.ge [sflag:s8], $0x1000  }
0x7d: {  	[sflag:s8] =	ssyncset.done $0x0  }
0x7e: {  	s28 =	sadd.s32 s0, s31;
	[sflag:s8] =	ssyncadd.s32 $0xFFFFF000  }
0x7f: {  	[hbm4b:s28+s3] =	stream.linear.scatter [tilespmem:s7], [sflag:$0x2], $0x1000, $0x38;
	[tilespmem:$0x1080] =	vst v63  }
0x80: {  	_ =	swait.ge [sflag:s4], $0x1000  }
0x81: {  	[sflag:s4] =	ssyncset.done $0x0  }
0x82: {  	[sflag:s4] =	ssyncadd.s32 $0xFFFFF000  }
0x83: {  	[tilespmem:s7], [sflag:$0x1] =	stream.indirect.gather [hbm4b:s2+s6], $0x80, s17, s6, $0xb8;
	[tilespmem:$0x1080] =	vst v63  }
0x84: {  	_ =	swait.ge [sflag:s8], $0x1000  }
0x85: {  	[sflag:s8] =	ssyncset.done $0x0  }
0x86: {  	s29 =	sadd.s32 s0, s30;
	[sflag:s8] =	ssyncadd.s32 $0xFFFFF000  }
0x87: {  	[hbm4b:s29+s3] =	stream.linear.scatter [tilespmem:s7], [sflag:$0x2], $0x1000, $0x38;
	[tilespmem:$0x1080] =	vst v63  }
0x88: {  	_ =	swait.ge [sflag:s4], $0x1000  }
0x89: {  	[sflag:s4] =	ssyncset.done $0x0;
	s30 =	rddreg [dreg:$0x6]  }
0x8a: {  	s30 =	ssub.s32 $0x2, s30;
	[sflag:s4] =	ssyncadd.s32 $0xFFFFF000  }
0x8b: {  	[tilespmem:s7], [sflag:$0x1] =	stream.indirect.gather [hbm4b:s2+s6], $0x80, s21, s6, $0xb8;
	[tilespmem:$0x1080] =	vst v63  }
0x8c: {  	s31 =	sshrl.u32 s30, $0x1  }
0x8d: {  	s31 =	ssub.s32 s30, s31  }
0x8e: {  	s30 =	sadd.s32 s0, s1;
	s1 =	smax.u32 s31, $0x1  }
0x8f: {  	p0 =	sne.s32 s1, $0x1  }
.Ltmp0:
0x90: {  	_ =	swait.ge [sflag:s8], $0x1000;
	(pc) =	sbr.rel @!p0 .LBB2_2-.Ltmp0, $4  }
0x91: {  	[sflag:s8] =	ssyncset.done $0x0  }
0x92: {  	[sflag:s8] =	ssyncadd.s32 $0xFFFFF000  }
0x93: {  	[hbm4b:s30+s3] =	stream.linear.scatter [tilespmem:s7], [sflag:$0x2], $0x1000, $0x38;
	[tilespmem:$0x1080] =	vst v63  }
0x94: {  	s31 =	sadd.s32 $0xFFFFFFFF, s1;
	_ =	swait.ge [sflag:s4], $0x1000  }
.LBB2_1:
0x95: {  	[sflag:s4] =	ssyncset.done $0x0  }
0x96: {  	s0 =	rddreg [dreg:$0x5];
	[sflag:s4] =	ssyncadd.s32 $0xFFFFF000  }
0x97: {  	[tilespmem:s3], [sflag:$0x2] =	stream.linear.gather [hbm4b:s0+s3], $0x80, $0x38;
	[tilespmem:$0x1080] =	vst v63  }
0x98: {  	_ =	swait.ge [sflag:s4], $0x80  }
0x99: {  	[sflag:s4] =	ssyncset.done $0x0  }
0x9a: {  	[sflag:s4] =	ssyncadd.s32 $0xFFFFFF80  }
0x9b: {  	[tilespmem:s7], [sflag:$0x1] =	stream.indirect.gather [hbm4b:s5+s6], $0x80, s3, s6, $0xb8;
	[tilespmem:$0x1080] =	vst v63  }
0x9c: {  	_ =	swait.ge [sflag:s8], $0x1000  }
0x9d: {  	[sflag:s8] =	ssyncset.done $0x0  }
0x9e: {  	[sflag:s8] =	ssyncadd.s32 $0xFFFFF000  }
0x9f: {  	[hbm4b:s9+s3] =	stream.linear.scatter [tilespmem:s7], [sflag:$0x2], $0x1000, $0x38;
	[tilespmem:$0x1080] =	vst v63  }
0xa0: {  	_ =	swait.ge [sflag:s4], $0x1000  }
0xa1: {  	[sflag:s4] =	ssyncset.done $0x0  }
0xa2: {  	[sflag:s4] =	ssyncadd.s32 $0xFFFFF000  }
0xa3: {  	[tilespmem:s7], [sflag:$0x1] =	stream.indirect.gather [hbm4b:s10+s6], $0x80, s3, s6, $0xb8;
	[tilespmem:$0x1080] =	vst v63  }
0xa4: {  	_ =	swait.ge [sflag:s8], $0x1000  }
0xa5: {  	[sflag:s8] =	ssyncset.done $0x0  }
0xa6: {  	[sflag:s8] =	ssyncadd.s32 $0xFFFFF000  }
0xa7: {  	[hbm4b:s11+s3] =	stream.linear.scatter [tilespmem:s7], [sflag:$0x2], $0x1000, $0x38;
	[tilespmem:$0x1080] =	vst v63  }
0xa8: {  	_ =	swait.ge [sflag:s4], $0x1000  }
0xa9: {  	[sflag:s4] =	ssyncset.done $0x0  }
0xaa: {  	[sflag:s4] =	ssyncadd.s32 $0xFFFFF000  }
0xab: {  	[tilespmem:s7], [sflag:$0x1] =	stream.indirect.gather [hbm4b:s12+s6], $0x80, s3, s6, $0xb8;
	[tilespmem:$0x1080] =	vst v63  }
0xac: {  	_ =	swait.ge [sflag:s8], $0x1000  }
0xad: {  	[sflag:s8] =	ssyncset.done $0x0  }
0xae: {  	[sflag:s8] =	ssyncadd.s32 $0xFFFFF000  }
0xaf: {  	[hbm4b:s13+s3] =	stream.linear.scatter [tilespmem:s7], [sflag:$0x2], $0x1000, $0x38;
	[tilespmem:$0x1080] =	vst v63  }
0xb0: {  	_ =	swait.ge [sflag:s4], $0x1000  }
0xb1: {  	[sflag:s4] =	ssyncset.done $0x0  }
0xb2: {  	[sflag:s4] =	ssyncadd.s32 $0xFFFFF000  }
0xb3: {  	[tilespmem:s7], [sflag:$0x1] =	stream.indirect.gather [hbm4b:s5+s6], $0x80, s6, s6, $0xb8;
	[tilespmem:$0x1080] =	vst v63  }
0xb4: {  	_ =	swait.ge [sflag:s8], $0x1000  }
0xb5: {  	[sflag:s8] =	ssyncset.done $0x0  }
0xb6: {  	[sflag:s8] =	ssyncadd.s32 $0xFFFFF000  }
0xb7: {  	[hbm4b:s14+s3] =	stream.linear.scatter [tilespmem:s7], [sflag:$0x2], $0x1000, $0x38;
	[tilespmem:$0x1080] =	vst v63  }
0xb8: {  	_ =	swait.ge [sflag:s4], $0x1000  }
0xb9: {  	[sflag:s4] =	ssyncset.done $0x0  }
0xba: {  	[sflag:s4] =	ssyncadd.s32 $0xFFFFF000  }
0xbb: {  	[tilespmem:s7], [sflag:$0x1] =	stream.indirect.gather [hbm4b:s10+s6], $0x80, s6, s6, $0xb8;
	[tilespmem:$0x1080] =	vst v63  }
0xbc: {  	_ =	swait.ge [sflag:s8], $0x1000  }
0xbd: {  	[sflag:s8] =	ssyncset.done $0x0  }
0xbe: {  	[sflag:s8] =	ssyncadd.s32 $0xFFFFF000  }
0xbf: {  	[hbm4b:s15+s3] =	stream.linear.scatter [tilespmem:s7], [sflag:$0x2], $0x1000, $0x38;
	[tilespmem:$0x1080] =	vst v63  }
0xc0: {  	_ =	swait.ge [sflag:s4], $0x1000  }
0xc1: {  	[sflag:s4] =	ssyncset.done $0x0  }
0xc2: {  	[sflag:s4] =	ssyncadd.s32 $0xFFFFF000  }
0xc3: {  	[tilespmem:s7], [sflag:$0x1] =	stream.indirect.gather [hbm4b:s12+s6], $0x80, s6, s6, $0xb8;
	[tilespmem:$0x1080] =	vst v63  }
0xc4: {  	_ =	swait.ge [sflag:s8], $0x1000  }
0xc5: {  	[sflag:s8] =	ssyncset.done $0x0  }
0xc6: {  	[sflag:s8] =	ssyncadd.s32 $0xFFFFF000  }
0xc7: {  	[hbm4b:s16+s3] =	stream.linear.scatter [tilespmem:s7], [sflag:$0x2], $0x1000, $0x38;
	[tilespmem:$0x1080] =	vst v63  }
0xc8: {  	_ =	swait.ge [sflag:s4], $0x1000  }
0xc9: {  	[sflag:s4] =	ssyncset.done $0x0  }
0xca: {  	[sflag:s4] =	ssyncadd.s32 $0xFFFFF000  }
0xcb: {  	[tilespmem:s7], [sflag:$0x1] =	stream.indirect.gather [hbm4b:s5+s6], $0x80, s17, s6, $0xb8;
	[tilespmem:$0x1080] =	vst v63  }
0xcc: {  	_ =	swait.ge [sflag:s8], $0x1000  }
0xcd: {  	[sflag:s8] =	ssyncset.done $0x0  }
0xce: {  	[sflag:s8] =	ssyncadd.s32 $0xFFFFF000  }
0xcf: {  	[hbm4b:s18+s3] =	stream.linear.scatter [tilespmem:s7], [sflag:$0x2], $0x1000, $0x38;
	[tilespmem:$0x1080] =	vst v63  }
0xd0: {  	_ =	swait.ge [sflag:s4], $0x1000  }
0xd1: {  	[sflag:s4] =	ssyncset.done $0x0  }
0xd2: {  	[sflag:s4] =	ssyncadd.s32 $0xFFFFF000  }
0xd3: {  	[tilespmem:s7], [sflag:$0x1] =	stream.indirect.gather [hbm4b:s10+s6], $0x80, s17, s6, $0xb8;
	[tilespmem:$0x1080] =	vst v63  }
0xd4: {  	_ =	swait.ge [sflag:s8], $0x1000  }
0xd5: {  	[sflag:s8] =	ssyncset.done $0x0  }
0xd6: {  	[sflag:s8] =	ssyncadd.s32 $0xFFFFF000  }
0xd7: {  	[hbm4b:s19+s3] =	stream.linear.scatter [tilespmem:s7], [sflag:$0x2], $0x1000, $0x38;
	[tilespmem:$0x1080] =	vst v63  }
0xd8: {  	_ =	swait.ge [sflag:s4], $0x1000  }
0xd9: {  	[sflag:s4] =	ssyncset.done $0x0  }
0xda: {  	[sflag:s4] =	ssyncadd.s32 $0xFFFFF000  }
0xdb: {  	[tilespmem:s7], [sflag:$0x1] =	stream.indirect.gather [hbm4b:s12+s6], $0x80, s17, s6, $0xb8;
	[tilespmem:$0x1080] =	vst v63  }
0xdc: {  	_ =	swait.ge [sflag:s8], $0x1000  }
0xdd: {  	[sflag:s8] =	ssyncset.done $0x0  }
0xde: {  	[sflag:s8] =	ssyncadd.s32 $0xFFFFF000  }
0xdf: {  	[hbm4b:s20+s3] =	stream.linear.scatter [tilespmem:s7], [sflag:$0x2], $0x1000, $0x38;
	[tilespmem:$0x1080] =	vst v63  }
0xe0: {  	_ =	swait.ge [sflag:s4], $0x1000  }
0xe1: {  	[sflag:s4] =	ssyncset.done $0x0  }
0xe2: {  	[sflag:s4] =	ssyncadd.s32 $0xFFFFF000  }
0xe3: {  	[tilespmem:s7], [sflag:$0x1] =	stream.indirect.gather [hbm4b:s5+s6], $0x80, s21, s6, $0xb8;
	[tilespmem:$0x1080] =	vst v63  }
0xe4: {  	_ =	swait.ge [sflag:s8], $0x1000  }
0xe5: {  	[sflag:s8] =	ssyncset.done $0x0  }
0xe6: {  	[sflag:s8] =	ssyncadd.s32 $0xFFFFF000  }
0xe7: {  	[hbm4b:s22+s3] =	stream.linear.scatter [tilespmem:s7], [sflag:$0x2], $0x1000, $0x38;
	[tilespmem:$0x1080] =	vst v63  }
0xe8: {  	_ =	swait.ge [sflag:s4], $0x1000  }
0xe9: {  	[sflag:s4] =	ssyncset.done $0x0  }
0xea: {  	[sflag:s4] =	ssyncadd.s32 $0xFFFFF000  }
0xeb: {  	[tilespmem:s7], [sflag:$0x1] =	stream.indirect.gather [hbm4b:s10+s6], $0x80, s21, s6, $0xb8;
	[tilespmem:$0x1080] =	vst v63  }
0xec: {  	_ =	swait.ge [sflag:s8], $0x1000  }
0xed: {  	[sflag:s8] =	ssyncset.done $0x0  }
0xee: {  	[sflag:s8] =	ssyncadd.s32 $0xFFFFF000  }
0xef: {  	[hbm4b:s23+s3] =	stream.linear.scatter [tilespmem:s7], [sflag:$0x2], $0x1000, $0x38;
	[tilespmem:$0x1080] =	vst v63  }
0xf0: {  	_ =	swait.ge [sflag:s4], $0x1000  }
0xf1: {  	[sflag:s4] =	ssyncset.done $0x0  }
0xf2: {  	[sflag:s4] =	ssyncadd.s32 $0xFFFFF000  }
0xf3: {  	[tilespmem:s7], [sflag:$0x1] =	stream.indirect.gather [hbm4b:s12+s6], $0x80, s21, s6, $0xb8;
	[tilespmem:$0x1080] =	vst v63  }
0xf4: {  	_ =	swait.ge [sflag:s8], $0x1000  }
0xf5: {  	[sflag:s8] =	ssyncset.done $0x0  }
0xf6: {  	[sflag:s8] =	ssyncadd.s32 $0xFFFFF000  }
0xf7: {  	[hbm4b:s24+s3] =	stream.linear.scatter [tilespmem:s7], [sflag:$0x2], $0x1000, $0x38;
	[tilespmem:$0x1080] =	vst v63  }
0xf8: {  	_ =	swait.ge [sflag:s4], $0x1000  }
0xf9: {  	[sflag:s4] =	ssyncset.done $0x0  }
0xfa: {  	[sflag:s4] =	ssyncadd.s32 $0xFFFFF000  }
0xfb: {  	[tilespmem:s3], [sflag:$0x2] =	stream.linear.gather [hbm4b:s25+s3], $0x80, $0x38;
	[tilespmem:$0x1080] =	vst v63  }
0xfc: {  	_ =	swait.ge [sflag:s4], $0x80  }
0xfd: {  	[sflag:s4] =	ssyncset.done $0x0  }
0xfe: {  	[sflag:s4] =	ssyncadd.s32 $0xFFFFFF80  }
0xff: {  	[tilespmem:s7], [sflag:$0x1] =	stream.indirect.gather [hbm4b:s2+s6], $0x80, s3, s6, $0xb8;
	[tilespmem:$0x1080] =	vst v63  }
0x100: {  	_ =	swait.ge [sflag:s8], $0x1000  }
0x101: {  	[sflag:s8] =	ssyncset.done $0x0  }
0x102: {  	[sflag:s8] =	ssyncadd.s32 $0xFFFFF000  }
0x103: {  	[hbm4b:s26+s3] =	stream.linear.scatter [tilespmem:s7], [sflag:$0x2], $0x1000, $0x38;
	[tilespmem:$0x1080] =	vst v63  }
0x104: {  	_ =	swait.ge [sflag:s4], $0x1000  }
0x105: {  	[sflag:s4] =	ssyncset.done $0x0  }
0x106: {  	[sflag:s4] =	ssyncadd.s32 $0xFFFFF000  }
0x107: {  	[tilespmem:s7], [sflag:$0x1] =	stream.indirect.gather [hbm4b:s2+s6], $0x80, s6, s6, $0xb8;
	[tilespmem:$0x1080] =	vst v63  }
0x108: {  	_ =	swait.ge [sflag:s8], $0x1000  }
0x109: {  	[sflag:s8] =	ssyncset.done $0x0  }
0x10a: {  	[sflag:s8] =	ssyncadd.s32 $0xFFFFF000  }
0x10b: {  	[hbm4b:s28+s3] =	stream.linear.scatter [tilespmem:s7], [sflag:$0x2], $0x1000, $0x38;
	[tilespmem:$0x1080] =	vst v63  }
0x10c: {  	_ =	swait.ge [sflag:s4], $0x1000  }
0x10d: {  	[sflag:s4] =	ssyncset.done $0x0  }
0x10e: {  	[sflag:s4] =	ssyncadd.s32 $0xFFFFF000  }
0x10f: {  	[tilespmem:s7], [sflag:$0x1] =	stream.indirect.gather [hbm4b:s2+s6], $0x80, s17, s6, $0xb8;
	[tilespmem:$0x1080] =	vst v63  }
0x110: {  	_ =	swait.ge [sflag:s8], $0x1000  }
0x111: {  	[sflag:s8] =	ssyncset.done $0x0  }
0x112: {  	[sflag:s8] =	ssyncadd.s32 $0xFFFFF000  }
0x113: {  	[hbm4b:s29+s3] =	stream.linear.scatter [tilespmem:s7], [sflag:$0x2], $0x1000, $0x38;
	[tilespmem:$0x1080] =	vst v63  }
0x114: {  	_ =	swait.ge [sflag:s4], $0x1000  }
0x115: {  	[sflag:s4] =	ssyncset.done $0x0  }
0x116: {  	p0 =	sne.s32 s31, $0x1;
	[sflag:s4] =	ssyncadd.s32 $0xFFFFF000  }
0x117: {  	[tilespmem:s7], [sflag:$0x1] =	stream.indirect.gather [hbm4b:s2+s6], $0x80, s21, s6, $0xb8;
	[tilespmem:$0x1080] =	vst v63  }
.Ltmp1:
0x118: {  	_ =	swait.ge [sflag:s8], $0x1000;
	(pc) =	sbr.rel @p0 .LBB2_1-.Ltmp1, $4  }
0x119: {  	[sflag:s8] =	ssyncset.done $0x0  }
0x11a: {  	[sflag:s8] =	ssyncadd.s32 $0xFFFFF000  }
0x11b: {  	[hbm4b:s30+s3] =	stream.linear.scatter [tilespmem:s7], [sflag:$0x2], $0x1000, $0x38;
	[tilespmem:$0x1080] =	vst v63  }
0x11c: {  	s31 =	sadd.s32 $0xFFFFFFFF, s31;
	_ =	swait.ge [sflag:s4], $0x1000  }
.LBB2_2:
0x11d: {  	[sflag:s4] =	ssyncset.done $0x0  }
0x11e: {  	[sflag:s4] =	ssyncadd.s32 $0xFFFFF000  }
0x11f: {  	_ =	sfence.sel $0x180000  }
0x120: {  	[bflag:$0x0] =	sbarrier.arrive $0xFFFF  }
0x121: {  	_ =	strace $0x9000004D  }
0x122: {  	s0 =	stileid.u32;
	[bflag:$0x2] =	sbarrier.arrive $0xFFFF  }
0x123: {  	p0 =	sne.s32 s0, $0x0;
	s0 =	rddreg [dreg:$0x4]  }
0x124: {  	s0 =	sadd.s32 @!p0 $0x100000, s0  }
0x125: {  	[sflag:s0] =	ssyncadd.tile.s32 @!p0 $0x1;
	_ =	shalt  }
.Lfunc_end2:
_tile_overlayer_lowered:
.L_overlay_start_2:
0x126: {  	(tag) =	ssettag $0x2  }
0x127: {  	s0 =	rddreg [dreg:$0x0];
	s2 =	stileid.u32  }
0x128: {  	s1 =	rddreg [dreg:$0x1];
	p0 =	sne.s32 s2, $0x0  }
0x129: {  	s3 =	rddreg [dreg:$0x2];
	[bflag:$0x3] =	sbarrier.arrive $0xFFFF;
	s2 =	simm.s32 @!p0 $0x1C02  }
0x12a: {  	[timem:s3], [sflag:s2] =	dma.local @!p0 [hbm:s0], s1  }
0x12b: {  	s0 =	simm.s32 @!p0 $0x2  }
0x12c: {  	_ =	swait.ge @!p0 [sflag:s0], s1  }
0x12d: {  	s1 =	ssub.s32 @!p0 $0x0, s1;
	[sflag:s0] =	ssyncset.done @!p0 $0x0  }
0x12e: {  	[sflag:s0] =	ssyncadd.s32 @!p0 s1  }
0x12f: {  	[bflag:$0x3] =	sbarrier.arrive $0xFFFF  }
0x130: {  	_ =	shalt  }

// kernel: kernel.9.cloned.1.call-start
scs
__scs_entry_jumppad:
0x0: {  	(pc) =	sbr.rel $0x88, $3  }
0x1: {  	(tag) =	ssettag $0x0;
	lr =	simm.s32 $0x1  }
0x2: {  	[smem:$0x3F98] =	sst lr;
	_ =	strace $0xD0000000  }
0x3: {  	_ = 	snop  }
0x4: {  	_ = 	snop  }
0x5: {  	_ = 	snop  }
0x6: {  	_ = 	snop  }
0x7: {  	_ = 	snop  }
__scs_overlays_trampoline_lowered:
0x8: {  	[smem:$0x3FA7] =	sst s0  }
0x9: {  	[smem:$0x3FA8] =	sst s1  }
0xa: {  	[smem:$0x3FA9] =	sst s2  }
0xb: {  	[smem:$0x3FAA] =	sst s3  }
0xc: {  	[smem:$0x3FAB] =	sst s4  }
0xd: {  	[smem:$0x3FAC] =	sst s5  }
0xe: {  	[smem:$0x3FAD] =	sst s6  }
0xf: {  	[smem:$0x3FAE] =	sst s7  }
0x10: {  	[smem:$0x3FAF] =	sst s8  }
0x11: {  	[smem:$0x3FB0] =	sst s9;
	s0 =	simm.s32 @!p0 $0x0  }
0x12: {  	s1 =	sld [smem:$0x3F96];
	s0 =	simm.s32 @p0 $0x1  }
0x13: {  	[smem:$0x3FB1] =	sst s0;
	s0 =	simm.s32 @!p1 $0x0  }
0x14: {  	s2 =	sld [smem:$0x3F95];
	s0 =	simm.s32 @p1 $0x1  }
0x15: {  	[smem:$0x3FB2] =	sst s0;
	s0 =	simm.s32 @!p2 $0x0  }
0x16: {  	s3 =	sld [smem:$0x3FDB];
	s0 =	simm.s32 @p2 $0x1  }
0x17: {  	s4 =	simm.s32 $0x1BF5;
	[smem:$0x3FB4] =	sst s0  }
0x18: {  	s0 =	sld [smem:$0x3F97];
	_ =	swait.ge [sflag:s4], $0x0  }
0x19: {  	s7 =	sld [smem:$0x3F98]  }
0x1a: {  	s8 =	sadd.s32 $0xFFFFE003, lr  }
0x1b: {  	s9 =	sadd.s32 $0xFFFFFEF7, lr;
	s5 =	simm.s32 $0xFFFFFFFF;
	p2 =	slt.u32 s8, $0xFFFFF086  }
0x1c: {  	p1 =	slt.u32 s9, $0xF7A;
	s5 =	simm.s32 @!p2 $0x0  }
0x1d: {  	s5 =	simm.s32 @p1 $0x1;
	p0 =	seq.s32 s7, s2  }
0x1e: {  	s7 =	smul.u32 @!p0 $0xF7A, s2;
	p2 =	seq.s32 @!p0 s5, $0x0  }
0x1f: {  	s9 =	smul.u32 $0xF7A, s1;
	s8 =	simm.s32 @!p0 $0x1BF5;
	p2 =	por !p2, p0  }
0x20: {  	[sflag:s8] =	ssyncset.s32 @!p0 $0xFFFFF086;
	s6 =	sadd.s32 @!p0 s3, s7;
	s7 =	simm.s32 @!p0 $0x108  }
0x21: {  	s3 =	sadd.s32 s3, s9;
	s6 =	sadd.s32 @!p0 $0x88, s6;
	s7 =	simm.s32 @p2 $0x1082  }
0x22: {  	[simem:s7], [sflag:s8] =	dma.local @!p0 [hbm:s6], $0xF7A  }
0x23: {  	s9 =	sor.u32 $0xD0000000, s2;
	s6 =	simm.s32 $0x108;
	_ =	swait.ge @!p0 [sflag:s8], $0x0  }
0x24: {  	s3 =	sadd.s32 $0x88, s3;
	s6 =	simm.s32 @!p1 $0x1082;
	[sflag:s4] =	ssyncset.s32 $0xFFFFF086  }
0x25: {  	[simem:s6], [sflag:s4] =	dma.local [hbm:s3], $0xF7A  }
0x26: {  	[smem:$0x3F98] =	sst s1;
	(tag) =	ssettag s2;
	_ =	strace s9  }
0x27: {  	s1 =	sld [smem:$0x3FA8]  }
0x28: {  	s2 =	sld [smem:$0x3FA9]  }
0x29: {  	s4 =	sld [smem:$0x3FAB]  }
0x2a: {  	p0 =	seq.s32 s5, $0x0;
	s5 =	sld [smem:$0x3FAC]  }
0x2b: {  	s6 =	sld [smem:$0x3FAD]  }
0x2c: {  	s7 =	sld [smem:$0x3FAE]  }
0x2d: {  	s3 =	simm.s32 $0x108;
	s8 =	sld [smem:$0x3FAF]  }
0x2e: {  	s3 =	simm.s32 @!p0 $0x1082;
	s9 =	sld [smem:$0x3FB0]  }
0x2f: {  	lr =	sadd.s32 s0, s3;
	s0 =	sld [smem:$0x3FA7]  }
0x30: {  	s3 =	sld [smem:$0x3FAA]  }
0x31: {  	[smem:$0x3FB3] =	sst s10  }
0x32: {  	s10 =	sld [smem:$0x3FB1];
	_ =	sdelay $0x3  }
0x33: {  	p0 =	seq.s32 s10, $0x1;
	s10 =	sld [smem:$0x3FB3];
	_ =	sdelay $0x3  }
0x34: {  	[smem:$0x3FB3] =	sst s10  }
0x35: {  	s10 =	sld [smem:$0x3FB2];
	_ =	sdelay $0x3  }
0x36: {  	p1 =	seq.s32 s10, $0x1;
	s10 =	sld [smem:$0x3FB3];
	_ =	sdelay $0x3  }
0x37: {  	[smem:$0x3FB3] =	sst s10  }
0x38: {  	s10 =	sld [smem:$0x3FB4]  }
0x39: {  	_ = 	snop;
	(pc) =	sbr.ind lr, $3  }
0x3a: {  	_ = 	snop  }
0x3b: {  	_ = 	snop  }
0x3c: {  	p2 =	seq.s32 s10, $0x1;
	s10 =	sld [smem:$0x3FB3]  }
0x3d: {  	_ =	shalt  }
0x3e: {  	_ =	shalt  }
0x3f: {  	_ =	shalt  }
0x40: {  	_ =	shalt  }
0x41: {  	_ =	shalt  }
0x42: {  	_ =	shalt  }
0x43: {  	_ =	shalt  }
0x44: {  	_ =	shalt  }
0x45: {  	_ =	shalt  }
0x46: {  	_ =	shalt  }
0x47: {  	_ =	shalt  }
0x48: {  	_ =	shalt  }
0x49: {  	_ =	shalt  }
0x4a: {  	_ =	shalt  }
0x4b: {  	_ =	shalt  }
0x4c: {  	_ =	shalt  }
0x4d: {  	_ =	shalt  }
0x4e: {  	_ =	shalt  }
0x4f: {  	_ =	shalt  }
0x50: {  	_ =	shalt  }
0x51: {  	_ =	shalt  }
0x52: {  	_ =	shalt  }
0x53: {  	_ =	shalt  }
0x54: {  	_ =	shalt  }
0x55: {  	_ =	shalt  }
0x56: {  	_ =	shalt  }
0x57: {  	_ =	shalt  }
0x58: {  	_ =	shalt  }
0x59: {  	_ =	shalt  }
0x5a: {  	_ =	shalt  }
0x5b: {  	_ =	shalt  }
0x5c: {  	_ =	shalt  }
0x5d: {  	_ =	shalt  }
0x5e: {  	_ =	shalt  }
0x5f: {  	_ =	shalt  }
0x60: {  	_ =	shalt  }
0x61: {  	_ =	shalt  }
0x62: {  	_ =	shalt  }
0x63: {  	_ =	shalt  }
0x64: {  	_ =	shalt  }
0x65: {  	_ =	shalt  }
0x66: {  	_ =	shalt  }
0x67: {  	_ =	shalt  }
0x68: {  	_ =	shalt  }
0x69: {  	_ =	shalt  }
0x6a: {  	_ =	shalt  }
0x6b: {  	_ =	shalt  }
0x6c: {  	_ =	shalt  }
0x6d: {  	_ =	shalt  }
0x6e: {  	_ =	shalt  }
0x6f: {  	_ =	shalt  }
0x70: {  	_ =	shalt  }
0x71: {  	_ =	shalt  }
0x72: {  	_ =	shalt  }
0x73: {  	_ =	shalt  }
0x74: {  	_ =	shalt  }
0x75: {  	_ =	shalt  }
0x76: {  	_ =	shalt  }
0x77: {  	_ =	shalt  }
0x78: {  	_ =	shalt  }
0x79: {  	_ =	shalt  }
0x7a: {  	_ =	shalt  }
0x7b: {  	_ =	shalt  }
0x7c: {  	_ =	shalt  }
0x7d: {  	_ =	shalt  }
0x7e: {  	_ =	shalt  }
0x7f: {  	_ =	shalt  }
0x80: {  	_ =	shalt  }
0x81: {  	_ =	shalt  }
0x82: {  	_ =	shalt  }
0x83: {  	_ =	shalt  }
0x84: {  	_ =	shalt  }
0x85: {  	_ =	shalt  }
0x86: {  	_ =	shalt  }
0x87: {  	_ =	shalt  }
.Lfunc_end0:
.L_simem_size_0:
called_computation_lowered:
.L_overlay_start_0:
0x88: {  	s2 =	sld [smem:$0x3FD9]  }
0x89: {  	s3 =	sld [smem:$0x3FFE];
	_ =	sdelay $0x1  }
0x8a: {  	s1 =	srdreg.scid  }
0x8b: {  	s0 =	sand.u32 $0x1, s1  }
0x8c: {  	s16 =	sshll.u32 s0, $0xA;
	s2 =	sadd.s32 s3, s2  }
0x8d: {  	s2 =	sadd.s32 s2, s16  }
0x8e: {  	[smem:$0x3FBF] =	sst s2  }
0x8f: {  	_ = 	snop  }
0x90: {  	(tm) =	ssettm $0x1  }
0x91: {  	s17 =	sld [smem:$0x3FFB];
	_ =	sdelay $0x3  }
0x92: {  	_ =	strace s17  }
0x93: {  	s2 =	sld [smem:$0x3FFC];
	_ =	sdelay $0x3  }
0x94: {  	_ =	strace s2  }
0x95: {  	s2 =	sld [smem:$0x3FFD];
	_ =	sdelay $0x3  }
0x96: {  	_ =	strace s2  }
0x97: {  	_ =	strace $0x8FFFFFFF  }
0x98: {  	s18 =	sld [smem:$0x3FDB];
	_ =	sdelay $0x1  }
0x99: {  	s19 =	simm.s32 $_scs_section_size  }
0x9a: {  	s4 =	simm.s32 $_size__tile_overlayer_lowered;
	s5 =	simm.s32 $_tile_overlayer_lowered  }
0x9b: {  	s22 =	simm.s32 $0x1BFF;
	s21 =	sshll.u32 s5, $0x1;
	s2 =	sadd.s32 s19, s18  }
0x9c: {  	s6 =	simm.s32 $0x0;
	s20 =	sshll.u32 s4, $0x1;
	s4 =	sadd.s32 s21, s2  }
0x9d: {  	[timem:s6], [sflag:s22] =	dma.local [hbm:s4], s20  }
0x9e: {  	_ =	swait.ge [sflag:s22], s20  }
0x9f: {  	s3 =	ssub.s32 $0x0, s20;
	[sflag:s22] =	ssyncset.done $0x0  }
0xa0: {  	[sflag:s22] =	ssyncadd.s32 s3;
	_ =	sdelay $0x1  }
0xa1: {  	s23 =	simm.s32 $0x1B8B  }
0xa2: {  	_ =	swait.ge [sflag:s23], $0x1  }
0xa3: {  	[sflag:s23] =	ssyncset.done $0x0  }
0xa4: {  	s25 =	simm.s32 $0x1B8E;
	s24 =	sld [smem:$0x3FFE];
	[sflag:s23] =	ssyncadd.s32 $0xFFFFFFFF  }
0xa5: {  	s26 =	simm.s32 $execute0_lowered;
	[smem:$0x3FD2] =	sst s25  }
0xa6: {  	s4 =	sshll.u32 s26, $0x1;
	_ =	strace $0x80000046;
	[dreg:$0x1] =	wrdreg $0xFFFFFFFF  }
0xa7: {  	s28 =	simm.s32 $_size_execute0_lowered;
	s2 =	sadd.s32 s2, s4;
	[dreg:$0x0] =	wrdreg $0x0  }
0xa8: {  	s4 =	sshll.u32 s28, $0x1;
	[dreg:$0x2] =	wrdreg s2  }
0xa9: {  	[dreg:$0x3] =	wrdreg s4  }
0xaa: {  	[dreg:$0x4] =	wrdreg $0xC0  }
0xab: {  	_ =	task [dreg:s6], $0x5FFFF  }
0xac: {  	[dreg:$0x1] =	wrdreg $0xFFFFFFFF  }
0xad: {  	[dreg:$0x0] =	wrdreg $0x60  }
0xae: {  	[dreg:$0x2] =	wrdreg s24  }
0xaf: {  	[dreg:$0x3] =	wrdreg $0x0  }
0xb0: {  	[dreg:$0x4] =	wrdreg $0x9  }
0xb1: {  	_ =	task.clear_ibuf [dreg:s6], $0x5FFFF;
	_ =	strace $0x90000046  }
0xb2: {  	s29 =	simm.s32 $0x9;
	_ =	strace $0x80000048  }
0xb3: {  	_ =	swait.ge [sflag:s29], $0x1  }
0xb4: {  	[sflag:s29] =	ssyncadd.s32 $0xFFFFFFFF  }
0xb5: {  	_ =	strace $0x90000048  }
0xb6: {  	_ =	sfence  }
0xb7: {  	s30 =	sld [smem:$0x0];
	_ =	sdelay $0x2  }
0xb8: {  	s31 =	sshll.u32 s1, $0xD;
	s1 =	sshrl.u32 s1, $0x2  }
0xb9: {  	s3 =	sand.u32 $0x4000, s31;
	s1 =	sadd.s32 s1, s30  }
0xba: {  	s0 =	sor.u32 s3, s0;
	s1 =	sshll.u32 s1, $0x11  }
0xbb: {  	s0 =	sor.u32 s1, s0  }
0xbc: {  	s0 =	sadd.s32 $0x8F2B, s0  }
0xbd: {  	[sflag:s0] =	ssyncadd.remote.s32 $0x1  }
0xbe: {  	_ =	sfence.sel $0xFFFF  }
0xbf: {  	[dreg:$0x0] =	wrdreg $0xFFFFFFFF;
	(pc) =	sbr.abs _section_cstart, $3  }
0xc0: {  	[dreg:$0x1] =	wrdreg $0xFFFFFFFF  }
0xc1: {  	_ =	task.clear_ibuf [dreg:s6], $0x2FFFF;
	_ =	strace $0x9FFFFFFF  }
0xc2: {  	(tm) =	ssettm $0x7FFFFFFF  }
0xc3: {  	_ =	shalt  }
tec
execute0_lowered:
.L_overlay_start_1:
0x0: {  	(tag) =	ssettag $0x1  }
0x1: {  	s0 =	rddreg [dreg:$0x0]  }
0x2: {  	s1 =	rddreg [dreg:$0x1];
	s3 =	simm.s32 $0x0  }
0x3: {  	s2 =	stileid.u32;
	s7 =	srdreg.scid;
	s28 =	simm.s32 $0x50  }
0x4: {  	s29 =	simm.s32 $0x13C80;
	s30 =	simm.s32 $0x1;
	s31 =	simm.s32 $0x5  }
0x5: {  	[smem:$0x7FF] =	sst s3;
	s4 =	sadd.s32 $0x2600, s0;
	s8 =	smul.u32 $0x2700, s2  }
0x6: {  	s5 =	sadd.s32 $0xC400, s0;
	s6 =	sadd.s32 $0x16200, s0;
	s9 =	smul.u32 $0x4E000, s2  }
0x7: {  	s10 =	sand.u32 $0x1, s7;
	s12 =	sadd.s32 $0x8B800, s0;
	s19 =	smul.u32 $0x13800, s2  }
0x8: {  	s26 =	sadd.s32 $0x3AB00, s0;
	s22 =	smul.u32 $0x2710, s2;
	_ =	strace $0x80000047  }
0x9: {  	s7 =	ssub.s32 $0x2, s10;
	s14 =	sshll.u32 s10, $0x4;
	s17 =	smul.u32 $0x138800, s10  }
0xa: {  	p3 =	seq.s32 s10, $0x1;
	[dreg:$0x4] =	wrdreg s26;
	s10 =	smul.u32 $0x27100, s10  }
0xb: {  	s11 =	sadd.s32 s8, s0;
	s13 =	sshrl.u32 s7, $0x1;
	s25 =	sor.u32 s2, s14  }
0xc: {  	s9 =	sshrl.u32 s9, $0x2;
	s8 =	sadd.s32 s6, s8;
	s0 =	sadd.s32 $0x88F00, s0  }
0xd: {  	p1 =	seq.s32 @p3 s2, $0xF;
	p4 =	seq.s32 @!p3 s2, $0xF;
	s13 =	ssub.s32 s7, s13  }
0xe: {  	s14 =	smul.u32 $0x2710, s25;
	s7 =	sadd.s32 s9, s1;
	[dreg:$0x3] =	wrdreg s8  }
0xf: {  	s9 =	sadd.s32 $0x124800, s1;
	s15 =	sadd.s32 $0x64600, s11;
	[dreg:$0x6] =	wrdreg s0  }
0x10: {  	s21 =	sadd.s32 s19, s17;
	s11 =	sshrl.u32 s17, $0x3;
	s26 =	sadd.s32 s22, s10  }
0x11: {  	p0 =	por !p1, !p3;
	p1 =	por p1, !p3;
	p2 =	por !p4, p3  }
0x12: {  	p3 =	por p4, p3;
	s22 =	simm.s32 $0x13880;
	p4 =	seq.s32 s2, $0xF  }
0x13: {  	s10 =	simm.s32 $0x8;
	[dreg:$0x5] =	wrdreg s15;
	s11 =	sadd.s32 s12, s11  }
0x14: {  	s25 =	smax.u32 s13, $0x1;
	s16 =	sshrl.u32 s14, $0x3;
	s24 =	sadd.s32 $0x24900, s11  }
0x15: {  	[dreg:$0xd] =	wrdreg s25;
	s25 =	simm.s32 $0x6;
	s11 =	simm.s32 $0x0  }
0x16: {  	s18 =	sadd.s32 $0xA, s16;
	s15 =	sadd.s32 s4, s16;
	[dreg:$0xc] =	wrdreg s24  }
0x17: {  	s8 =	sadd.s32 s5, s16;
	s24 =	simm.s32 $0x2;
	[dreg:$0x7] =	wrdreg s15  }
0x18: {  	s20 =	sadd.s32 s4, s18;
	[dreg:$0x9] =	wrdreg s8;
	s8 =	sshrl.u32 s21, $0x3  }
0x19: {  	s0 =	sadd.s32 s5, s18;
	s21 =	sshrl.u32 @!p0 s9, $0x3;
	[dreg:$0x8] =	wrdreg s20  }
0x1a: {  	[dreg:$0xa] =	wrdreg s0;
	s23 =	sadd.s32 s12, s8;
	s0 =	sadd.s32 $0xF0, s26  }
0x1b: {  	s26 =	simm.s32 $0x3;
	s8 =	simm.s32 $0x7;
	[dreg:$0xb] =	wrdreg s23  }
0x1c: {  	[dreg:$0xe] =	wrdreg s0;
	s0 =	simm.s32 $0x4;
	s23 =	simm.s32 $0x16480  }
.LBB2_1:
0x1d: {  	s12 =	simm.s32 @!p0 $0x1FC9;
	s13 =	rddreg [dreg:$0x6]  }
0x1e: {  	[spmem:s21], [sflag:s12] =	dma.local @!p0 [hbm:s13], $0x2800  }
0x1f: {  	s12 =	simm.s32 @!p0 $0x9  }
0x20: {  	_ =	swait.ge @!p0 [sflag:s12], $0x2800  }
0x21: {  	s14 =	sshll.u32 @!p1 s2, $0x6;
	[sflag:s12] =	ssyncset.done @!p0 $0x0;
	s13 =	rddreg [dreg:$0x5]  }
0x22: {  	[sflag:s12] =	ssyncadd.s32 @!p0 $0xFFFFD800;
	s12 =	sor.u32 @!p1 $0x1C09, s14;
	s14 =	sshrl.u32 @!p1 s7, $0x3  }
0x23: {  	[spmem:s14], [sflag:s12] =	dma.local @!p1 [hbm:s13], $0x2700  }
0x24: {  	s12 =	simm.s32 @!p1 $0x9  }
0x25: {  	_ =	swait.ge @!p1 [sflag:s12], $0x2700  }
0x26: {  	s14 =	simm.s32 @!p2 $0x1FC9;
	[sflag:s12] =	ssyncset.done @!p1 $0x0  }
0x27: {  	s13 =	rddreg [dreg:$0x4];
	[sflag:s12] =	ssyncadd.s32 @!p1 $0xFFFFD900;
	s12 =	sshrl.u32 @!p2 s9, $0x3  }
0x28: {  	[spmem:s12], [sflag:s14] =	dma.local @!p2 [hbm:s13], $0x2800  }
0x29: {  	s12 =	simm.s32 @!p2 $0x9  }
0x2a: {  	_ =	swait.ge @!p2 [sflag:s12], $0x2800  }
0x2b: {  	s14 =	sshll.u32 @!p3 s2, $0x6;
	[sflag:s12] =	ssyncset.done @!p2 $0x0;
	s13 =	rddreg [dreg:$0x3]  }
0x2c: {  	[sflag:s12] =	ssyncadd.s32 @!p2 $0xFFFFD800;
	s12 =	sor.u32 @!p3 $0x1C09, s14;
	s14 =	sshrl.u32 @!p3 s7, $0x3  }
0x2d: {  	[spmem:s14], [sflag:s12] =	dma.local @!p3 [hbm:s13], $0x2700  }
0x2e: {  	s12 =	simm.s32 @!p3 $0x9  }
0x2f: {  	_ =	swait.ge @!p3 [sflag:s12], $0x2700  }
0x30: {  	[sflag:s12] =	ssyncset.done @!p3 $0x0  }
0x31: {  	[sflag:s12] =	ssyncadd.s32 @!p3 $0xFFFFD900  }
0x32: {  	[bflag:$0x0] =	sbarrier.arrive $0xFFFF  }
0x33: {  	s14 =	rddreg [dreg:$0x7]  }
0x34: {  	[tilespmem:s22], [sflag:$0x3] =	stream.linear.gather [hbm4b:s14+s3], $0x50, $0x38;
	[tilespmem:$0x18C80] =	vst v63  }
0x35: {  	s16 =	simm.s32 $0x13980;
	s15 =	rddreg [dreg:$0x8]  }
0x36: {  	[tilespmem:s16], [sflag:$0x4] =	stream.linear.gather [hbm4b:s15+s3], $0x50, $0x38;
	[tilespmem:$0x18C80] =	vst v63  }
0x37: {  	s18 =	simm.s32 $0x13A80;
	s17 =	rddreg [dreg:$0x9]  }
0x38: {  	[tilespmem:s18], [sflag:$0x5] =	stream.linear.gather [hbm4b:s17+s3], $0x50, $0x38;
	[tilespmem:$0x18C80] =	vst v63  }
0x39: {  	s20 =	simm.s32 $0x13B80;
	s19 =	rddreg [dreg:$0xa]  }
0x3a: {  	[tilespmem:s20], [sflag:$0x6] =	stream.linear.gather [hbm4b:s19+s3], $0x50, $0x38;
	[tilespmem:$0x18C80] =	vst v63  }
.Ltmp0:
0x3b: {  	_ = 	snop;
	(pc) =	sbr.rel .LBB2_2-.Ltmp0, $4  }
0x3c: {  	_ =	swait.ge [sflag:s26], $0x50  }
0x3d: {  	s12 =	simm.s32 $0x0;
	[sflag:s26] =	ssyncset.done $0x0  }
0x3e: {  	s14 =	simm.s32 $0x0;
	s20 =	rddreg [dreg:$0xe];
	[sflag:s26] =	ssyncadd.s32 $0xFFFFFFB0  }
0x3f: {  	[tilespmem:s29], [sflag:$0x1] =	stream.indirect.gather [hbm4b:s6+s28], $0x80, s22, s28, $0xb8;
	[tilespmem:$0x18C80] =	vst v63  }
.LBB2_3:
0x40: {  	s13 =	sshrl.u32 s20, $0x3  }
0x41: {  	s17 =	sadd.s32 $0x13980, s16;
	p5 =	seq.s32 s14, $0x0;
	s18 =	sadd.s32 s4, s13  }
0x42: {  	[tilespmem:s17], [sflag:$0x4] =	stream.linear.gather [hbm4b:s18+s3], $0x50, $0x38;
	[tilespmem:$0x18C80] =	vst v63  }
0x43: {  	s17 =	simm.s32 @!p5 $0x8  }
0x44: {  	_ =	swait.ge @!p5 [sflag:s17], $0x2800  }
0x45: {  	[sflag:s17] =	ssyncset.done @!p5 $0x0  }
0x46: {  	s19 =	sadd.s32 $0x13B80, s16;
	s13 =	sadd.s32 s5, s13;
	[sflag:s17] =	ssyncadd.s32 @!p5 $0xFFFFD800  }
0x47: {  	[tilespmem:s19], [sflag:$0x6] =	stream.linear.gather [hbm4b:s13+s3], $0x50, $0x38;
	[tilespmem:$0x18C80] =	vst v63  }
.LBB2_5:
0x48: {  	_ =	swait.ge [sflag:s0], $0x50  }
0x49: {  	[sflag:s0] =	ssyncset.done $0x0  }
0x4a: {  	s13 =	sadd.s32 $0x13980, s15;
	[sflag:s0] =	ssyncadd.s32 $0xFFFFFFB0  }
0x4b: {  	[tilespmem:s23], [sflag:$0x2] =	stream.indirect.gather [hbm4b:s6+s28], $0x80, s13, s28, $0xb8;
	[tilespmem:$0x18C80] =	vst v63  }
0x4c: {  	_ =	swait.ge [sflag:s24], $0x2800  }
0x4d: {  	[sflag:s24] =	ssyncset.done $0x0  }
0x4e: {  	[sflag:s24] =	ssyncadd.s32 $0xFFFFD800  }
0x4f: {  	_ =	swait.ge [sflag:s25], $0x50  }
0x50: {  	[sflag:s25] =	ssyncset.done $0x0  }
0x51: {  	s19 =	sadd.s32 $0x13B80, s15;
	[sflag:s25] =	ssyncadd.s32 $0xFFFFFFB0  }
0x52: {  	[spmem:s1] =	stream.indirect.scatter.add.f32 [tilespmem:s23], [sflag:$0x8], $0x80, s19, s28, $0xb8;
	[tilespmem:$0x18C80] =	vst v63  }
.LBB2_7:
0x53: {  	_ =	swait.ge [sflag:s8], $0x2800  }
0x54: {  	[sflag:s8] =	ssyncset.done $0x0  }
0x55: {  	[sflag:s8] =	ssyncadd.s32 $0xFFFFD800  }
0x56: {  	s13 =	sxor.u32 $0x80, s15;
	_ =	swait.ge [sflag:s26], $0x50  }
0x57: {  	s14 =	sadd.s32 $0x1, s14;
	s20 =	sadd.s32 $0xA0, s20;
	[sflag:s26] =	ssyncset.done $0x0  }
0x58: {  	s12 =	sadd.s32 $0x80, s12;
	s13 =	sadd.s32 $0x13880, s13;
	[sflag:s26] =	ssyncadd.s32 $0xFFFFFFB0  }
0x59: {  	[tilespmem:s29], [sflag:$0x1] =	stream.indirect.gather [hbm4b:s6+s28], $0x80, s13, s28, $0xb8;
	[tilespmem:$0x18C80] =	vst v63  }
.LBB2_2:
0x5a: {  	_ =	swait.ge [sflag:s30], $0x2800  }
0x5b: {  	[sflag:s30] =	ssyncset.done $0x0  }
0x5c: {  	[sflag:s30] =	ssyncadd.s32 $0xFFFFD800  }
0x5d: {  	s15 =	sand.u32 $0x80, s12;
	p5 =	seq.s32 s14, $0x3E;
	_ =	swait.ge [sflag:s31], $0x50  }
0x5e: {  	s16 =	sadd.s32 $0x13A80, s15;
	p6 =	sgt.u32 @!p5 s14, $0x3C;
	[sflag:s31] =	ssyncset.done $0x0  }
0x5f: {  	s17 =	sadd.s32 @!p5 $0xFFFFFFB0, s20;
	p6 =	por p5, p6;
	[sflag:s31] =	ssyncadd.s32 $0xFFFFFFB0  }
0x60: {  	[spmem:s1] =	stream.indirect.scatter.add.f32 [tilespmem:s29], [sflag:$0x7], $0x80, s16, s28, $0xb8;
	[tilespmem:$0x18C80] =	vst v63  }
.Ltmp1:
0x61: {  	s17 =	sshrl.u32 @!p5 s17, $0x3;
	s16 =	sxor.u32 @!p5 $0x80, s15;
	(pc) =	sbr.rel @!p6 .LBB2_3-.Ltmp1, $4  }
0x62: {  	s13 =	simm.s32 @!p5 $0x0;
	s19 =	sadd.s32 @!p5 s4, s17;
	s18 =	sadd.s32 @!p5 $0x13880, s16  }
0x63: {  	[tilespmem:s18], [sflag:$0x3] =	stream.linear.gather @!p5 [hbm4b:s19+s13], $0x50, $0x38;
	[tilespmem:$0x18C80] =	vst v63  }
0x64: {  	s17 =	sadd.s32 @!p5 s5, s17;
	s18 =	sadd.s32 @!p5 $0x13A80, s16  }
0x65: {  	[tilespmem:s18], [sflag:$0x5] =	stream.linear.gather @!p5 [hbm4b:s17+s13], $0x50, $0x38;
	[tilespmem:$0x18C80] =	vst v63  }
0x66: {  	p6 =	sgt.u32 s14, $0x3D  }
.Ltmp2:
0x67: {  	_ = 	snop;
	(pc) =	sbr.rel @!p6 .LBB2_5-.Ltmp2, $4  }
0x68: {  	_ = 	snop  }
0x69: {  	_ =	swait.ge [sflag:s10], $0x2800  }
0x6a: {  	[sflag:s10] =	ssyncset.done $0x0  }
0x6b: {  	[sflag:s10] =	ssyncadd.s32 $0xFFFFD800  }
.Ltmp3:
0x6c: {  	(pc) =	sbr.rel @!p5 .LBB2_7-.Ltmp3, $1  }
0x6d: {  	_ =	sdelay $0x3  }
0x6e: {  	_ =	swait.ge [sflag:s8], $0x2800  }
0x6f: {  	[sflag:s8] =	ssyncset.done $0x0  }
0x70: {  	[sflag:s8] =	ssyncadd.s32 $0xFFFFD800  }
0x71: {  	[bflag:$0x0] =	sbarrier.arrive $0xFFFF  }
0x72: {  	s12 =	sshrl.u32 @p4 s9, $0x3;
	s13 =	simm.s32 @p4 $0x1FC9;
	s14 =	rddreg [dreg:$0xc]  }
0x73: {  	[hbm:s14], [sflag:s13] =	dma.local @p4 [spmem:s12], $0x2800  }
0x74: {  	s12 =	simm.s32 @p4 $0x9  }
0x75: {  	_ =	swait.ge @p4 [sflag:s12], $0x2800  }
0x76: {  	s13 =	sshll.u32 @!p4 s2, $0x6;
	[sflag:s12] =	ssyncset.done @p4 $0x0;
	s14 =	rddreg [dreg:$0xb]  }
0x77: {  	[sflag:s12] =	ssyncadd.s32 @p4 $0xFFFFD800;
	s12 =	sor.u32 @!p4 $0x1C09, s13;
	s13 =	sshrl.u32 @!p4 s7, $0x3  }
0x78: {  	[hbm:s14], [sflag:s12] =	dma.local @!p4 [spmem:s13], $0x2700  }
0x79: {  	s12 =	simm.s32 @!p4 $0x9  }
0x7a: {  	_ =	swait.ge @!p4 [sflag:s12], $0x2700  }
0x7b: {  	s11 =	sadd.s32 $0x1, s11;
	s20 =	rddreg [dreg:$0xd]  }
0x7c: {  	p5 =	sne.s32 s11, s20  }
.Ltmp4:
0x7d: {  	_ = 	snop;
	(pc) =	sbr.rel @p5 .LBB2_1-.Ltmp4, $3  }
0x7e: {  	_ =	sdelay $0x1  }
0x7f: {  	[sflag:s12] =	ssyncset.done @!p4 $0x0  }
0x80: {  	[sflag:s12] =	ssyncadd.s32 @!p4 $0xFFFFD900  }
0x81: {  	_ =	sfence.sel $0x180000  }
0x82: {  	[bflag:$0x0] =	sbarrier.arrive $0xFFFF  }
0x83: {  	_ =	strace $0x90000047  }
0x84: {  	[bflag:$0x2] =	sbarrier.arrive $0xFFFF  }
0x85: {  	p0 =	sne.s32 s2, $0x0;
	s0 =	rddreg [dreg:$0x2]  }
0x86: {  	s0 =	sadd.s32 @!p0 $0x100000, s0  }
0x87: {  	[sflag:s0] =	ssyncadd.tile.s32 @!p0 $0x1;
	_ =	shalt  }
.Lfunc_end2:
_tile_overlayer_lowered:
.L_overlay_start_2:
0x88: {  	(tag) =	ssettag $0x2  }
0x89: {  	s0 =	rddreg [dreg:$0x0];
	s2 =	stileid.u32  }
0x8a: {  	s1 =	rddreg [dreg:$0x1];
	p0 =	sne.s32 s2, $0x0  }
0x8b: {  	s3 =	rddreg [dreg:$0x2];
	[bflag:$0x3] =	sbarrier.arrive $0xFFFF;
	s2 =	simm.s32 @!p0 $0x1C09  }
0x8c: {  	[timem:s3], [sflag:s2] =	dma.local @!p0 [hbm:s0], s1  }
0x8d: {  	s0 =	simm.s32 @!p0 $0x9  }
0x8e: {  	_ =	swait.ge @!p0 [sflag:s0], s1  }
0x8f: {  	s1 =	ssub.s32 @!p0 $0x0, s1;
	[sflag:s0] =	ssyncset.done @!p0 $0x0  }
0x90: {  	[sflag:s0] =	ssyncadd.s32 @!p0 s1  }
0x91: {  	[bflag:$0x3] =	sbarrier.arrive $0xFFFF  }
0x92: {  	_ =	shalt  }

</sc_bundles>
